<compile_context>
chip_gen: v7x
topology: tpu7x:2x2x1
jax: 0.10.2.dev20260603
libtpu: 0.0.44.dev20260713+nightly
codegen_flags: <defaults>
</compile_context>

<pallas_src>
import functools

import jax
import jax.numpy as jnp
from jax import lax
from jax.experimental import pallas as pl
from jax.experimental.pallas import tpu as pltpu
from jax.experimental.pallas import tpu_sc as plsc

T = 2048
D = 1024
F = 512
E = 64
K = 8

BT = 512
NB = T * K // BT + E
NBT = NB * BT
CT = 256
NC_T = T // CT

D2 = D // 2

SC_NC = 2
SC_NS = 16
NW = SC_NC * SC_NS
TPW = T // NW


def _unpack_halves(xi):
    lo = lax.bitcast_convert_type(xi << 16, jnp.float32)
    hi = lax.bitcast_convert_type(xi & jnp.int32(-65536), jnp.float32)
    return lo, hi


def _pack_halves(lo, hi):
    li = lax.bitcast_convert_type(lo, jnp.int32)
    hi_ = lax.bitcast_convert_type(hi, jnp.int32)
    lo16 = ((li + 32768) >> 16) & jnp.int32(65535)
    hi16 = (hi_ + 32768) & jnp.int32(-65536)
    return hi16 | lo16



def _frontend_body(x_ref, wr_ref, pos_ref, wts_ref, be_ref, xp_ref,
                   carry, cw_s, m_s, p_s, poff_s):
    c = pl.program_id(0)

    @pl.when(c == 0)
    def _():
        carry[...] = jnp.zeros_like(carry)

    @pl.when(c < NC_T)
    def _router_step():
        xp_ref[...] = _pack_halves(x_ref[:, :D2], x_ref[:, D2:])
        logits = jnp.dot(x_ref[...], wr_ref[...], preferred_element_type=jnp.float32)
        mx = jnp.max(logits, axis=1, keepdims=True)
        ex = jnp.exp(logits - mx)
        probs = ex / jnp.sum(ex, axis=1, keepdims=True)

        iot = lax.broadcasted_iota(jnp.int32, (CT, E), 1)
        wrk = probs
        for _ in range(K):
            mxv = jnp.max(wrk, axis=1, keepdims=True)
            cand = jnp.where(wrk == mxv, iot, E)
            amin = jnp.min(cand, axis=1, keepdims=True)
            wrk = jnp.where(iot == amin, -1.0, wrk)
        msel = (wrk < 0).astype(jnp.float32)

        rows = pl.ds(c * CT, CT)
        cw_s[rows, :] = probs * msel
        m_s[rows, :] = msel

        r_i = lax.broadcasted_iota(jnp.int32, (CT, CT), 0)
        c_i = lax.broadcasted_iota(jnp.int32, (CT, CT), 1)
        ltri = (r_i >= c_i).astype(jnp.float32)
        csum = jnp.dot(ltri, msel, preferred_element_type=jnp.float32)
        base = carry[0:1, :]
        p_s[rows, :] = base + csum - msel
        carry[0:1, :] = base + csum[CT - 1 : CT, :]

    @pl.when(c == NC_T)
    def _offsets_step():
        cnt = jnp.broadcast_to(carry[0:1, :], (8, E))
        pc = jnp.floor((cnt + (BT - 1)) * (1.0 / BT)) * BT
        r_i = lax.broadcasted_iota(jnp.int32, (E, E), 0)
        c_i = lax.broadcasted_iota(jnp.int32, (E, E), 1)
        ustrict = (r_i < c_i).astype(jnp.float32)
        poff = jnp.dot(pc, ustrict, preferred_element_type=jnp.float32)
        poff_s[...] = poff
        ends = poff[0:1, :] + pc[0:1, :]
        bstart = lax.broadcasted_iota(jnp.int32, (NB, 1), 0).astype(jnp.float32) * BT
        le = (jnp.broadcast_to(ends, (NB, E)) <= bstart).astype(jnp.float32)
        be = jnp.sum(le, axis=1, keepdims=True)
        be_ref[...] = jnp.broadcast_to(be, (NB, 128)).astype(jnp.int32)

    @pl.when(c > NC_T)
    def _pos_step():
        rows = pl.ds((c - NC_T - 1) * CT, CT)
        msel = m_s[rows, :]
        r_i = lax.broadcasted_iota(jnp.int32, (E, E), 0)
        c_i = lax.broadcasted_iota(jnp.int32, (E, E), 1)
        ustrict = (r_i < c_i).astype(jnp.float32)
        slot = jnp.dot(msel, ustrict, preferred_element_type=jnp.float32)
        pos64 = poff_s[0:1, :] + p_s[rows, :]
        cw = cw_s[rows, :]
        for j in range(K):
            mj = msel * (slot == j).astype(jnp.float32)
            pos_ref[:, j : j + 1] = jnp.sum(
                pos64 * mj, axis=1, keepdims=True
            ).astype(jnp.int32)
            wts_ref[:, j : j + 1] = jnp.sum(cw * mj, axis=1, keepdims=True)


def _frontend(x, w_router):
    return pl.pallas_call(
        _frontend_body,
        grid=(2 * NC_T + 1,),
        in_specs=[
            pl.BlockSpec((CT, D), lambda c: (jnp.minimum(c, NC_T - 1), 0)),
            pl.BlockSpec((D, E), lambda c: (0, 0)),
        ],
        out_specs=[
            pl.BlockSpec((CT, K), lambda c: (jnp.clip(c - NC_T - 1, 0, NC_T - 1), 0)),
            pl.BlockSpec((CT, K), lambda c: (jnp.clip(c - NC_T - 1, 0, NC_T - 1), 0)),
            pl.BlockSpec((NB, 128), lambda c: (0, 0)),
            pl.BlockSpec((CT, D2), lambda c: (jnp.minimum(c, NC_T - 1), 0)),
        ],
        out_shape=[
            jax.ShapeDtypeStruct((T, K), jnp.int32),
            jax.ShapeDtypeStruct((T, K), jnp.float32),
            jax.ShapeDtypeStruct((NB, 128), jnp.int32),
            jax.ShapeDtypeStruct((T, D2), jnp.int32),
        ],
        scratch_shapes=[
            pltpu.VMEM((8, E), jnp.float32),
            pltpu.VMEM((T, E), jnp.float32),
            pltpu.VMEM((T, E), jnp.float32),
            pltpu.VMEM((T, E), jnp.float32),
            pltpu.VMEM((8, E), jnp.float32),
        ],
    )(x, w_router)



@functools.lru_cache(maxsize=None)
def _sc_kernels():
    mesh = plsc.VectorSubcoreMesh(core_axis_name="c", subcore_axis_name="s")

    idx_scratch = [pltpu.VMEM((TPW,), jnp.int32) for _ in range(K)]

    @functools.partial(
        pl.kernel,
        mesh=mesh,
        out_type=jax.ShapeDtypeStruct((NBT, D2), jnp.int32),
        scratch_types=[
            pltpu.VMEM((TPW, D2), jnp.int32),
            *idx_scratch,
            pltpu.SemaphoreType.DMA,
            pltpu.SemaphoreType.DMA,
        ],
    )
    def _dispatch_sc(x_hbm, posf_hbm, xs_hbm, xv, *rest):
        idxs, (isem, sem) = rest[:K], rest[K:]
        wid = lax.axis_index("s") * SC_NC + lax.axis_index("c")
        base = wid * TPW
        pltpu.sync_copy(x_hbm.at[pl.ds(base, TPW)], xv)
        icps = [
            pltpu.async_copy(posf_hbm.at[pl.ds(k * T + base, TPW)], idxs[k], isem)
            for k in range(K)
        ]
        copies = []
        for k in range(K):
            icps[k].wait()
            copies.append(pltpu.async_copy(xv, xs_hbm.at[idxs[k]], sem))
        for cp in copies:
            cp.wait()

    @functools.partial(
        pl.kernel,
        mesh=mesh,
        out_type=jax.ShapeDtypeStruct((K, T, D2), jnp.int32),
        scratch_types=[
            pltpu.VMEM((TPW, D2), jnp.int32),
            pltpu.VMEM((TPW, D2), jnp.int32),
            *idx_scratch,
            pltpu.SemaphoreType.DMA,
            pltpu.SemaphoreType.DMA,
            pltpu.SemaphoreType.DMA,
        ],
    )
    def _gather_sc(y_hbm, posf_hbm, yg_hbm, gb0, gb1, *rest):
        idxs, (isem, gsem, wsem) = rest[:K], rest[K:]
        wid = lax.axis_index("s") * SC_NC + lax.axis_index("c")
        base = wid * TPW
        icps = [
            pltpu.async_copy(posf_hbm.at[pl.ds(k * T + base, TPW)], idxs[k], isem)
            for k in range(K)
        ]
        gbufs = (gb0, gb1)
        wcps = [None, None]
        for k in range(K):
            b = k % 2
            icps[k].wait()
            if wcps[b] is not None:
                wcps[b].wait()
            pltpu.async_copy(y_hbm.at[idxs[k]], gbufs[b], gsem).wait()
            wcps[b] = pltpu.async_copy(
                gbufs[b], yg_hbm.at[k, pl.ds(base, TPW)], wsem
            )
        for w in wcps:
            w.wait()

    return _dispatch_sc, _gather_sc



def _ffn_body(be_ref, xs_ref, w1_ref, w2_ref, y_ref):
    @pl.when(be_ref[pl.program_id(0)] < E)
    def _():
        lo, hi = _unpack_halves(xs_ref[...])
        h = jnp.maximum(
            jnp.dot(lo, w1_ref[0, :D2, :], preferred_element_type=jnp.float32)
            + jnp.dot(hi, w1_ref[0, D2:, :], preferred_element_type=jnp.float32),
            0.0,
        )
        y = jnp.dot(h, w2_ref[0], preferred_element_type=jnp.float32)
        y_ref[...] = _pack_halves(y[:, :D2], y[:, D2:])


def _ffn(be, xs, w1, w2):
    grid_spec = pltpu.PrefetchScalarGridSpec(
        num_scalar_prefetch=1,
        grid=(NB,),
        in_specs=[
            pl.BlockSpec((BT, D2), lambda b, be: (jnp.where(be[b] < E, b, 0), 0)),
            pl.BlockSpec((1, D, F), lambda b, be: (jnp.minimum(be[b], E - 1), 0, 0)),
            pl.BlockSpec((1, F, D), lambda b, be: (jnp.minimum(be[b], E - 1), 0, 0)),
        ],
        out_specs=pl.BlockSpec((BT, D2), lambda b, be: (jnp.where(be[b] < E, b, NB - 1), 0)),
    )
    return pl.pallas_call(
        _ffn_body,
        grid_spec=grid_spec,
        out_shape=jax.ShapeDtypeStruct((NBT, D2), jnp.int32),
    )(be, xs, w1, w2)



def _combine_body(yg_ref, w_ref, o_ref):
    lo, hi = _unpack_halves(yg_ref[0])
    acc_lo = w_ref[:, 0:1] * lo
    acc_hi = w_ref[:, 0:1] * hi
    for k in range(1, K):
        lo, hi = _unpack_halves(yg_ref[k])
        acc_lo = acc_lo + w_ref[:, k : k + 1] * lo
        acc_hi = acc_hi + w_ref[:, k : k + 1] * hi
    o_ref[:, :D2] = acc_lo
    o_ref[:, D2:] = acc_hi


def _combine(yg, wts):
    return pl.pallas_call(
        _combine_body,
        grid=(NC_T,),
        in_specs=[
            pl.BlockSpec((K, CT, D2), lambda c: (0, c, 0)),
            pl.BlockSpec((CT, K), lambda c: (c, 0)),
        ],
        out_specs=pl.BlockSpec((CT, D), lambda c: (c, 0)),
        out_shape=jax.ShapeDtypeStruct((T, D), jnp.float32),
    )(yg, wts)



def kernel(x, W_router, w1, w2):
    pos, wts, be2d, xp = _frontend(x, W_router)
    posf = jnp.ravel(pos.T)
    be = be2d[:, 0]
    dispatch_sc, gather_sc = _sc_kernels()
    xs = dispatch_sc(xp, posf)
    y = _ffn(be, xs, w1, w2)
    yg = gather_sc(y, posf)
    return _combine(yg, wts)

# --- scband reference (transcript-rebuilt; emitter-appended) ---
"""Pipeline reference for scband-mo-ewith-deep-ep-47373489275009 (READ-ONLY COPY).

The authoritative reference and input builder live on the scoring server;
editing this copy changes nothing except your own understanding.
"""

import jax, jax.numpy as jnp
import numpy as np

T = 2048
D = 1024
F = 512
E = 64
K = 8

def setup_inputs(seed: int = 0) -> dict:
    key = jax.random.key(seed)
    k1, k2, k3, k4 = jax.random.split(key, 4)
    x = jax.random.normal(k1, (T, D), dtype=jnp.float32)
    W_router = jax.random.normal(k2, (D, E), dtype=jnp.float32) * 0.02
    w1 = jax.random.normal(k3, (E, D, F), dtype=jnp.float32) * 0.02
    w2 = jax.random.normal(k4, (E, F, D), dtype=jnp.float32) * 0.02
    return {"x": x, "W_router": W_router, "w1": w1, "w2": w2}

def reference(x, W_router, w1, w2):
    # Router: softmax scores, top-k expert selection (score applied AFTER experts,
    # matching score_before_experts=False)
    logits = x @ W_router
    scores = jax.nn.softmax(logits, axis=-1)
    topk_w, topk_idx = jax.lax.top_k(scores, K)
    out = jnp.zeros((T, D), dtype=x.dtype)
    for e in range(E):
        # per-token combine weight for expert e (zero if expert e not in token's top-k)
        we = jnp.sum(jnp.where(topk_idx == e, topk_w, jnp.zeros_like(topk_w)), axis=-1)
        he = jax.nn.relu(x @ w1[e])
        ye = he @ w2[e]
        out = out + we[:, None] * ye
    return out

if __name__ == "__main__":
    import jax
    _d = setup_inputs()
    print(jax.jit(kernel)(*tuple(_d.values())))

</pallas_src>

<mosaic_0001>
#map = affine_map<(d0, d1) -> (0, 0)>
#map1 = affine_map<(d0, d1) -> (0)>
module attributes {stable_mosaic.version = 14 : i64} {
  func.func @_dispatch_sc(%arg0: i32, %arg1: i32, %arg2: memref<2048x512xi32, #tpu.memory_space<hbm>>, %arg3: memref<16384xi32, #tpu.memory_space<hbm>>, %arg4: memref<49152x512xi32, #tpu.memory_space<hbm>>, %arg5: memref<64x512xi32, #tpu.memory_space<vmem>>, %arg6: memref<64xi32, #tpu.memory_space<vmem>>, %arg7: memref<64xi32, #tpu.memory_space<vmem>>, %arg8: memref<64xi32, #tpu.memory_space<vmem>>, %arg9: memref<64xi32, #tpu.memory_space<vmem>>, %arg10: memref<64xi32, #tpu.memory_space<vmem>>, %arg11: memref<64xi32, #tpu.memory_space<vmem>>, %arg12: memref<64xi32, #tpu.memory_space<vmem>>, %arg13: memref<64xi32, #tpu.memory_space<vmem>>, %arg14: memref<!tpu.dma_semaphore, #tpu.memory_space<semaphore_mem>>, %arg15: memref<!tpu.dma_semaphore, #tpu.memory_space<semaphore_mem>>) attributes {dimension_semantics = [#tpu.dimension_semantics<core_parallel>, #tpu.dimension_semantics<subcore_parallel>], iteration_bounds = array<i64: 2, 16>, scalar_prefetch = 0 : i64, scratch_operands = 11 : i64, tpu.core_type = #tpu.core_type<sc_vector_subcore>, window_params = [{transform_indices = #map}, {transform_indices = #map1}, {transform_indices = #map}]} {
    %mul3A = arith.constant 2 : i32
    %mul3A_0 = arith.muli %arg1, %mul3A : i32
    %add3A = arith.addi %mul3A_0, %arg0 : i32
    %mul3A_1 = arith.constant 64 : i32
    %mul3A_2 = arith.muli %add3A, %mul3A_1 : i32
    "tpu.region"() ({
      %run_scoped3A = tpu.sem_alloc : memref<!tpu.dma_semaphore, #tpu.memory_space<semaphore_mem>>
      %dma_start3A_97 = arith.constant 0 : i32
      %dma_start3A_98 = tpu.memref_slice %arg2[%mul3A_2, %dma_start3A_97] : memref<2048x512xi32, #tpu.memory_space<hbm>> -> memref<64x512xi32, #tpu.memory_space<hbm>>
      %dma_start3A_99 = arith.constant 0 : i32
      %dma_start3A_100 = tpu.memref_slice %arg2[%mul3A_2, %dma_start3A_99] : memref<2048x512xi32, #tpu.memory_space<hbm>> -> memref<64x512xi32, #tpu.memory_space<hbm>>
      tpu.enqueue_dma source(%dma_start3A_100 : memref<64x512xi32, #tpu.memory_space<hbm>>) target(%arg5 : memref<64x512xi32, #tpu.memory_space<vmem>>) target_semaphore(%run_scoped3A : memref<!tpu.dma_semaphore, #tpu.memory_space<semaphore_mem>>)
      %dma_wait3A_101 = arith.constant 0 : i32
      %dma_wait3A_102 = tpu.memref_slice %arg2[%mul3A_2, %dma_wait3A_101] : memref<2048x512xi32, #tpu.memory_space<hbm>> -> memref<64x512xi32, #tpu.memory_space<hbm>>
      %dma_wait3A_103 = arith.constant 0 : i32
      %dma_wait3A_104 = tpu.memref_slice %arg2[%mul3A_2, %dma_wait3A_103] : memref<2048x512xi32, #tpu.memory_space<hbm>> -> memref<64x512xi32, #tpu.memory_space<hbm>>
      tpu.wait_dma2 semaphore(%run_scoped3A : memref<!tpu.dma_semaphore, #tpu.memory_space<semaphore_mem>>) src(%dma_wait3A_104 : memref<64x512xi32, #tpu.memory_space<hbm>>) dst(%arg5 : memref<64x512xi32, #tpu.memory_space<vmem>>)
      tpu.yield
    }) : () -> ()
    %add3A_3 = arith.constant 0 : i32
    %add3A_4 = arith.addi %add3A_3, %mul3A_2 : i32
    %dma_start3A = tpu.memref_slice %arg3[%add3A_4] : memref<16384xi32, #tpu.memory_space<hbm>> -> memref<64xi32, #tpu.memory_space<hbm>>
    %dma_start3A_5 = tpu.memref_slice %arg3[%add3A_4] : memref<16384xi32, #tpu.memory_space<hbm>> -> memref<64xi32, #tpu.memory_space<hbm>>
    tpu.enqueue_dma source(%dma_start3A_5 : memref<64xi32, #tpu.memory_space<hbm>>) target(%arg6 : memref<64xi32, #tpu.memory_space<vmem>>) target_semaphore(%arg14 : memref<!tpu.dma_semaphore, #tpu.memory_space<semaphore_mem>>)
    %add3A_6 = arith.constant 2048 : i32
    %add3A_7 = arith.addi %add3A_6, %mul3A_2 : i32
    %dma_start3A_8 = tpu.memref_slice %arg3[%add3A_7] : memref<16384xi32, #tpu.memory_space<hbm>> -> memref<64xi32, #tpu.memory_space<hbm>>
    %dma_start3A_9 = tpu.memref_slice %arg3[%add3A_7] : memref<16384xi32, #tpu.memory_space<hbm>> -> memref<64xi32, #tpu.memory_space<hbm>>
    tpu.enqueue_dma source(%dma_start3A_9 : memref<64xi32, #tpu.memory_space<hbm>>) target(%arg7 : memref<64xi32, #tpu.memory_space<vmem>>) target_semaphore(%arg14 : memref<!tpu.dma_semaphore, #tpu.memory_space<semaphore_mem>>)
    %add3A_10 = arith.constant 4096 : i32
    %add3A_11 = arith.addi %add3A_10, %mul3A_2 : i32
    %dma_start3A_12 = tpu.memref_slice %arg3[%add3A_11] : memref<16384xi32, #tpu.memory_space<hbm>> -> memref<64xi32, #tpu.memory_space<hbm>>
    %dma_start3A_13 = tpu.memref_slice %arg3[%add3A_11] : memref<16384xi32, #tpu.memory_space<hbm>> -> memref<64xi32, #tpu.memory_space<hbm>>
    tpu.enqueue_dma source(%dma_start3A_13 : memref<64xi32, #tpu.memory_space<hbm>>) target(%arg8 : memref<64xi32, #tpu.memory_space<vmem>>) target_semaphore(%arg14 : memref<!tpu.dma_semaphore, #tpu.memory_space<semaphore_mem>>)
    %add3A_14 = arith.constant 6144 : i32
    %add3A_15 = arith.addi %add3A_14, %mul3A_2 : i32
    %dma_start3A_16 = tpu.memref_slice %arg3[%add3A_15] : memref<16384xi32, #tpu.memory_space<hbm>> -> memref<64xi32, #tpu.memory_space<hbm>>
    %dma_start3A_17 = tpu.memref_slice %arg3[%add3A_15] : memref<16384xi32, #tpu.memory_space<hbm>> -> memref<64xi32, #tpu.memory_space<hbm>>
    tpu.enqueue_dma source(%dma_start3A_17 : memref<64xi32, #tpu.memory_space<hbm>>) target(%arg9 : memref<64xi32, #tpu.memory_space<vmem>>) target_semaphore(%arg14 : memref<!tpu.dma_semaphore, #tpu.memory_space<semaphore_mem>>)
    %add3A_18 = arith.constant 8192 : i32
    %add3A_19 = arith.addi %add3A_18, %mul3A_2 : i32
    %dma_start3A_20 = tpu.memref_slice %arg3[%add3A_19] : memref<16384xi32, #tpu.memory_space<hbm>> -> memref<64xi32, #tpu.memory_space<hbm>>
    %dma_start3A_21 = tpu.memref_slice %arg3[%add3A_19] : memref<16384xi32, #tpu.memory_space<hbm>> -> memref<64xi32, #tpu.memory_space<hbm>>
    tpu.enqueue_dma source(%dma_start3A_21 : memref<64xi32, #tpu.memory_space<hbm>>) target(%arg10 : memref<64xi32, #tpu.memory_space<vmem>>) target_semaphore(%arg14 : memref<!tpu.dma_semaphore, #tpu.memory_space<semaphore_mem>>)
    %add3A_22 = arith.constant 10240 : i32
    %add3A_23 = arith.addi %add3A_22, %mul3A_2 : i32
    %dma_start3A_24 = tpu.memref_slice %arg3[%add3A_23] : memref<16384xi32, #tpu.memory_space<hbm>> -> memref<64xi32, #tpu.memory_space<hbm>>
    %dma_start3A_25 = tpu.memref_slice %arg3[%add3A_23] : memref<16384xi32, #tpu.memory_space<hbm>> -> memref<64xi32, #tpu.memory_space<hbm>>
    tpu.enqueue_dma source(%dma_start3A_25 : memref<64xi32, #tpu.memory_space<hbm>>) target(%arg11 : memref<64xi32, #tpu.memory_space<vmem>>) target_semaphore(%arg14 : memref<!tpu.dma_semaphore, #tpu.memory_space<semaphore_mem>>)
    %add3A_26 = arith.constant 12288 : i32
    %add3A_27 = arith.addi %add3A_26, %mul3A_2 : i32
    %dma_start3A_28 = tpu.memref_slice %arg3[%add3A_27] : memref<16384xi32, #tpu.memory_space<hbm>> -> memref<64xi32, #tpu.memory_space<hbm>>
    %dma_start3A_29 = tpu.memref_slice %arg3[%add3A_27] : memref<16384xi32, #tpu.memory_space<hbm>> -> memref<64xi32, #tpu.memory_space<hbm>>
    tpu.enqueue_dma source(%dma_start3A_29 : memref<64xi32, #tpu.memory_space<hbm>>) target(%arg12 : memref<64xi32, #tpu.memory_space<vmem>>) target_semaphore(%arg14 : memref<!tpu.dma_semaphore, #tpu.memory_space<semaphore_mem>>)
    %add3A_30 = arith.constant 14336 : i32
    %add3A_31 = arith.addi %add3A_30, %mul3A_2 : i32
    %dma_start3A_32 = tpu.memref_slice %arg3[%add3A_31] : memref<16384xi32, #tpu.memory_space<hbm>> -> memref<64xi32, #tpu.memory_space<hbm>>
    %dma_start3A_33 = tpu.memref_slice %arg3[%add3A_31] : memref<16384xi32, #tpu.memory_space<hbm>> -> memref<64xi32, #tpu.memory_space<hbm>>
    tpu.enqueue_dma source(%dma_start3A_33 : memref<64xi32, #tpu.memory_space<hbm>>) target(%arg13 : memref<64xi32, #tpu.memory_space<vmem>>) target_semaphore(%arg14 : memref<!tpu.dma_semaphore, #tpu.memory_space<semaphore_mem>>)
    %dma_wait3A = tpu.memref_slice %arg3[%add3A_4] : memref<16384xi32, #tpu.memory_space<hbm>> -> memref<64xi32, #tpu.memory_space<hbm>>
    %dma_wait3A_34 = tpu.memref_slice %arg3[%add3A_4] : memref<16384xi32, #tpu.memory_space<hbm>> -> memref<64xi32, #tpu.memory_space<hbm>>
    tpu.wait_dma2 semaphore(%arg14 : memref<!tpu.dma_semaphore, #tpu.memory_space<semaphore_mem>>) src(%dma_wait3A_34 : memref<64xi32, #tpu.memory_space<hbm>>) dst(%arg6 : memref<64xi32, #tpu.memory_space<vmem>>)
    %dma_start3A_35 = arith.constant 0 : i32
    %dma_start3A_36 = arith.constant 0 : i32
    %dma_start3A_37 = tpu.memref_slice %arg4[%dma_start3A_35, %dma_start3A_36] : memref<49152x512xi32, #tpu.memory_space<hbm>> -> memref<49152x512xi32, #tpu.memory_space<hbm>>
    tpu.enqueue_indirect_dma source(%arg5 : memref<64x512xi32, #tpu.memory_space<vmem>>) target(%dma_start3A_37 : memref<49152x512xi32, #tpu.memory_space<hbm>>) offsets(%arg6 : memref<64xi32, #tpu.memory_space<vmem>>) semaphore(%arg15 : memref<!tpu.dma_semaphore, #tpu.memory_space<semaphore_mem>>)
    %dma_wait3A_38 = tpu.memref_slice %arg3[%add3A_7] : memref<16384xi32, #tpu.memory_space<hbm>> -> memref<64xi32, #tpu.memory_space<hbm>>
    %dma_wait3A_39 = tpu.memref_slice %arg3[%add3A_7] : memref<16384xi32, #tpu.memory_space<hbm>> -> memref<64xi32, #tpu.memory_space<hbm>>
    tpu.wait_dma2 semaphore(%arg14 : memref<!tpu.dma_semaphore, #tpu.memory_space<semaphore_mem>>) src(%dma_wait3A_39 : memref<64xi32, #tpu.memory_space<hbm>>) dst(%arg7 : memref<64xi32, #tpu.memory_space<vmem>>)
    %dma_start3A_40 = arith.constant 0 : i32
    %dma_start3A_41 = arith.constant 0 : i32
    %dma_start3A_42 = tpu.memref_slice %arg4[%dma_start3A_40, %dma_start3A_41] : memref<49152x512xi32, #tpu.memory_space<hbm>> -> memref<49152x512xi32, #tpu.memory_space<hbm>>
    tpu.enqueue_indirect_dma source(%arg5 : memref<64x512xi32, #tpu.memory_space<vmem>>) target(%dma_start3A_42 : memref<49152x512xi32, #tpu.memory_space<hbm>>) offsets(%arg7 : memref<64xi32, #tpu.memory_space<vmem>>) semaphore(%arg15 : memref<!tpu.dma_semaphore, #tpu.memory_space<semaphore_mem>>)
    %dma_wait3A_43 = tpu.memref_slice %arg3[%add3A_11] : memref<16384xi32, #tpu.memory_space<hbm>> -> memref<64xi32, #tpu.memory_space<hbm>>
    %dma_wait3A_44 = tpu.memref_slice %arg3[%add3A_11] : memref<16384xi32, #tpu.memory_space<hbm>> -> memref<64xi32, #tpu.memory_space<hbm>>
    tpu.wait_dma2 semaphore(%arg14 : memref<!tpu.dma_semaphore, #tpu.memory_space<semaphore_mem>>) src(%dma_wait3A_44 : memref<64xi32, #tpu.memory_space<hbm>>) dst(%arg8 : memref<64xi32, #tpu.memory_space<vmem>>)
    %dma_start3A_45 = arith.constant 0 : i32
    %dma_start3A_46 = arith.constant 0 : i32
    %dma_start3A_47 = tpu.memref_slice %arg4[%dma_start3A_45, %dma_start3A_46] : memref<49152x512xi32, #tpu.memory_space<hbm>> -> memref<49152x512xi32, #tpu.memory_space<hbm>>
    tpu.enqueue_indirect_dma source(%arg5 : memref<64x512xi32, #tpu.memory_space<vmem>>) target(%dma_start3A_47 : memref<49152x512xi32, #tpu.memory_space<hbm>>) offsets(%arg8 : memref<64xi32, #tpu.memory_space<vmem>>) semaphore(%arg15 : memref<!tpu.dma_semaphore, #tpu.memory_space<semaphore_mem>>)
    %dma_wait3A_48 = tpu.memref_slice %arg3[%add3A_15] : memref<16384xi32, #tpu.memory_space<hbm>> -> memref<64xi32, #tpu.memory_space<hbm>>
    %dma_wait3A_49 = tpu.memref_slice %arg3[%add3A_15] : memref<16384xi32, #tpu.memory_space<hbm>> -> memref<64xi32, #tpu.memory_space<hbm>>
    tpu.wait_dma2 semaphore(%arg14 : memref<!tpu.dma_semaphore, #tpu.memory_space<semaphore_mem>>) src(%dma_wait3A_49 : memref<64xi32, #tpu.memory_space<hbm>>) dst(%arg9 : memref<64xi32, #tpu.memory_space<vmem>>)
    %dma_start3A_50 = arith.constant 0 : i32
    %dma_start3A_51 = arith.constant 0 : i32
    %dma_start3A_52 = tpu.memref_slice %arg4[%dma_start3A_50, %dma_start3A_51] : memref<49152x512xi32, #tpu.memory_space<hbm>> -> memref<49152x512xi32, #tpu.memory_space<hbm>>
    tpu.enqueue_indirect_dma source(%arg5 : memref<64x512xi32, #tpu.memory_space<vmem>>) target(%dma_start3A_52 : memref<49152x512xi32, #tpu.memory_space<hbm>>) offsets(%arg9 : memref<64xi32, #tpu.memory_space<vmem>>) semaphore(%arg15 : memref<!tpu.dma_semaphore, #tpu.memory_space<semaphore_mem>>)
    %dma_wait3A_53 = tpu.memref_slice %arg3[%add3A_19] : memref<16384xi32, #tpu.memory_space<hbm>> -> memref<64xi32, #tpu.memory_space<hbm>>
    %dma_wait3A_54 = tpu.memref_slice %arg3[%add3A_19] : memref<16384xi32, #tpu.memory_space<hbm>> -> memref<64xi32, #tpu.memory_space<hbm>>
    tpu.wait_dma2 semaphore(%arg14 : memref<!tpu.dma_semaphore, #tpu.memory_space<semaphore_mem>>) src(%dma_wait3A_54 : memref<64xi32, #tpu.memory_space<hbm>>) dst(%arg10 : memref<64xi32, #tpu.memory_space<vmem>>)
    %dma_start3A_55 = arith.constant 0 : i32
    %dma_start3A_56 = arith.constant 0 : i32
    %dma_start3A_57 = tpu.memref_slice %arg4[%dma_start3A_55, %dma_start3A_56] : memref<49152x512xi32, #tpu.memory_space<hbm>> -> memref<49152x512xi32, #tpu.memory_space<hbm>>
    tpu.enqueue_indirect_dma source(%arg5 : memref<64x512xi32, #tpu.memory_space<vmem>>) target(%dma_start3A_57 : memref<49152x512xi32, #tpu.memory_space<hbm>>) offsets(%arg10 : memref<64xi32, #tpu.memory_space<vmem>>) semaphore(%arg15 : memref<!tpu.dma_semaphore, #tpu.memory_space<semaphore_mem>>)
    %dma_wait3A_58 = tpu.memref_slice %arg3[%add3A_23] : memref<16384xi32, #tpu.memory_space<hbm>> -> memref<64xi32, #tpu.memory_space<hbm>>
    %dma_wait3A_59 = tpu.memref_slice %arg3[%add3A_23] : memref<16384xi32, #tpu.memory_space<hbm>> -> memref<64xi32, #tpu.memory_space<hbm>>
    tpu.wait_dma2 semaphore(%arg14 : memref<!tpu.dma_semaphore, #tpu.memory_space<semaphore_mem>>) src(%dma_wait3A_59 : memref<64xi32, #tpu.memory_space<hbm>>) dst(%arg11 : memref<64xi32, #tpu.memory_space<vmem>>)
    %dma_start3A_60 = arith.constant 0 : i32
    %dma_start3A_61 = arith.constant 0 : i32
    %dma_start3A_62 = tpu.memref_slice %arg4[%dma_start3A_60, %dma_start3A_61] : memref<49152x512xi32, #tpu.memory_space<hbm>> -> memref<49152x512xi32, #tpu.memory_space<hbm>>
    tpu.enqueue_indirect_dma source(%arg5 : memref<64x512xi32, #tpu.memory_space<vmem>>) target(%dma_start3A_62 : memref<49152x512xi32, #tpu.memory_space<hbm>>) offsets(%arg11 : memref<64xi32, #tpu.memory_space<vmem>>) semaphore(%arg15 : memref<!tpu.dma_semaphore, #tpu.memory_space<semaphore_mem>>)
    %dma_wait3A_63 = tpu.memref_slice %arg3[%add3A_27] : memref<16384xi32, #tpu.memory_space<hbm>> -> memref<64xi32, #tpu.memory_space<hbm>>
    %dma_wait3A_64 = tpu.memref_slice %arg3[%add3A_27] : memref<16384xi32, #tpu.memory_space<hbm>> -> memref<64xi32, #tpu.memory_space<hbm>>
    tpu.wait_dma2 semaphore(%arg14 : memref<!tpu.dma_semaphore, #tpu.memory_space<semaphore_mem>>) src(%dma_wait3A_64 : memref<64xi32, #tpu.memory_space<hbm>>) dst(%arg12 : memref<64xi32, #tpu.memory_space<vmem>>)
    %dma_start3A_65 = arith.constant 0 : i32
    %dma_start3A_66 = arith.constant 0 : i32
    %dma_start3A_67 = tpu.memref_slice %arg4[%dma_start3A_65, %dma_start3A_66] : memref<49152x512xi32, #tpu.memory_space<hbm>> -> memref<49152x512xi32, #tpu.memory_space<hbm>>
    tpu.enqueue_indirect_dma source(%arg5 : memref<64x512xi32, #tpu.memory_space<vmem>>) target(%dma_start3A_67 : memref<49152x512xi32, #tpu.memory_space<hbm>>) offsets(%arg12 : memref<64xi32, #tpu.memory_space<vmem>>) semaphore(%arg15 : memref<!tpu.dma_semaphore, #tpu.memory_space<semaphore_mem>>)
    %dma_wait3A_68 = tpu.memref_slice %arg3[%add3A_31] : memref<16384xi32, #tpu.memory_space<hbm>> -> memref<64xi32, #tpu.memory_space<hbm>>
    %dma_wait3A_69 = tpu.memref_slice %arg3[%add3A_31] : memref<16384xi32, #tpu.memory_space<hbm>> -> memref<64xi32, #tpu.memory_space<hbm>>
    tpu.wait_dma2 semaphore(%arg14 : memref<!tpu.dma_semaphore, #tpu.memory_space<semaphore_mem>>) src(%dma_wait3A_69 : memref<64xi32, #tpu.memory_space<hbm>>) dst(%arg13 : memref<64xi32, #tpu.memory_space<vmem>>)
    %dma_start3A_70 = arith.constant 0 : i32
    %dma_start3A_71 = arith.constant 0 : i32
    %dma_start3A_72 = tpu.memref_slice %arg4[%dma_start3A_70, %dma_start3A_71] : memref<49152x512xi32, #tpu.memory_space<hbm>> -> memref<49152x512xi32, #tpu.memory_space<hbm>>
    tpu.enqueue_indirect_dma source(%arg5 : memref<64x512xi32, #tpu.memory_space<vmem>>) target(%dma_start3A_72 : memref<49152x512xi32, #tpu.memory_space<hbm>>) offsets(%arg13 : memref<64xi32, #tpu.memory_space<vmem>>) semaphore(%arg15 : memref<!tpu.dma_semaphore, #tpu.memory_space<semaphore_mem>>)
    %dma_wait3A_73 = arith.constant 0 : i32
    %dma_wait3A_74 = arith.constant 0 : i32
    %dma_wait3A_75 = tpu.memref_slice %arg4[%dma_wait3A_73, %dma_wait3A_74] : memref<49152x512xi32, #tpu.memory_space<hbm>> -> memref<49152x512xi32, #tpu.memory_space<hbm>>
    tpu.wait_indirect_dma semaphore(%arg15 : memref<!tpu.dma_semaphore, #tpu.memory_space<semaphore_mem>>) src(%arg5 : memref<64x512xi32, #tpu.memory_space<vmem>>) dst(%dma_wait3A_75 : memref<49152x512xi32, #tpu.memory_space<hbm>>)
    %dma_wait3A_76 = arith.constant 0 : i32
    %dma_wait3A_77 = arith.constant 0 : i32
    %dma_wait3A_78 = tpu.memref_slice %arg4[%dma_wait3A_76, %dma_wait3A_77] : memref<49152x512xi32, #tpu.memory_space<hbm>> -> memref<49152x512xi32, #tpu.memory_space<hbm>>
    tpu.wait_indirect_dma semaphore(%arg15 : memref<!tpu.dma_semaphore, #tpu.memory_space<semaphore_mem>>) src(%arg5 : memref<64x512xi32, #tpu.memory_space<vmem>>) dst(%dma_wait3A_78 : memref<49152x512xi32, #tpu.memory_space<hbm>>)
    %dma_wait3A_79 = arith.constant 0 : i32
    %dma_wait3A_80 = arith.constant 0 : i32
    %dma_wait3A_81 = tpu.memref_slice %arg4[%dma_wait3A_79, %dma_wait3A_80] : memref<49152x512xi32, #tpu.memory_space<hbm>> -> memref<49152x512xi32, #tpu.memory_space<hbm>>
    tpu.wait_indirect_dma semaphore(%arg15 : memref<!tpu.dma_semaphore, #tpu.memory_space<semaphore_mem>>) src(%arg5 : memref<64x512xi32, #tpu.memory_space<vmem>>) dst(%dma_wait3A_81 : memref<49152x512xi32, #tpu.memory_space<hbm>>)
    %dma_wait3A_82 = arith.constant 0 : i32
    %dma_wait3A_83 = arith.constant 0 : i32
    %dma_wait3A_84 = tpu.memref_slice %arg4[%dma_wait3A_82, %dma_wait3A_83] : memref<49152x512xi32, #tpu.memory_space<hbm>> -> memref<49152x512xi32, #tpu.memory_space<hbm>>
    tpu.wait_indirect_dma semaphore(%arg15 : memref<!tpu.dma_semaphore, #tpu.memory_space<semaphore_mem>>) src(%arg5 : memref<64x512xi32, #tpu.memory_space<vmem>>) dst(%dma_wait3A_84 : memref<49152x512xi32, #tpu.memory_space<hbm>>)
    %dma_wait3A_85 = arith.constant 0 : i32
    %dma_wait3A_86 = arith.constant 0 : i32
    %dma_wait3A_87 = tpu.memref_slice %arg4[%dma_wait3A_85, %dma_wait3A_86] : memref<49152x512xi32, #tpu.memory_space<hbm>> -> memref<49152x512xi32, #tpu.memory_space<hbm>>
    tpu.wait_indirect_dma semaphore(%arg15 : memref<!tpu.dma_semaphore, #tpu.memory_space<semaphore_mem>>) src(%arg5 : memref<64x512xi32, #tpu.memory_space<vmem>>) dst(%dma_wait3A_87 : memref<49152x512xi32, #tpu.memory_space<hbm>>)
    %dma_wait3A_88 = arith.constant 0 : i32
    %dma_wait3A_89 = arith.constant 0 : i32
    %dma_wait3A_90 = tpu.memref_slice %arg4[%dma_wait3A_88, %dma_wait3A_89] : memref<49152x512xi32, #tpu.memory_space<hbm>> -> memref<49152x512xi32, #tpu.memory_space<hbm>>
    tpu.wait_indirect_dma semaphore(%arg15 : memref<!tpu.dma_semaphore, #tpu.memory_space<semaphore_mem>>) src(%arg5 : memref<64x512xi32, #tpu.memory_space<vmem>>) dst(%dma_wait3A_90 : memref<49152x512xi32, #tpu.memory_space<hbm>>)
    %dma_wait3A_91 = arith.constant 0 : i32
    %dma_wait3A_92 = arith.constant 0 : i32
    %dma_wait3A_93 = tpu.memref_slice %arg4[%dma_wait3A_91, %dma_wait3A_92] : memref<49152x512xi32, #tpu.memory_space<hbm>> -> memref<49152x512xi32, #tpu.memory_space<hbm>>
    tpu.wait_indirect_dma semaphore(%arg15 : memref<!tpu.dma_semaphore, #tpu.memory_space<semaphore_mem>>) src(%arg5 : memref<64x512xi32, #tpu.memory_space<vmem>>) dst(%dma_wait3A_93 : memref<49152x512xi32, #tpu.memory_space<hbm>>)
    %dma_wait3A_94 = arith.constant 0 : i32
    %dma_wait3A_95 = arith.constant 0 : i32
    %dma_wait3A_96 = tpu.memref_slice %arg4[%dma_wait3A_94, %dma_wait3A_95] : memref<49152x512xi32, #tpu.memory_space<hbm>> -> memref<49152x512xi32, #tpu.memory_space<hbm>>
    tpu.wait_indirect_dma semaphore(%arg15 : memref<!tpu.dma_semaphore, #tpu.memory_space<semaphore_mem>>) src(%arg5 : memref<64x512xi32, #tpu.memory_space<vmem>>) dst(%dma_wait3A_96 : memref<49152x512xi32, #tpu.memory_space<hbm>>)
    return
  }
}

#map = affine_map<(d0, d1) -> (0, 0)>
#map1 = affine_map<(d0, d1) -> (0)>
#map2 = affine_map<(d0, d1) -> (0, 0, 0)>
module attributes {stable_mosaic.version = 14 : i64} {
  func.func @_gather_sc(%arg0: i32, %arg1: i32, %arg2: memref<49152x512xi32, #tpu.memory_space<hbm>>, %arg3: memref<16384xi32, #tpu.memory_space<hbm>>, %arg4: memref<8x2048x512xi32, #tpu.memory_space<hbm>>, %arg5: memref<64x512xi32, #tpu.memory_space<vmem>>, %arg6: memref<64x512xi32, #tpu.memory_space<vmem>>, %arg7: memref<64xi32, #tpu.memory_space<vmem>>, %arg8: memref<64xi32, #tpu.memory_space<vmem>>, %arg9: memref<64xi32, #tpu.memory_space<vmem>>, %arg10: memref<64xi32, #tpu.memory_space<vmem>>, %arg11: memref<64xi32, #tpu.memory_space<vmem>>, %arg12: memref<64xi32, #tpu.memory_space<vmem>>, %arg13: memref<64xi32, #tpu.memory_space<vmem>>, %arg14: memref<64xi32, #tpu.memory_space<vmem>>, %arg15: memref<!tpu.dma_semaphore, #tpu.memory_space<semaphore_mem>>, %arg16: memref<!tpu.dma_semaphore, #tpu.memory_space<semaphore_mem>>, %arg17: memref<!tpu.dma_semaphore, #tpu.memory_space<semaphore_mem>>) attributes {dimension_semantics = [#tpu.dimension_semantics<core_parallel>, #tpu.dimension_semantics<subcore_parallel>], iteration_bounds = array<i64: 2, 16>, scalar_prefetch = 0 : i64, scratch_operands = 13 : i64, tpu.core_type = #tpu.core_type<sc_vector_subcore>, window_params = [{transform_indices = #map}, {transform_indices = #map1}, {transform_indices = #map2}]} {
    %mul3A = arith.constant 2 : i32
    %mul3A_0 = arith.muli %arg1, %mul3A : i32
    %add3A = arith.addi %mul3A_0, %arg0 : i32
    %mul3A_1 = arith.constant 64 : i32
    %mul3A_2 = arith.muli %add3A, %mul3A_1 : i32
    %add3A_3 = arith.constant 0 : i32
    %add3A_4 = arith.addi %add3A_3, %mul3A_2 : i32
    %dma_start3A = tpu.memref_slice %arg3[%add3A_4] : memref<16384xi32, #tpu.memory_space<hbm>> -> memref<64xi32, #tpu.memory_space<hbm>>
    %dma_start3A_5 = tpu.memref_slice %arg3[%add3A_4] : memref<16384xi32, #tpu.memory_space<hbm>> -> memref<64xi32, #tpu.memory_space<hbm>>
    tpu.enqueue_dma source(%dma_start3A_5 : memref<64xi32, #tpu.memory_space<hbm>>) target(%arg7 : memref<64xi32, #tpu.memory_space<vmem>>) target_semaphore(%arg15 : memref<!tpu.dma_semaphore, #tpu.memory_space<semaphore_mem>>)
    %add3A_6 = arith.constant 2048 : i32
    %add3A_7 = arith.addi %add3A_6, %mul3A_2 : i32
    %dma_start3A_8 = tpu.memref_slice %arg3[%add3A_7] : memref<16384xi32, #tpu.memory_space<hbm>> -> memref<64xi32, #tpu.memory_space<hbm>>
    %dma_start3A_9 = tpu.memref_slice %arg3[%add3A_7] : memref<16384xi32, #tpu.memory_space<hbm>> -> memref<64xi32, #tpu.memory_space<hbm>>
    tpu.enqueue_dma source(%dma_start3A_9 : memref<64xi32, #tpu.memory_space<hbm>>) target(%arg8 : memref<64xi32, #tpu.memory_space<vmem>>) target_semaphore(%arg15 : memref<!tpu.dma_semaphore, #tpu.memory_space<semaphore_mem>>)
    %add3A_10 = arith.constant 4096 : i32
    %add3A_11 = arith.addi %add3A_10, %mul3A_2 : i32
    %dma_start3A_12 = tpu.memref_slice %arg3[%add3A_11] : memref<16384xi32, #tpu.memory_space<hbm>> -> memref<64xi32, #tpu.memory_space<hbm>>
    %dma_start3A_13 = tpu.memref_slice %arg3[%add3A_11] : memref<16384xi32, #tpu.memory_space<hbm>> -> memref<64xi32, #tpu.memory_space<hbm>>
    tpu.enqueue_dma source(%dma_start3A_13 : memref<64xi32, #tpu.memory_space<hbm>>) target(%arg9 : memref<64xi32, #tpu.memory_space<vmem>>) target_semaphore(%arg15 : memref<!tpu.dma_semaphore, #tpu.memory_space<semaphore_mem>>)
    %add3A_14 = arith.constant 6144 : i32
    %add3A_15 = arith.addi %add3A_14, %mul3A_2 : i32
    %dma_start3A_16 = tpu.memref_slice %arg3[%add3A_15] : memref<16384xi32, #tpu.memory_space<hbm>> -> memref<64xi32, #tpu.memory_space<hbm>>
    %dma_start3A_17 = tpu.memref_slice %arg3[%add3A_15] : memref<16384xi32, #tpu.memory_space<hbm>> -> memref<64xi32, #tpu.memory_space<hbm>>
    tpu.enqueue_dma source(%dma_start3A_17 : memref<64xi32, #tpu.memory_space<hbm>>) target(%arg10 : memref<64xi32, #tpu.memory_space<vmem>>) target_semaphore(%arg15 : memref<!tpu.dma_semaphore, #tpu.memory_space<semaphore_mem>>)
    %add3A_18 = arith.constant 8192 : i32
    %add3A_19 = arith.addi %add3A_18, %mul3A_2 : i32
    %dma_start3A_20 = tpu.memref_slice %arg3[%add3A_19] : memref<16384xi32, #tpu.memory_space<hbm>> -> memref<64xi32, #tpu.memory_space<hbm>>
    %dma_start3A_21 = tpu.memref_slice %arg3[%add3A_19] : memref<16384xi32, #tpu.memory_space<hbm>> -> memref<64xi32, #tpu.memory_space<hbm>>
    tpu.enqueue_dma source(%dma_start3A_21 : memref<64xi32, #tpu.memory_space<hbm>>) target(%arg11 : memref<64xi32, #tpu.memory_space<vmem>>) target_semaphore(%arg15 : memref<!tpu.dma_semaphore, #tpu.memory_space<semaphore_mem>>)
    %add3A_22 = arith.constant 10240 : i32
    %add3A_23 = arith.addi %add3A_22, %mul3A_2 : i32
    %dma_start3A_24 = tpu.memref_slice %arg3[%add3A_23] : memref<16384xi32, #tpu.memory_space<hbm>> -> memref<64xi32, #tpu.memory_space<hbm>>
    %dma_start3A_25 = tpu.memref_slice %arg3[%add3A_23] : memref<16384xi32, #tpu.memory_space<hbm>> -> memref<64xi32, #tpu.memory_space<hbm>>
    tpu.enqueue_dma source(%dma_start3A_25 : memref<64xi32, #tpu.memory_space<hbm>>) target(%arg12 : memref<64xi32, #tpu.memory_space<vmem>>) target_semaphore(%arg15 : memref<!tpu.dma_semaphore, #tpu.memory_space<semaphore_mem>>)
    %add3A_26 = arith.constant 12288 : i32
    %add3A_27 = arith.addi %add3A_26, %mul3A_2 : i32
    %dma_start3A_28 = tpu.memref_slice %arg3[%add3A_27] : memref<16384xi32, #tpu.memory_space<hbm>> -> memref<64xi32, #tpu.memory_space<hbm>>
    %dma_start3A_29 = tpu.memref_slice %arg3[%add3A_27] : memref<16384xi32, #tpu.memory_space<hbm>> -> memref<64xi32, #tpu.memory_space<hbm>>
    tpu.enqueue_dma source(%dma_start3A_29 : memref<64xi32, #tpu.memory_space<hbm>>) target(%arg13 : memref<64xi32, #tpu.memory_space<vmem>>) target_semaphore(%arg15 : memref<!tpu.dma_semaphore, #tpu.memory_space<semaphore_mem>>)
    %add3A_30 = arith.constant 14336 : i32
    %add3A_31 = arith.addi %add3A_30, %mul3A_2 : i32
    %dma_start3A_32 = tpu.memref_slice %arg3[%add3A_31] : memref<16384xi32, #tpu.memory_space<hbm>> -> memref<64xi32, #tpu.memory_space<hbm>>
    %dma_start3A_33 = tpu.memref_slice %arg3[%add3A_31] : memref<16384xi32, #tpu.memory_space<hbm>> -> memref<64xi32, #tpu.memory_space<hbm>>
    tpu.enqueue_dma source(%dma_start3A_33 : memref<64xi32, #tpu.memory_space<hbm>>) target(%arg14 : memref<64xi32, #tpu.memory_space<vmem>>) target_semaphore(%arg15 : memref<!tpu.dma_semaphore, #tpu.memory_space<semaphore_mem>>)
    %dma_wait3A = tpu.memref_slice %arg3[%add3A_4] : memref<16384xi32, #tpu.memory_space<hbm>> -> memref<64xi32, #tpu.memory_space<hbm>>
    %dma_wait3A_34 = tpu.memref_slice %arg3[%add3A_4] : memref<16384xi32, #tpu.memory_space<hbm>> -> memref<64xi32, #tpu.memory_space<hbm>>
    tpu.wait_dma2 semaphore(%arg15 : memref<!tpu.dma_semaphore, #tpu.memory_space<semaphore_mem>>) src(%dma_wait3A_34 : memref<64xi32, #tpu.memory_space<hbm>>) dst(%arg7 : memref<64xi32, #tpu.memory_space<vmem>>)
    %dma_start3A_35 = arith.constant 0 : i32
    %dma_start3A_36 = arith.constant 0 : i32
    %dma_start3A_37 = tpu.memref_slice %arg2[%dma_start3A_35, %dma_start3A_36] : memref<49152x512xi32, #tpu.memory_space<hbm>> -> memref<49152x512xi32, #tpu.memory_space<hbm>>
    tpu.enqueue_indirect_dma source(%dma_start3A_37 : memref<49152x512xi32, #tpu.memory_space<hbm>>) target(%arg5 : memref<64x512xi32, #tpu.memory_space<vmem>>) offsets(%arg7 : memref<64xi32, #tpu.memory_space<vmem>>) semaphore(%arg16 : memref<!tpu.dma_semaphore, #tpu.memory_space<semaphore_mem>>)
    %dma_wait3A_38 = arith.constant 0 : i32
    %dma_wait3A_39 = arith.constant 0 : i32
    %dma_wait3A_40 = tpu.memref_slice %arg2[%dma_wait3A_38, %dma_wait3A_39] : memref<49152x512xi32, #tpu.memory_space<hbm>> -> memref<49152x512xi32, #tpu.memory_space<hbm>>
    tpu.wait_indirect_dma semaphore(%arg16 : memref<!tpu.dma_semaphore, #tpu.memory_space<semaphore_mem>>) src(%dma_wait3A_40 : memref<49152x512xi32, #tpu.memory_space<hbm>>) dst(%arg5 : memref<64x512xi32, #tpu.memory_space<vmem>>)
    %dma_start3A_41 = arith.constant 0 : i32
    %dma_start3A_42 = arith.constant 0 : i32
    %dma_start3A_43 = tpu.memref_slice %arg4[%dma_start3A_41, %mul3A_2, %dma_start3A_42] : memref<8x2048x512xi32, #tpu.memory_space<hbm>> -> memref<1x64x512xi32, #tpu.memory_space<hbm>>
    %dma_start3A_44 = tpu.memref_squeeze %dma_start3A_43 : memref<1x64x512xi32, #tpu.memory_space<hbm>> -> memref<64x512xi32, #tpu.memory_space<hbm>>
    %dma_start3A_45 = arith.constant 0 : i32
    %dma_start3A_46 = tpu.memref_slice %arg4[%dma_start3A_41, %mul3A_2, %dma_start3A_45] : memref<8x2048x512xi32, #tpu.memory_space<hbm>> -> memref<1x64x512xi32, #tpu.memory_space<hbm>>
    %dma_start3A_47 = tpu.memref_squeeze %dma_start3A_46 : memref<1x64x512xi32, #tpu.memory_space<hbm>> -> memref<64x512xi32, #tpu.memory_space<hbm>>
    tpu.enqueue_dma source(%arg5 : memref<64x512xi32, #tpu.memory_space<vmem>>) target(%dma_start3A_47 : memref<64x512xi32, #tpu.memory_space<hbm>>) target_semaphore(%arg17 : memref<!tpu.dma_semaphore, #tpu.memory_space<semaphore_mem>>)
    %dma_wait3A_48 = tpu.memref_slice %arg3[%add3A_7] : memref<16384xi32, #tpu.memory_space<hbm>> -> memref<64xi32, #tpu.memory_space<hbm>>
    %dma_wait3A_49 = tpu.memref_slice %arg3[%add3A_7] : memref<16384xi32, #tpu.memory_space<hbm>> -> memref<64xi32, #tpu.memory_space<hbm>>
    tpu.wait_dma2 semaphore(%arg15 : memref<!tpu.dma_semaphore, #tpu.memory_space<semaphore_mem>>) src(%dma_wait3A_49 : memref<64xi32, #tpu.memory_space<hbm>>) dst(%arg8 : memref<64xi32, #tpu.memory_space<vmem>>)
    %dma_start3A_50 = arith.constant 0 : i32
    %dma_start3A_51 = arith.constant 0 : i32
    %dma_start3A_52 = tpu.memref_slice %arg2[%dma_start3A_50, %dma_start3A_51] : memref<49152x512xi32, #tpu.memory_space<hbm>> -> memref<49152x512xi32, #tpu.memory_space<hbm>>
    tpu.enqueue_indirect_dma source(%dma_start3A_52 : memref<49152x512xi32, #tpu.memory_space<hbm>>) target(%arg6 : memref<64x512xi32, #tpu.memory_space<vmem>>) offsets(%arg8 : memref<64xi32, #tpu.memory_space<vmem>>) semaphore(%arg16 : memref<!tpu.dma_semaphore, #tpu.memory_space<semaphore_mem>>)
    %dma_wait3A_53 = arith.constant 0 : i32
    %dma_wait3A_54 = arith.constant 0 : i32
    %dma_wait3A_55 = tpu.memref_slice %arg2[%dma_wait3A_53, %dma_wait3A_54] : memref<49152x512xi32, #tpu.memory_space<hbm>> -> memref<49152x512xi32, #tpu.memory_space<hbm>>
    tpu.wait_indirect_dma semaphore(%arg16 : memref<!tpu.dma_semaphore, #tpu.memory_space<semaphore_mem>>) src(%dma_wait3A_55 : memref<49152x512xi32, #tpu.memory_space<hbm>>) dst(%arg6 : memref<64x512xi32, #tpu.memory_space<vmem>>)
    %dma_start3A_56 = arith.constant 1 : i32
    %dma_start3A_57 = arith.constant 0 : i32
    %dma_start3A_58 = tpu.memref_slice %arg4[%dma_start3A_56, %mul3A_2, %dma_start3A_57] : memref<8x2048x512xi32, #tpu.memory_space<hbm>> -> memref<1x64x512xi32, #tpu.memory_space<hbm>>
    %dma_start3A_59 = tpu.memref_squeeze %dma_start3A_58 : memref<1x64x512xi32, #tpu.memory_space<hbm>> -> memref<64x512xi32, #tpu.memory_space<hbm>>
    %dma_start3A_60 = arith.constant 0 : i32
    %dma_start3A_61 = tpu.memref_slice %arg4[%dma_start3A_56, %mul3A_2, %dma_start3A_60] : memref<8x2048x512xi32, #tpu.memory_space<hbm>> -> memref<1x64x512xi32, #tpu.memory_space<hbm>>
    %dma_start3A_62 = tpu.memref_squeeze %dma_start3A_61 : memref<1x64x512xi32, #tpu.memory_space<hbm>> -> memref<64x512xi32, #tpu.memory_space<hbm>>
    tpu.enqueue_dma source(%arg6 : memref<64x512xi32, #tpu.memory_space<vmem>>) target(%dma_start3A_62 : memref<64x512xi32, #tpu.memory_space<hbm>>) target_semaphore(%arg17 : memref<!tpu.dma_semaphore, #tpu.memory_space<semaphore_mem>>)
    %dma_wait3A_63 = tpu.memref_slice %arg3[%add3A_11] : memref<16384xi32, #tpu.memory_space<hbm>> -> memref<64xi32, #tpu.memory_space<hbm>>
    %dma_wait3A_64 = tpu.memref_slice %arg3[%add3A_11] : memref<16384xi32, #tpu.memory_space<hbm>> -> memref<64xi32, #tpu.memory_space<hbm>>
    tpu.wait_dma2 semaphore(%arg15 : memref<!tpu.dma_semaphore, #tpu.memory_space<semaphore_mem>>) src(%dma_wait3A_64 : memref<64xi32, #tpu.memory_space<hbm>>) dst(%arg9 : memref<64xi32, #tpu.memory_space<vmem>>)
    %dma_wait3A_65 = arith.constant 0 : i32
    %dma_wait3A_66 = arith.constant 0 : i32
    %dma_wait3A_67 = tpu.memref_slice %arg4[%dma_wait3A_65, %mul3A_2, %dma_wait3A_66] : memref<8x2048x512xi32, #tpu.memory_space<hbm>> -> memref<1x64x512xi32, #tpu.memory_space<hbm>>
    %dma_wait3A_68 = tpu.memref_squeeze %dma_wait3A_67 : memref<1x64x512xi32, #tpu.memory_space<hbm>> -> memref<64x512xi32, #tpu.memory_space<hbm>>
    %dma_wait3A_69 = arith.constant 0 : i32
    %dma_wait3A_70 = tpu.memref_slice %arg4[%dma_wait3A_65, %mul3A_2, %dma_wait3A_69] : memref<8x2048x512xi32, #tpu.memory_space<hbm>> -> memref<1x64x512xi32, #tpu.memory_space<hbm>>
    %dma_wait3A_71 = tpu.memref_squeeze %dma_wait3A_70 : memref<1x64x512xi32, #tpu.memory_space<hbm>> -> memref<64x512xi32, #tpu.memory_space<hbm>>
    tpu.wait_dma2 semaphore(%arg17 : memref<!tpu.dma_semaphore, #tpu.memory_space<semaphore_mem>>) src(%arg5 : memref<64x512xi32, #tpu.memory_space<vmem>>) dst(%dma_wait3A_71 : memref<64x512xi32, #tpu.memory_space<hbm>>)
    %dma_start3A_72 = arith.constant 0 : i32
    %dma_start3A_73 = arith.constant 0 : i32
    %dma_start3A_74 = tpu.memref_slice %arg2[%dma_start3A_72, %dma_start3A_73] : memref<49152x512xi32, #tpu.memory_space<hbm>> -> memref<49152x512xi32, #tpu.memory_space<hbm>>
    tpu.enqueue_indirect_dma source(%dma_start3A_74 : memref<49152x512xi32, #tpu.memory_space<hbm>>) target(%arg5 : memref<64x512xi32, #tpu.memory_space<vmem>>) offsets(%arg9 : memref<64xi32, #tpu.memory_space<vmem>>) semaphore(%arg16 : memref<!tpu.dma_semaphore, #tpu.memory_space<semaphore_mem>>)
    %dma_wait3A_75 = arith.constant 0 : i32
    %dma_wait3A_76 = arith.constant 0 : i32
    %dma_wait3A_77 = tpu.memref_slice %arg2[%dma_wait3A_75, %dma_wait3A_76] : memref<49152x512xi32, #tpu.memory_space<hbm>> -> memref<49152x512xi32, #tpu.memory_space<hbm>>
    tpu.wait_indirect_dma semaphore(%arg16 : memref<!tpu.dma_semaphore, #tpu.memory_space<semaphore_mem>>) src(%dma_wait3A_77 : memref<49152x512xi32, #tpu.memory_space<hbm>>) dst(%arg5 : memref<64x512xi32, #tpu.memory_space<vmem>>)
    %dma_start3A_78 = arith.constant 2 : i32
    %dma_start3A_79 = arith.constant 0 : i32
    %dma_start3A_80 = tpu.memref_slice %arg4[%dma_start3A_78, %mul3A_2, %dma_start3A_79] : memref<8x2048x512xi32, #tpu.memory_space<hbm>> -> memref<1x64x512xi32, #tpu.memory_space<hbm>>
    %dma_start3A_81 = tpu.memref_squeeze %dma_start3A_80 : memref<1x64x512xi32, #tpu.memory_space<hbm>> -> memref<64x512xi32, #tpu.memory_space<hbm>>
    %dma_start3A_82 = arith.constant 0 : i32
    %dma_start3A_83 = tpu.memref_slice %arg4[%dma_start3A_78, %mul3A_2, %dma_start3A_82] : memref<8x2048x512xi32, #tpu.memory_space<hbm>> -> memref<1x64x512xi32, #tpu.memory_space<hbm>>
    %dma_start3A_84 = tpu.memref_squeeze %dma_start3A_83 : memref<1x64x512xi32, #tpu.memory_space<hbm>> -> memref<64x512xi32, #tpu.memory_space<hbm>>
    tpu.enqueue_dma source(%arg5 : memref<64x512xi32, #tpu.memory_space<vmem>>) target(%dma_start3A_84 : memref<64x512xi32, #tpu.memory_space<hbm>>) target_semaphore(%arg17 : memref<!tpu.dma_semaphore, #tpu.memory_space<semaphore_mem>>)
    %dma_wait3A_85 = tpu.memref_slice %arg3[%add3A_15] : memref<16384xi32, #tpu.memory_space<hbm>> -> memref<64xi32, #tpu.memory_space<hbm>>
    %dma_wait3A_86 = tpu.memref_slice %arg3[%add3A_15] : memref<16384xi32, #tpu.memory_space<hbm>> -> memref<64xi32, #tpu.memory_space<hbm>>
    tpu.wait_dma2 semaphore(%arg15 : memref<!tpu.dma_semaphore, #tpu.memory_space<semaphore_mem>>) src(%dma_wait3A_86 : memref<64xi32, #tpu.memory_space<hbm>>) dst(%arg10 : memref<64xi32, #tpu.memory_space<vmem>>)
    %dma_wait3A_87 = arith.constant 1 : i32
    %dma_wait3A_88 = arith.constant 0 : i32
    %dma_wait3A_89 = tpu.memref_slice %arg4[%dma_wait3A_87, %mul3A_2, %dma_wait3A_88] : memref<8x2048x512xi32, #tpu.memory_space<hbm>> -> memref<1x64x512xi32, #tpu.memory_space<hbm>>
    %dma_wait3A_90 = tpu.memref_squeeze %dma_wait3A_89 : memref<1x64x512xi32, #tpu.memory_space<hbm>> -> memref<64x512xi32, #tpu.memory_space<hbm>>
    %dma_wait3A_91 = arith.constant 0 : i32
    %dma_wait3A_92 = tpu.memref_slice %arg4[%dma_wait3A_87, %mul3A_2, %dma_wait3A_91] : memref<8x2048x512xi32, #tpu.memory_space<hbm>> -> memref<1x64x512xi32, #tpu.memory_space<hbm>>
    %dma_wait3A_93 = tpu.memref_squeeze %dma_wait3A_92 : memref<1x64x512xi32, #tpu.memory_space<hbm>> -> memref<64x512xi32, #tpu.memory_space<hbm>>
    tpu.wait_dma2 semaphore(%arg17 : memref<!tpu.dma_semaphore, #tpu.memory_space<semaphore_mem>>) src(%arg6 : memref<64x512xi32, #tpu.memory_space<vmem>>) dst(%dma_wait3A_93 : memref<64x512xi32, #tpu.memory_space<hbm>>)
    %dma_start3A_94 = arith.constant 0 : i32
    %dma_start3A_95 = arith.constant 0 : i32
    %dma_start3A_96 = tpu.memref_slice %arg2[%dma_start3A_94, %dma_start3A_95] : memref<49152x512xi32, #tpu.memory_space<hbm>> -> memref<49152x512xi32, #tpu.memory_space<hbm>>
    tpu.enqueue_indirect_dma source(%dma_start3A_96 : memref<49152x512xi32, #tpu.memory_space<hbm>>) target(%arg6 : memref<64x512xi32, #tpu.memory_space<vmem>>) offsets(%arg10 : memref<64xi32, #tpu.memory_space<vmem>>) semaphore(%arg16 : memref<!tpu.dma_semaphore, #tpu.memory_space<semaphore_mem>>)
    %dma_wait3A_97 = arith.constant 0 : i32
    %dma_wait3A_98 = arith.constant 0 : i32
    %dma_wait3A_99 = tpu.memref_slice %arg2[%dma_wait3A_97, %dma_wait3A_98] : memref<49152x512xi32, #tpu.memory_space<hbm>> -> memref<49152x512xi32, #tpu.memory_space<hbm>>
    tpu.wait_indirect_dma semaphore(%arg16 : memref<!tpu.dma_semaphore, #tpu.memory_space<semaphore_mem>>) src(%dma_wait3A_99 : memref<49152x512xi32, #tpu.memory_space<hbm>>) dst(%arg6 : memref<64x512xi32, #tpu.memory_space<vmem>>)
    %dma_start3A_100 = arith.constant 3 : i32
    %dma_start3A_101 = arith.constant 0 : i32
    %dma_start3A_102 = tpu.memref_slice %arg4[%dma_start3A_100, %mul3A_2, %dma_start3A_101] : memref<8x2048x512xi32, #tpu.memory_space<hbm>> -> memref<1x64x512xi32, #tpu.memory_space<hbm>>
    %dma_start3A_103 = tpu.memref_squeeze %dma_start3A_102 : memref<1x64x512xi32, #tpu.memory_space<hbm>> -> memref<64x512xi32, #tpu.memory_space<hbm>>
    %dma_start3A_104 = arith.constant 0 : i32
    %dma_start3A_105 = tpu.memref_slice %arg4[%dma_start3A_100, %mul3A_2, %dma_start3A_104] : memref<8x2048x512xi32, #tpu.memory_space<hbm>> -> memref<1x64x512xi32, #tpu.memory_space<hbm>>
    %dma_start3A_106 = tpu.memref_squeeze %dma_start3A_105 : memref<1x64x512xi32, #tpu.memory_space<hbm>> -> memref<64x512xi32, #tpu.memory_space<hbm>>
    tpu.enqueue_dma source(%arg6 : memref<64x512xi32, #tpu.memory_space<vmem>>) target(%dma_start3A_106 : memref<64x512xi32, #tpu.memory_space<hbm>>) target_semaphore(%arg17 : memref<!tpu.dma_semaphore, #tpu.memory_space<semaphore_mem>>)
    %dma_wait3A_107 = tpu.memref_slice %arg3[%add3A_19] : memref<16384xi32, #tpu.memory_space<hbm>> -> memref<64xi32, #tpu.memory_space<hbm>>
    %dma_wait3A_108 = tpu.memref_slice %arg3[%add3A_19] : memref<16384xi32, #tpu.memory_space<hbm>> -> memref<64xi32, #tpu.memory_space<hbm>>
    tpu.wait_dma2 semaphore(%arg15 : memref<!tpu.dma_semaphore, #tpu.memory_space<semaphore_mem>>) src(%dma_wait3A_108 : memref<64xi32, #tpu.memory_space<hbm>>) dst(%arg11 : memref<64xi32, #tpu.memory_space<vmem>>)
    %dma_wait3A_109 = arith.constant 2 : i32
    %dma_wait3A_110 = arith.constant 0 : i32
    %dma_wait3A_111 = tpu.memref_slice %arg4[%dma_wait3A_109, %mul3A_2, %dma_wait3A_110] : memref<8x2048x512xi32, #tpu.memory_space<hbm>> -> memref<1x64x512xi32, #tpu.memory_space<hbm>>
    %dma_wait3A_112 = tpu.memref_squeeze %dma_wait3A_111 : memref<1x64x512xi32, #tpu.memory_space<hbm>> -> memref<64x512xi32, #tpu.memory_space<hbm>>
    %dma_wait3A_113 = arith.constant 0 : i32
    %dma_wait3A_114 = tpu.memref_slice %arg4[%dma_wait3A_109, %mul3A_2, %dma_wait3A_113] : memref<8x2048x512xi32, #tpu.memory_space<hbm>> -> memref<1x64x512xi32, #tpu.memory_space<hbm>>
    %dma_wait3A_115 = tpu.memref_squeeze %dma_wait3A_114 : memref<1x64x512xi32, #tpu.memory_space<hbm>> -> memref<64x512xi32, #tpu.memory_space<hbm>>
    tpu.wait_dma2 semaphore(%arg17 : memref<!tpu.dma_semaphore, #tpu.memory_space<semaphore_mem>>) src(%arg5 : memref<64x512xi32, #tpu.memory_space<vmem>>) dst(%dma_wait3A_115 : memref<64x512xi32, #tpu.memory_space<hbm>>)
    %dma_start3A_116 = arith.constant 0 : i32
    %dma_start3A_117 = arith.constant 0 : i32
    %dma_start3A_118 = tpu.memref_slice %arg2[%dma_start3A_116, %dma_start3A_117] : memref<49152x512xi32, #tpu.memory_space<hbm>> -> memref<49152x512xi32, #tpu.memory_space<hbm>>
    tpu.enqueue_indirect_dma source(%dma_start3A_118 : memref<49152x512xi32, #tpu.memory_space<hbm>>) target(%arg5 : memref<64x512xi32, #tpu.memory_space<vmem>>) offsets(%arg11 : memref<64xi32, #tpu.memory_space<vmem>>) semaphore(%arg16 : memref<!tpu.dma_semaphore, #tpu.memory_space<semaphore_mem>>)
    %dma_wait3A_119 = arith.constant 0 : i32
    %dma_wait3A_120 = arith.constant 0 : i32
    %dma_wait3A_121 = tpu.memref_slice %arg2[%dma_wait3A_119, %dma_wait3A_120] : memref<49152x512xi32, #tpu.memory_space<hbm>> -> memref<49152x512xi32, #tpu.memory_space<hbm>>
    tpu.wait_indirect_dma semaphore(%arg16 : memref<!tpu.dma_semaphore, #tpu.memory_space<semaphore_mem>>) src(%dma_wait3A_121 : memref<49152x512xi32, #tpu.memory_space<hbm>>) dst(%arg5 : memref<64x512xi32, #tpu.memory_space<vmem>>)
    %dma_start3A_122 = arith.constant 4 : i32
    %dma_start3A_123 = arith.constant 0 : i32
    %dma_start3A_124 = tpu.memref_slice %arg4[%dma_start3A_122, %mul3A_2, %dma_start3A_123] : memref<8x2048x512xi32, #tpu.memory_space<hbm>> -> memref<1x64x512xi32, #tpu.memory_space<hbm>>
    %dma_start3A_125 = tpu.memref_squeeze %dma_start3A_124 : memref<1x64x512xi32, #tpu.memory_space<hbm>> -> memref<64x512xi32, #tpu.memory_space<hbm>>
    %dma_start3A_126 = arith.constant 0 : i32
    %dma_start3A_127 = tpu.memref_slice %arg4[%dma_start3A_122, %mul3A_2, %dma_start3A_126] : memref<8x2048x512xi32, #tpu.memory_space<hbm>> -> memref<1x64x512xi32, #tpu.memory_space<hbm>>
    %dma_start3A_128 = tpu.memref_squeeze %dma_start3A_127 : memref<1x64x512xi32, #tpu.memory_space<hbm>> -> memref<64x512xi32, #tpu.memory_space<hbm>>
    tpu.enqueue_dma source(%arg5 : memref<64x512xi32, #tpu.memory_space<vmem>>) target(%dma_start3A_128 : memref<64x512xi32, #tpu.memory_space<hbm>>) target_semaphore(%arg17 : memref<!tpu.dma_semaphore, #tpu.memory_space<semaphore_mem>>)
    %dma_wait3A_129 = tpu.memref_slice %arg3[%add3A_23] : memref<16384xi32, #tpu.memory_space<hbm>> -> memref<64xi32, #tpu.memory_space<hbm>>
    %dma_wait3A_130 = tpu.memref_slice %arg3[%add3A_23] : memref<16384xi32, #tpu.memory_space<hbm>> -> memref<64xi32, #tpu.memory_space<hbm>>
    tpu.wait_dma2 semaphore(%arg15 : memref<!tpu.dma_semaphore, #tpu.memory_space<semaphore_mem>>) src(%dma_wait3A_130 : memref<64xi32, #tpu.memory_space<hbm>>) dst(%arg12 : memref<64xi32, #tpu.memory_space<vmem>>)
    %dma_wait3A_131 = arith.constant 3 : i32
    %dma_wait3A_132 = arith.constant 0 : i32
    %dma_wait3A_133 = tpu.memref_slice %arg4[%dma_wait3A_131, %mul3A_2, %dma_wait3A_132] : memref<8x2048x512xi32, #tpu.memory_space<hbm>> -> memref<1x64x512xi32, #tpu.memory_space<hbm>>
    %dma_wait3A_134 = tpu.memref_squeeze %dma_wait3A_133 : memref<1x64x512xi32, #tpu.memory_space<hbm>> -> memref<64x512xi32, #tpu.memory_space<hbm>>
    %dma_wait3A_135 = arith.constant 0 : i32
    %dma_wait3A_136 = tpu.memref_slice %arg4[%dma_wait3A_131, %mul3A_2, %dma_wait3A_135] : memref<8x2048x512xi32, #tpu.memory_space<hbm>> -> memref<1x64x512xi32, #tpu.memory_space<hbm>>
    %dma_wait3A_137 = tpu.memref_squeeze %dma_wait3A_136 : memref<1x64x512xi32, #tpu.memory_space<hbm>> -> memref<64x512xi32, #tpu.memory_space<hbm>>
    tpu.wait_dma2 semaphore(%arg17 : memref<!tpu.dma_semaphore, #tpu.memory_space<semaphore_mem>>) src(%arg6 : memref<64x512xi32, #tpu.memory_space<vmem>>) dst(%dma_wait3A_137 : memref<64x512xi32, #tpu.memory_space<hbm>>)
    %dma_start3A_138 = arith.constant 0 : i32
    %dma_start3A_139 = arith.constant 0 : i32
    %dma_start3A_140 = tpu.memref_slice %arg2[%dma_start3A_138, %dma_start3A_139] : memref<49152x512xi32, #tpu.memory_space<hbm>> -> memref<49152x512xi32, #tpu.memory_space<hbm>>
    tpu.enqueue_indirect_dma source(%dma_start3A_140 : memref<49152x512xi32, #tpu.memory_space<hbm>>) target(%arg6 : memref<64x512xi32, #tpu.memory_space<vmem>>) offsets(%arg12 : memref<64xi32, #tpu.memory_space<vmem>>) semaphore(%arg16 : memref<!tpu.dma_semaphore, #tpu.memory_space<semaphore_mem>>)
    %dma_wait3A_141 = arith.constant 0 : i32
    %dma_wait3A_142 = arith.constant 0 : i32
    %dma_wait3A_143 = tpu.memref_slice %arg2[%dma_wait3A_141, %dma_wait3A_142] : memref<49152x512xi32, #tpu.memory_space<hbm>> -> memref<49152x512xi32, #tpu.memory_space<hbm>>
    tpu.wait_indirect_dma semaphore(%arg16 : memref<!tpu.dma_semaphore, #tpu.memory_space<semaphore_mem>>) src(%dma_wait3A_143 : memref<49152x512xi32, #tpu.memory_space<hbm>>) dst(%arg6 : memref<64x512xi32, #tpu.memory_space<vmem>>)
    %dma_start3A_144 = arith.constant 5 : i32
    %dma_start3A_145 = arith.constant 0 : i32
    %dma_start3A_146 = tpu.memref_slice %arg4[%dma_start3A_144, %mul3A_2, %dma_start3A_145] : memref<8x2048x512xi32, #tpu.memory_space<hbm>> -> memref<1x64x512xi32, #tpu.memory_space<hbm>>
    %dma_start3A_147 = tpu.memref_squeeze %dma_start3A_146 : memref<1x64x512xi32, #tpu.memory_space<hbm>> -> memref<64x512xi32, #tpu.memory_space<hbm>>
    %dma_start3A_148 = arith.constant 0 : i32
    %dma_start3A_149 = tpu.memref_slice %arg4[%dma_start3A_144, %mul3A_2, %dma_start3A_148] : memref<8x2048x512xi32, #tpu.memory_space<hbm>> -> memref<1x64x512xi32, #tpu.memory_space<hbm>>
    %dma_start3A_150 = tpu.memref_squeeze %dma_start3A_149 : memref<1x64x512xi32, #tpu.memory_space<hbm>> -> memref<64x512xi32, #tpu.memory_space<hbm>>
    tpu.enqueue_dma source(%arg6 : memref<64x512xi32, #tpu.memory_space<vmem>>) target(%dma_start3A_150 : memref<64x512xi32, #tpu.memory_space<hbm>>) target_semaphore(%arg17 : memref<!tpu.dma_semaphore, #tpu.memory_space<semaphore_mem>>)
    %dma_wait3A_151 = tpu.memref_slice %arg3[%add3A_27] : memref<16384xi32, #tpu.memory_space<hbm>> -> memref<64xi32, #tpu.memory_space<hbm>>
    %dma_wait3A_152 = tpu.memref_slice %arg3[%add3A_27] : memref<16384xi32, #tpu.memory_space<hbm>> -> memref<64xi32, #tpu.memory_space<hbm>>
    tpu.wait_dma2 semaphore(%arg15 : memref<!tpu.dma_semaphore, #tpu.memory_space<semaphore_mem>>) src(%dma_wait3A_152 : memref<64xi32, #tpu.memory_space<hbm>>) dst(%arg13 : memref<64xi32, #tpu.memory_space<vmem>>)
    %dma_wait3A_153 = arith.constant 4 : i32
    %dma_wait3A_154 = arith.constant 0 : i32
    %dma_wait3A_155 = tpu.memref_slice %arg4[%dma_wait3A_153, %mul3A_2, %dma_wait3A_154] : memref<8x2048x512xi32, #tpu.memory_space<hbm>> -> memref<1x64x512xi32, #tpu.memory_space<hbm>>
    %dma_wait3A_156 = tpu.memref_squeeze %dma_wait3A_155 : memref<1x64x512xi32, #tpu.memory_space<hbm>> -> memref<64x512xi32, #tpu.memory_space<hbm>>
    %dma_wait3A_157 = arith.constant 0 : i32
    %dma_wait3A_158 = tpu.memref_slice %arg4[%dma_wait3A_153, %mul3A_2, %dma_wait3A_157] : memref<8x2048x512xi32, #tpu.memory_space<hbm>> -> memref<1x64x512xi32, #tpu.memory_space<hbm>>
    %dma_wait3A_159 = tpu.memref_squeeze %dma_wait3A_158 : memref<1x64x512xi32, #tpu.memory_space<hbm>> -> memref<64x512xi32, #tpu.memory_space<hbm>>
    tpu.wait_dma2 semaphore(%arg17 : memref<!tpu.dma_semaphore, #tpu.memory_space<semaphore_mem>>) src(%arg5 : memref<64x512xi32, #tpu.memory_space<vmem>>) dst(%dma_wait3A_159 : memref<64x512xi32, #tpu.memory_space<hbm>>)
    %dma_start3A_160 = arith.constant 0 : i32
    %dma_start3A_161 = arith.constant 0 : i32
    %dma_start3A_162 = tpu.memref_slice %arg2[%dma_start3A_160, %dma_start3A_161] : memref<49152x512xi32, #tpu.memory_space<hbm>> -> memref<49152x512xi32, #tpu.memory_space<hbm>>
    tpu.enqueue_indirect_dma source(%dma_start3A_162 : memref<49152x512xi32, #tpu.memory_space<hbm>>) target(%arg5 : memref<64x512xi32, #tpu.memory_space<vmem>>) offsets(%arg13 : memref<64xi32, #tpu.memory_space<vmem>>) semaphore(%arg16 : memref<!tpu.dma_semaphore, #tpu.memory_space<semaphore_mem>>)
    %dma_wait3A_163 = arith.constant 0 : i32
    %dma_wait3A_164 = arith.constant 0 : i32
    %dma_wait3A_165 = tpu.memref_slice %arg2[%dma_wait3A_163, %dma_wait3A_164] : memref<49152x512xi32, #tpu.memory_space<hbm>> -> memref<49152x512xi32, #tpu.memory_space<hbm>>
    tpu.wait_indirect_dma semaphore(%arg16 : memref<!tpu.dma_semaphore, #tpu.memory_space<semaphore_mem>>) src(%dma_wait3A_165 : memref<49152x512xi32, #tpu.memory_space<hbm>>) dst(%arg5 : memref<64x512xi32, #tpu.memory_space<vmem>>)
    %dma_start3A_166 = arith.constant 6 : i32
    %dma_start3A_167 = arith.constant 0 : i32
    %dma_start3A_168 = tpu.memref_slice %arg4[%dma_start3A_166, %mul3A_2, %dma_start3A_167] : memref<8x2048x512xi32, #tpu.memory_space<hbm>> -> memref<1x64x512xi32, #tpu.memory_space<hbm>>
    %dma_start3A_169 = tpu.memref_squeeze %dma_start3A_168 : memref<1x64x512xi32, #tpu.memory_space<hbm>> -> memref<64x512xi32, #tpu.memory_space<hbm>>
    %dma_start3A_170 = arith.constant 0 : i32
    %dma_start3A_171 = tpu.memref_slice %arg4[%dma_start3A_166, %mul3A_2, %dma_start3A_170] : memref<8x2048x512xi32, #tpu.memory_space<hbm>> -> memref<1x64x512xi32, #tpu.memory_space<hbm>>
    %dma_start3A_172 = tpu.memref_squeeze %dma_start3A_171 : memref<1x64x512xi32, #tpu.memory_space<hbm>> -> memref<64x512xi32, #tpu.memory_space<hbm>>
    tpu.enqueue_dma source(%arg5 : memref<64x512xi32, #tpu.memory_space<vmem>>) target(%dma_start3A_172 : memref<64x512xi32, #tpu.memory_space<hbm>>) target_semaphore(%arg17 : memref<!tpu.dma_semaphore, #tpu.memory_space<semaphore_mem>>)
    %dma_wait3A_173 = tpu.memref_slice %arg3[%add3A_31] : memref<16384xi32, #tpu.memory_space<hbm>> -> memref<64xi32, #tpu.memory_space<hbm>>
    %dma_wait3A_174 = tpu.memref_slice %arg3[%add3A_31] : memref<16384xi32, #tpu.memory_space<hbm>> -> memref<64xi32, #tpu.memory_space<hbm>>
    tpu.wait_dma2 semaphore(%arg15 : memref<!tpu.dma_semaphore, #tpu.memory_space<semaphore_mem>>) src(%dma_wait3A_174 : memref<64xi32, #tpu.memory_space<hbm>>) dst(%arg14 : memref<64xi32, #tpu.memory_space<vmem>>)
    %dma_wait3A_175 = arith.constant 5 : i32
    %dma_wait3A_176 = arith.constant 0 : i32
    %dma_wait3A_177 = tpu.memref_slice %arg4[%dma_wait3A_175, %mul3A_2, %dma_wait3A_176] : memref<8x2048x512xi32, #tpu.memory_space<hbm>> -> memref<1x64x512xi32, #tpu.memory_space<hbm>>
    %dma_wait3A_178 = tpu.memref_squeeze %dma_wait3A_177 : memref<1x64x512xi32, #tpu.memory_space<hbm>> -> memref<64x512xi32, #tpu.memory_space<hbm>>
    %dma_wait3A_179 = arith.constant 0 : i32
    %dma_wait3A_180 = tpu.memref_slice %arg4[%dma_wait3A_175, %mul3A_2, %dma_wait3A_179] : memref<8x2048x512xi32, #tpu.memory_space<hbm>> -> memref<1x64x512xi32, #tpu.memory_space<hbm>>
    %dma_wait3A_181 = tpu.memref_squeeze %dma_wait3A_180 : memref<1x64x512xi32, #tpu.memory_space<hbm>> -> memref<64x512xi32, #tpu.memory_space<hbm>>
    tpu.wait_dma2 semaphore(%arg17 : memref<!tpu.dma_semaphore, #tpu.memory_space<semaphore_mem>>) src(%arg6 : memref<64x512xi32, #tpu.memory_space<vmem>>) dst(%dma_wait3A_181 : memref<64x512xi32, #tpu.memory_space<hbm>>)
    %dma_start3A_182 = arith.constant 0 : i32
    %dma_start3A_183 = arith.constant 0 : i32
    %dma_start3A_184 = tpu.memref_slice %arg2[%dma_start3A_182, %dma_start3A_183] : memref<49152x512xi32, #tpu.memory_space<hbm>> -> memref<49152x512xi32, #tpu.memory_space<hbm>>
    tpu.enqueue_indirect_dma source(%dma_start3A_184 : memref<49152x512xi32, #tpu.memory_space<hbm>>) target(%arg6 : memref<64x512xi32, #tpu.memory_space<vmem>>) offsets(%arg14 : memref<64xi32, #tpu.memory_space<vmem>>) semaphore(%arg16 : memref<!tpu.dma_semaphore, #tpu.memory_space<semaphore_mem>>)
    %dma_wait3A_185 = arith.constant 0 : i32
    %dma_wait3A_186 = arith.constant 0 : i32
    %dma_wait3A_187 = tpu.memref_slice %arg2[%dma_wait3A_185, %dma_wait3A_186] : memref<49152x512xi32, #tpu.memory_space<hbm>> -> memref<49152x512xi32, #tpu.memory_space<hbm>>
    tpu.wait_indirect_dma semaphore(%arg16 : memref<!tpu.dma_semaphore, #tpu.memory_space<semaphore_mem>>) src(%dma_wait3A_187 : memref<49152x512xi32, #tpu.memory_space<hbm>>) dst(%arg6 : memref<64x512xi32, #tpu.memory_space<vmem>>)
    %dma_start3A_188 = arith.constant 7 : i32
    %dma_start3A_189 = arith.constant 0 : i32
    %dma_start3A_190 = tpu.memref_slice %arg4[%dma_start3A_188, %mul3A_2, %dma_start3A_189] : memref<8x2048x512xi32, #tpu.memory_space<hbm>> -> memref<1x64x512xi32, #tpu.memory_space<hbm>>
    %dma_start3A_191 = tpu.memref_squeeze %dma_start3A_190 : memref<1x64x512xi32, #tpu.memory_space<hbm>> -> memref<64x512xi32, #tpu.memory_space<hbm>>
    %dma_start3A_192 = arith.constant 0 : i32
    %dma_start3A_193 = tpu.memref_slice %arg4[%dma_start3A_188, %mul3A_2, %dma_start3A_192] : memref<8x2048x512xi32, #tpu.memory_space<hbm>> -> memref<1x64x512xi32, #tpu.memory_space<hbm>>
    %dma_start3A_194 = tpu.memref_squeeze %dma_start3A_193 : memref<1x64x512xi32, #tpu.memory_space<hbm>> -> memref<64x512xi32, #tpu.memory_space<hbm>>
    tpu.enqueue_dma source(%arg6 : memref<64x512xi32, #tpu.memory_space<vmem>>) target(%dma_start3A_194 : memref<64x512xi32, #tpu.memory_space<hbm>>) target_semaphore(%arg17 : memref<!tpu.dma_semaphore, #tpu.memory_space<semaphore_mem>>)
    %dma_wait3A_195 = arith.constant 6 : i32
    %dma_wait3A_196 = arith.constant 0 : i32
    %dma_wait3A_197 = tpu.memref_slice %arg4[%dma_wait3A_195, %mul3A_2, %dma_wait3A_196] : memref<8x2048x512xi32, #tpu.memory_space<hbm>> -> memref<1x64x512xi32, #tpu.memory_space<hbm>>
    %dma_wait3A_198 = tpu.memref_squeeze %dma_wait3A_197 : memref<1x64x512xi32, #tpu.memory_space<hbm>> -> memref<64x512xi32, #tpu.memory_space<hbm>>
    %dma_wait3A_199 = arith.constant 0 : i32
    %dma_wait3A_200 = tpu.memref_slice %arg4[%dma_wait3A_195, %mul3A_2, %dma_wait3A_199] : memref<8x2048x512xi32, #tpu.memory_space<hbm>> -> memref<1x64x512xi32, #tpu.memory_space<hbm>>
    %dma_wait3A_201 = tpu.memref_squeeze %dma_wait3A_200 : memref<1x64x512xi32, #tpu.memory_space<hbm>> -> memref<64x512xi32, #tpu.memory_space<hbm>>
    tpu.wait_dma2 semaphore(%arg17 : memref<!tpu.dma_semaphore, #tpu.memory_space<semaphore_mem>>) src(%arg5 : memref<64x512xi32, #tpu.memory_space<vmem>>) dst(%dma_wait3A_201 : memref<64x512xi32, #tpu.memory_space<hbm>>)
    %dma_wait3A_202 = arith.constant 7 : i32
    %dma_wait3A_203 = arith.constant 0 : i32
    %dma_wait3A_204 = tpu.memref_slice %arg4[%dma_wait3A_202, %mul3A_2, %dma_wait3A_203] : memref<8x2048x512xi32, #tpu.memory_space<hbm>> -> memref<1x64x512xi32, #tpu.memory_space<hbm>>
    %dma_wait3A_205 = tpu.memref_squeeze %dma_wait3A_204 : memref<1x64x512xi32, #tpu.memory_space<hbm>> -> memref<64x512xi32, #tpu.memory_space<hbm>>
    %dma_wait3A_206 = arith.constant 0 : i32
    %dma_wait3A_207 = tpu.memref_slice %arg4[%dma_wait3A_202, %mul3A_2, %dma_wait3A_206] : memref<8x2048x512xi32, #tpu.memory_space<hbm>> -> memref<1x64x512xi32, #tpu.memory_space<hbm>>
    %dma_wait3A_208 = tpu.memref_squeeze %dma_wait3A_207 : memref<1x64x512xi32, #tpu.memory_space<hbm>> -> memref<64x512xi32, #tpu.memory_space<hbm>>
    tpu.wait_dma2 semaphore(%arg17 : memref<!tpu.dma_semaphore, #tpu.memory_space<semaphore_mem>>) src(%arg6 : memref<64x512xi32, #tpu.memory_space<vmem>>) dst(%dma_wait3A_208 : memref<64x512xi32, #tpu.memory_space<hbm>>)
    return
  }
}

module attributes {stable_mosaic.version = 14 : i64} {
  func.func @_frontend_body(%arg0: i32, %arg1: memref<256x1024xf32, #tpu.memory_space<vmem>>, %arg2: memref<1024x64xf32, #tpu.memory_space<vmem>>, %arg3: memref<256x8xi32, #tpu.memory_space<vmem>>, %arg4: memref<256x8xf32, #tpu.memory_space<vmem>>, %arg5: memref<96x128xi32, #tpu.memory_space<vmem>>, %arg6: memref<256x512xi32, #tpu.memory_space<vmem>>, %arg7: memref<8x64xf32, #tpu.memory_space<vmem>>, %arg8: memref<2048x64xf32, #tpu.memory_space<vmem>>, %arg9: memref<2048x64xf32, #tpu.memory_space<vmem>>, %arg10: memref<2048x64xf32, #tpu.memory_space<vmem>>, %arg11: memref<8x64xf32, #tpu.memory_space<vmem>>) attributes {dimension_semantics = [#tpu.dimension_semantics<arbitrary>], iteration_bounds = array<i64: 17>, scalar_prefetch = 0 : i64, scratch_operands = 5 : i64, tpu.core_type = #tpu.core_type<tc>, window_params = [{transform_indices = @transform_0, window_bounds = array<i64: 256, 1024>}, {pipeline_mode = #tpu.pipeline_mode<synchronous>, transform_indices = @transform_1, window_bounds = array<i64: 1024, 64>}, {transform_indices = @transform_2, window_bounds = array<i64: 256, 8>}, {transform_indices = @transform_3, window_bounds = array<i64: 256, 8>}, {pipeline_mode = #tpu.pipeline_mode<synchronous>, transform_indices = @transform_4, window_bounds = array<i64: 96, 128>}, {transform_indices = @transform_5, window_bounds = array<i64: 256, 512>}]} {
    %eq3A = arith.constant 0 : i32
    %eq3A_0 = arith.cmpi eq, %arg0, %eq3A : i32
    %convert_element_type3A = arith.extui %eq3A_0 : i1 to i32
    %cond3A = arith.constant 0 : i32
    %cond3A_1 = arith.cmpi ne, %convert_element_type3A, %cond3A : i32
    scf.if %cond3A_1 {
      %broadcast_in_dim3A = arith.constant 0.000000e+00 : f32
      %broadcast_in_dim3A_15 = vector.broadcast %broadcast_in_dim3A : f32 to vector<8x64xf32>
      %swap3A = arith.constant 0 : index
      %swap3A_16 = arith.constant 0 : index
      %swap3A_17 = vector.load %arg7[%swap3A, %swap3A_16] : memref<8x64xf32, #tpu.memory_space<vmem>>, vector<8x64xf32>
      tpu.vector_store %arg7[%swap3A, %swap3A_16], %broadcast_in_dim3A_15 {strides = array<i32>} : memref<8x64xf32, #tpu.memory_space<vmem>>, vector<8x64xf32>,
    } else {
    }
    %lt3A = arith.constant 8 : i32
    %lt3A_2 = arith.cmpi slt, %arg0, %lt3A : i32
    %convert_element_type3A_3 = arith.extui %lt3A_2 : i1 to i32
    %cond3A_4 = arith.constant 0 : i32
    %cond3A_5 = arith.cmpi ne, %convert_element_type3A_3, %cond3A_4 : i32
    scf.if %cond3A_5 {
      %get3A = arith.constant 0 : index
      %get3A_15 = arith.constant 0 : index
      %get3A_16 = vector.load %arg1[%get3A, %get3A_15] : memref<256x1024xf32, #tpu.memory_space<vmem>>, vector<256x512xf32>
      %get3A_17 = arith.constant 0 : index
      %get3A_18 = arith.constant 512 : index
      %get3A_19 = vector.load %arg1[%get3A_17, %get3A_18] : memref<256x1024xf32, #tpu.memory_space<vmem>>, vector<256x512xf32>
      %bitcast_convert_type3A = tpu.bitcast %get3A_16 : vector<256x512xf32> -> vector<256x512xi32>
      %bitcast_convert_type3A_20 = tpu.bitcast %get3A_19 : vector<256x512xf32> -> vector<256x512xi32>
      %add3A = arith.constant 32768 : i32
      %add3A_21 = vector.broadcast %add3A : i32 to vector<256x512xi32>
      %add3A_22 = arith.addi %bitcast_convert_type3A, %add3A_21 : vector<256x512xi32>
      %shift_right_arithmetic3A = arith.constant 16 : i32
      %shift_right_arithmetic3A_23 = vector.broadcast %shift_right_arithmetic3A : i32 to vector<256x512xi32>
      %shift_right_arithmetic3A_24 = arith.shrsi %add3A_22, %shift_right_arithmetic3A_23 : vector<256x512xi32>
      %and3A = arith.constant 65535 : i32
      %and3A_25 = vector.broadcast %and3A : i32 to vector<256x512xi32>
      %and3A_26 = arith.andi %shift_right_arithmetic3A_24, %and3A_25 : vector<256x512xi32>
      %add3A_27 = arith.constant 32768 : i32
      %add3A_28 = vector.broadcast %add3A_27 : i32 to vector<256x512xi32>
      %add3A_29 = arith.addi %bitcast_convert_type3A_20, %add3A_28 : vector<256x512xi32>
      %and3A_30 = arith.constant -65536 : i32
      %and3A_31 = vector.broadcast %and3A_30 : i32 to vector<256x512xi32>
      %and3A_32 = arith.andi %add3A_29, %and3A_31 : vector<256x512xi32>
      %or3A = arith.ori %and3A_32, %and3A_26 : vector<256x512xi32>
      %swap3A = arith.constant 0 : index
      %swap3A_33 = arith.constant 0 : index
      %swap3A_34 = vector.load %arg6[%swap3A, %swap3A_33] : memref<256x512xi32, #tpu.memory_space<vmem>>, vector<256x512xi32>
      tpu.vector_store %arg6[%swap3A, %swap3A_33], %or3A {strides = array<i32>} : memref<256x512xi32, #tpu.memory_space<vmem>>, vector<256x512xi32>,
      %get3A_35 = arith.constant 0 : index
      %get3A_36 = arith.constant 0 : index
      %get3A_37 = vector.load %arg1[%get3A_35, %get3A_36] : memref<256x1024xf32, #tpu.memory_space<vmem>>, vector<256x1024xf32>
      %get3A_38 = arith.constant 0 : index
      %get3A_39 = arith.constant 0 : index
      %get3A_40 = vector.load %arg2[%get3A_38, %get3A_39] : memref<1024x64xf32, #tpu.memory_space<vmem>>, vector<1024x64xf32>
      %dot_general3A = arith.constant dense<0.000000e+00> : vector<256x64xf32>
      %dot_general3A_41 = tpu.matmul %get3A_37, %get3A_40, %dot_general3A {dimension_numbers = #tpu.dot_dimension_numbers<[1], [0], [0], [1], [0, 0, 1, 1], [], []>, transpose_lhs_hint = false} : vector<256x1024xf32>, vector<1024x64xf32>, vector<256x64xf32> -> vector<256x64xf32>
      %reduce_max3A = arith.constant dense<0xFF800000> : vector<256xf32>
      %reduce_max3A_42 = vector.multi_reduction <maximumf>, %dot_general3A_41, %reduce_max3A [1] : vector<256x64xf32> to vector<256xf32>
      %broadcast_in_dim3A = vector.shape_cast %reduce_max3A_42 : vector<256xf32> to vector<256x1xf32>
      %sub3A = vector.broadcast %broadcast_in_dim3A : vector<256x1xf32> to vector<256x64xf32>
      %sub3A_43 = arith.subf %dot_general3A_41, %sub3A : vector<256x64xf32>
      %exp3A = math.exp %sub3A_43 : vector<256x64xf32>
      %reduce_sum3A = arith.constant dense<0.000000e+00> : vector<256xf32>
      %reduce_sum3A_44 = vector.multi_reduction <add>, %exp3A, %reduce_sum3A [1] : vector<256x64xf32> to vector<256xf32>
      %broadcast_in_dim3A_45 = vector.shape_cast %reduce_sum3A_44 : vector<256xf32> to vector<256x1xf32>
      %div3A = vector.broadcast %broadcast_in_dim3A_45 : vector<256x1xf32> to vector<256x64xf32>
      %div3A_46 = arith.divf %exp3A, %div3A : vector<256x64xf32>
      %iota3A = tpu.iota {dimensions = array<i32: 1>} : vector<256x64xi32>
      %reduce_max3A_47 = arith.constant dense<0xFF800000> : vector<256xf32>
      %reduce_max3A_48 = vector.multi_reduction <maximumf>, %div3A_46, %reduce_max3A_47 [1] : vector<256x64xf32> to vector<256xf32>
      %broadcast_in_dim3A_49 = vector.shape_cast %reduce_max3A_48 : vector<256xf32> to vector<256x1xf32>
      %eq3A_50 = vector.broadcast %broadcast_in_dim3A_49 : vector<256x1xf32> to vector<256x64xf32>
      %eq3A_51 = arith.cmpf oeq, %div3A_46, %eq3A_50 : vector<256x64xf32>
      %jit3A = arith.constant 64 : i32
      %broadcast_in_dim3A_52 = vector.broadcast %jit3A : i32 to vector<256x64xi32>
      %select_n3A = arith.select %eq3A_51, %iota3A, %broadcast_in_dim3A_52 : vector<256x64xi1>, vector<256x64xi32>
      %reduce_min3A = arith.constant dense<2147483647> : vector<256xi32>
      %reduce_min3A_53 = vector.multi_reduction <minsi>, %select_n3A, %reduce_min3A [1] : vector<256x64xi32> to vector<256xi32>
      %broadcast_in_dim3A_54 = vector.shape_cast %reduce_min3A_53 : vector<256xi32> to vector<256x1xi32>
      %eq3A_55 = vector.broadcast %broadcast_in_dim3A_54 : vector<256x1xi32> to vector<256x64xi32>
      %eq3A_56 = arith.cmpi eq, %iota3A, %eq3A_55 : vector<256x64xi32>
      %jit3A_57 = arith.constant -1.000000e+00 : f32
      %broadcast_in_dim3A_58 = vector.broadcast %jit3A_57 : f32 to vector<256x64xf32>
      %select_n3A_59 = arith.select %eq3A_56, %broadcast_in_dim3A_58, %div3A_46 : vector<256x64xi1>, vector<256x64xf32>
      %reduce_max3A_60 = arith.constant dense<0xFF800000> : vector<256xf32>
      %reduce_max3A_61 = vector.multi_reduction <maximumf>, %select_n3A_59, %reduce_max3A_60 [1] : vector<256x64xf32> to vector<256xf32>
      %broadcast_in_dim3A_62 = vector.shape_cast %reduce_max3A_61 : vector<256xf32> to vector<256x1xf32>
      %eq3A_63 = vector.broadcast %broadcast_in_dim3A_62 : vector<256x1xf32> to vector<256x64xf32>
      %eq3A_64 = arith.cmpf oeq, %select_n3A_59, %eq3A_63 : vector<256x64xf32>
      %jit3A_65 = arith.constant 64 : i32
      %broadcast_in_dim3A_66 = vector.broadcast %jit3A_65 : i32 to vector<256x64xi32>
      %select_n3A_67 = arith.select %eq3A_64, %iota3A, %broadcast_in_dim3A_66 : vector<256x64xi1>, vector<256x64xi32>
      %reduce_min3A_68 = arith.constant dense<2147483647> : vector<256xi32>
      %reduce_min3A_69 = vector.multi_reduction <minsi>, %select_n3A_67, %reduce_min3A_68 [1] : vector<256x64xi32> to vector<256xi32>
      %broadcast_in_dim3A_70 = vector.shape_cast %reduce_min3A_69 : vector<256xi32> to vector<256x1xi32>
      %eq3A_71 = vector.broadcast %broadcast_in_dim3A_70 : vector<256x1xi32> to vector<256x64xi32>
      %eq3A_72 = arith.cmpi eq, %iota3A, %eq3A_71 : vector<256x64xi32>
      %jit3A_73 = arith.constant -1.000000e+00 : f32
      %broadcast_in_dim3A_74 = vector.broadcast %jit3A_73 : f32 to vector<256x64xf32>
      %select_n3A_75 = arith.select %eq3A_72, %broadcast_in_dim3A_74, %select_n3A_59 : vector<256x64xi1>, vector<256x64xf32>
      %reduce_max3A_76 = arith.constant dense<0xFF800000> : vector<256xf32>
      %reduce_max3A_77 = vector.multi_reduction <maximumf>, %select_n3A_75, %reduce_max3A_76 [1] : vector<256x64xf32> to vector<256xf32>
      %broadcast_in_dim3A_78 = vector.shape_cast %reduce_max3A_77 : vector<256xf32> to vector<256x1xf32>
      %eq3A_79 = vector.broadcast %broadcast_in_dim3A_78 : vector<256x1xf32> to vector<256x64xf32>
      %eq3A_80 = arith.cmpf oeq, %select_n3A_75, %eq3A_79 : vector<256x64xf32>
      %jit3A_81 = arith.constant 64 : i32
      %broadcast_in_dim3A_82 = vector.broadcast %jit3A_81 : i32 to vector<256x64xi32>
      %select_n3A_83 = arith.select %eq3A_80, %iota3A, %broadcast_in_dim3A_82 : vector<256x64xi1>, vector<256x64xi32>
      %reduce_min3A_84 = arith.constant dense<2147483647> : vector<256xi32>
      %reduce_min3A_85 = vector.multi_reduction <minsi>, %select_n3A_83, %reduce_min3A_84 [1] : vector<256x64xi32> to vector<256xi32>
      %broadcast_in_dim3A_86 = vector.shape_cast %reduce_min3A_85 : vector<256xi32> to vector<256x1xi32>
      %eq3A_87 = vector.broadcast %broadcast_in_dim3A_86 : vector<256x1xi32> to vector<256x64xi32>
      %eq3A_88 = arith.cmpi eq, %iota3A, %eq3A_87 : vector<256x64xi32>
      %jit3A_89 = arith.constant -1.000000e+00 : f32
      %broadcast_in_dim3A_90 = vector.broadcast %jit3A_89 : f32 to vector<256x64xf32>
      %select_n3A_91 = arith.select %eq3A_88, %broadcast_in_dim3A_90, %select_n3A_75 : vector<256x64xi1>, vector<256x64xf32>
      %reduce_max3A_92 = arith.constant dense<0xFF800000> : vector<256xf32>
      %reduce_max3A_93 = vector.multi_reduction <maximumf>, %select_n3A_91, %reduce_max3A_92 [1] : vector<256x64xf32> to vector<256xf32>
      %broadcast_in_dim3A_94 = vector.shape_cast %reduce_max3A_93 : vector<256xf32> to vector<256x1xf32>
      %eq3A_95 = vector.broadcast %broadcast_in_dim3A_94 : vector<256x1xf32> to vector<256x64xf32>
      %eq3A_96 = arith.cmpf oeq, %select_n3A_91, %eq3A_95 : vector<256x64xf32>
      %jit3A_97 = arith.constant 64 : i32
      %broadcast_in_dim3A_98 = vector.broadcast %jit3A_97 : i32 to vector<256x64xi32>
      %select_n3A_99 = arith.select %eq3A_96, %iota3A, %broadcast_in_dim3A_98 : vector<256x64xi1>, vector<256x64xi32>
      %reduce_min3A_100 = arith.constant dense<2147483647> : vector<256xi32>
      %reduce_min3A_101 = vector.multi_reduction <minsi>, %select_n3A_99, %reduce_min3A_100 [1] : vector<256x64xi32> to vector<256xi32>
      %broadcast_in_dim3A_102 = vector.shape_cast %reduce_min3A_101 : vector<256xi32> to vector<256x1xi32>
      %eq3A_103 = vector.broadcast %broadcast_in_dim3A_102 : vector<256x1xi32> to vector<256x64xi32>
      %eq3A_104 = arith.cmpi eq, %iota3A, %eq3A_103 : vector<256x64xi32>
      %jit3A_105 = arith.constant -1.000000e+00 : f32
      %broadcast_in_dim3A_106 = vector.broadcast %jit3A_105 : f32 to vector<256x64xf32>
      %select_n3A_107 = arith.select %eq3A_104, %broadcast_in_dim3A_106, %select_n3A_91 : vector<256x64xi1>, vector<256x64xf32>
      %reduce_max3A_108 = arith.constant dense<0xFF800000> : vector<256xf32>
      %reduce_max3A_109 = vector.multi_reduction <maximumf>, %select_n3A_107, %reduce_max3A_108 [1] : vector<256x64xf32> to vector<256xf32>
      %broadcast_in_dim3A_110 = vector.shape_cast %reduce_max3A_109 : vector<256xf32> to vector<256x1xf32>
      %eq3A_111 = vector.broadcast %broadcast_in_dim3A_110 : vector<256x1xf32> to vector<256x64xf32>
      %eq3A_112 = arith.cmpf oeq, %select_n3A_107, %eq3A_111 : vector<256x64xf32>
      %jit3A_113 = arith.constant 64 : i32
      %broadcast_in_dim3A_114 = vector.broadcast %jit3A_113 : i32 to vector<256x64xi32>
      %select_n3A_115 = arith.select %eq3A_112, %iota3A, %broadcast_in_dim3A_114 : vector<256x64xi1>, vector<256x64xi32>
      %reduce_min3A_116 = arith.constant dense<2147483647> : vector<256xi32>
      %reduce_min3A_117 = vector.multi_reduction <minsi>, %select_n3A_115, %reduce_min3A_116 [1] : vector<256x64xi32> to vector<256xi32>
      %broadcast_in_dim3A_118 = vector.shape_cast %reduce_min3A_117 : vector<256xi32> to vector<256x1xi32>
      %eq3A_119 = vector.broadcast %broadcast_in_dim3A_118 : vector<256x1xi32> to vector<256x64xi32>
      %eq3A_120 = arith.cmpi eq, %iota3A, %eq3A_119 : vector<256x64xi32>
      %jit3A_121 = arith.constant -1.000000e+00 : f32
      %broadcast_in_dim3A_122 = vector.broadcast %jit3A_121 : f32 to vector<256x64xf32>
      %select_n3A_123 = arith.select %eq3A_120, %broadcast_in_dim3A_122, %select_n3A_107 : vector<256x64xi1>, vector<256x64xf32>
      %reduce_max3A_124 = arith.constant dense<0xFF800000> : vector<256xf32>
      %reduce_max3A_125 = vector.multi_reduction <maximumf>, %select_n3A_123, %reduce_max3A_124 [1] : vector<256x64xf32> to vector<256xf32>
      %broadcast_in_dim3A_126 = vector.shape_cast %reduce_max3A_125 : vector<256xf32> to vector<256x1xf32>
      %eq3A_127 = vector.broadcast %broadcast_in_dim3A_126 : vector<256x1xf32> to vector<256x64xf32>
      %eq3A_128 = arith.cmpf oeq, %select_n3A_123, %eq3A_127 : vector<256x64xf32>
      %jit3A_129 = arith.constant 64 : i32
      %broadcast_in_dim3A_130 = vector.broadcast %jit3A_129 : i32 to vector<256x64xi32>
      %select_n3A_131 = arith.select %eq3A_128, %iota3A, %broadcast_in_dim3A_130 : vector<256x64xi1>, vector<256x64xi32>
      %reduce_min3A_132 = arith.constant dense<2147483647> : vector<256xi32>
      %reduce_min3A_133 = vector.multi_reduction <minsi>, %select_n3A_131, %reduce_min3A_132 [1] : vector<256x64xi32> to vector<256xi32>
      %broadcast_in_dim3A_134 = vector.shape_cast %reduce_min3A_133 : vector<256xi32> to vector<256x1xi32>
      %eq3A_135 = vector.broadcast %broadcast_in_dim3A_134 : vector<256x1xi32> to vector<256x64xi32>
      %eq3A_136 = arith.cmpi eq, %iota3A, %eq3A_135 : vector<256x64xi32>
      %jit3A_137 = arith.constant -1.000000e+00 : f32
      %broadcast_in_dim3A_138 = vector.broadcast %jit3A_137 : f32 to vector<256x64xf32>
      %select_n3A_139 = arith.select %eq3A_136, %broadcast_in_dim3A_138, %select_n3A_123 : vector<256x64xi1>, vector<256x64xf32>
      %reduce_max3A_140 = arith.constant dense<0xFF800000> : vector<256xf32>
      %reduce_max3A_141 = vector.multi_reduction <maximumf>, %select_n3A_139, %reduce_max3A_140 [1] : vector<256x64xf32> to vector<256xf32>
      %broadcast_in_dim3A_142 = vector.shape_cast %reduce_max3A_141 : vector<256xf32> to vector<256x1xf32>
      %eq3A_143 = vector.broadcast %broadcast_in_dim3A_142 : vector<256x1xf32> to vector<256x64xf32>
      %eq3A_144 = arith.cmpf oeq, %select_n3A_139, %eq3A_143 : vector<256x64xf32>
      %jit3A_145 = arith.constant 64 : i32
      %broadcast_in_dim3A_146 = vector.broadcast %jit3A_145 : i32 to vector<256x64xi32>
      %select_n3A_147 = arith.select %eq3A_144, %iota3A, %broadcast_in_dim3A_146 : vector<256x64xi1>, vector<256x64xi32>
      %reduce_min3A_148 = arith.constant dense<2147483647> : vector<256xi32>
      %reduce_min3A_149 = vector.multi_reduction <minsi>, %select_n3A_147, %reduce_min3A_148 [1] : vector<256x64xi32> to vector<256xi32>
      %broadcast_in_dim3A_150 = vector.shape_cast %reduce_min3A_149 : vector<256xi32> to vector<256x1xi32>
      %eq3A_151 = vector.broadcast %broadcast_in_dim3A_150 : vector<256x1xi32> to vector<256x64xi32>
      %eq3A_152 = arith.cmpi eq, %iota3A, %eq3A_151 : vector<256x64xi32>
      %jit3A_153 = arith.constant -1.000000e+00 : f32
      %broadcast_in_dim3A_154 = vector.broadcast %jit3A_153 : f32 to vector<256x64xf32>
      %select_n3A_155 = arith.select %eq3A_152, %broadcast_in_dim3A_154, %select_n3A_139 : vector<256x64xi1>, vector<256x64xf32>
      %reduce_max3A_156 = arith.constant dense<0xFF800000> : vector<256xf32>
      %reduce_max3A_157 = vector.multi_reduction <maximumf>, %select_n3A_155, %reduce_max3A_156 [1] : vector<256x64xf32> to vector<256xf32>
      %broadcast_in_dim3A_158 = vector.shape_cast %reduce_max3A_157 : vector<256xf32> to vector<256x1xf32>
      %eq3A_159 = vector.broadcast %broadcast_in_dim3A_158 : vector<256x1xf32> to vector<256x64xf32>
      %eq3A_160 = arith.cmpf oeq, %select_n3A_155, %eq3A_159 : vector<256x64xf32>
      %jit3A_161 = arith.constant 64 : i32
      %broadcast_in_dim3A_162 = vector.broadcast %jit3A_161 : i32 to vector<256x64xi32>
      %select_n3A_163 = arith.select %eq3A_160, %iota3A, %broadcast_in_dim3A_162 : vector<256x64xi1>, vector<256x64xi32>
      %reduce_min3A_164 = arith.constant dense<2147483647> : vector<256xi32>
      %reduce_min3A_165 = vector.multi_reduction <minsi>, %select_n3A_163, %reduce_min3A_164 [1] : vector<256x64xi32> to vector<256xi32>
      %broadcast_in_dim3A_166 = vector.shape_cast %reduce_min3A_165 : vector<256xi32> to vector<256x1xi32>
      %eq3A_167 = vector.broadcast %broadcast_in_dim3A_166 : vector<256x1xi32> to vector<256x64xi32>
      %eq3A_168 = arith.cmpi eq, %iota3A, %eq3A_167 : vector<256x64xi32>
      %jit3A_169 = arith.constant -1.000000e+00 : f32
      %broadcast_in_dim3A_170 = vector.broadcast %jit3A_169 : f32 to vector<256x64xf32>
      %select_n3A_171 = arith.select %eq3A_168, %broadcast_in_dim3A_170, %select_n3A_155 : vector<256x64xi1>, vector<256x64xf32>
      %lt3A_172 = arith.constant 0.000000e+00 : f32
      %lt3A_173 = vector.broadcast %lt3A_172 : f32 to vector<256x64xf32>
      %lt3A_174 = arith.cmpf olt, %select_n3A_171, %lt3A_173 : vector<256x64xf32>
      %convert_element_type3A_175 = arith.extui %lt3A_174 : vector<256x64xi1> to vector<256x64xi32>
      %convert_element_type3A_176 = arith.sitofp %convert_element_type3A_175 : vector<256x64xi32> to vector<256x64xf32>
      %mul3A = arith.constant 256 : i32
      %mul3A_177 = arith.muli %arg0, %mul3A : i32
      %mul3A_178 = arith.mulf %div3A_46, %convert_element_type3A_176 : vector<256x64xf32>
      %swap3A_179 = arith.index_cast %mul3A_177 : i32 to index
      %swap3A_180 = arith.constant 0 : index
      %swap3A_181 = vector.load %arg8[%swap3A_179, %swap3A_180] : memref<2048x64xf32, #tpu.memory_space<vmem>>, vector<256x64xf32>
      tpu.vector_store %arg8[%swap3A_179, %swap3A_180], %mul3A_178 {strides = array<i32>} : memref<2048x64xf32, #tpu.memory_space<vmem>>, vector<256x64xf32>,
      %swap3A_182 = arith.index_cast %mul3A_177 : i32 to index
      %swap3A_183 = arith.constant 0 : index
      %swap3A_184 = vector.load %arg9[%swap3A_182, %swap3A_183] : memref<2048x64xf32, #tpu.memory_space<vmem>>, vector<256x64xf32>
      tpu.vector_store %arg9[%swap3A_182, %swap3A_183], %convert_element_type3A_176 {strides = array<i32>} : memref<2048x64xf32, #tpu.memory_space<vmem>>, vector<256x64xf32>,
      %iota3A_185 = tpu.iota {dimensions = array<i32: 0>} : vector<256x256xi32>
      %iota3A_186 = tpu.iota {dimensions = array<i32: 1>} : vector<256x256xi32>
      %ge3A = arith.cmpi sge, %iota3A_185, %iota3A_186 : vector<256x256xi32>
      %convert_element_type3A_187 = arith.extui %ge3A : vector<256x256xi1> to vector<256x256xi32>
      %convert_element_type3A_188 = arith.sitofp %convert_element_type3A_187 : vector<256x256xi32> to vector<256x256xf32>
      %dot_general3A_189 = arith.constant dense<0.000000e+00> : vector<256x64xf32>
      %dot_general3A_190 = tpu.matmul %convert_element_type3A_188, %convert_element_type3A_176, %dot_general3A_189 {dimension_numbers = #tpu.dot_dimension_numbers<[1], [0], [0], [1], [0, 0, 1, 1], [], []>, transpose_lhs_hint = false} : vector<256x256xf32>, vector<256x64xf32>, vector<256x64xf32> -> vector<256x64xf32>
      %get3A_191 = arith.constant 0 : index
      %get3A_192 = arith.constant 0 : index
      %get3A_193 = vector.load %arg7[%get3A_191, %get3A_192] : memref<8x64xf32, #tpu.memory_space<vmem>>, vector<1x64xf32>
      %add3A_194 = vector.broadcast %get3A_193 : vector<1x64xf32> to vector<256x64xf32>
      %add3A_195 = arith.addf %add3A_194, %dot_general3A_190 : vector<256x64xf32>
      %sub3A_196 = arith.subf %add3A_195, %convert_element_type3A_176 : vector<256x64xf32>
      %swap3A_197 = arith.index_cast %mul3A_177 : i32 to index
      %swap3A_198 = arith.constant 0 : index
      %swap3A_199 = vector.load %arg10[%swap3A_197, %swap3A_198] : memref<2048x64xf32, #tpu.memory_space<vmem>>, vector<256x64xf32>
      tpu.vector_store %arg10[%swap3A_197, %swap3A_198], %sub3A_196 {strides = array<i32>} : memref<2048x64xf32, #tpu.memory_space<vmem>>, vector<256x64xf32>,
      %slice3A = vector.extract_strided_slice %dot_general3A_190 {offsets = [255, 0], sizes = [1, 64], strides = [1, 1]} : vector<256x64xf32> to vector<1x64xf32>
      %add3A_200 = arith.addf %get3A_193, %slice3A : vector<1x64xf32>
      %swap3A_201 = arith.constant 0 : index
      %swap3A_202 = arith.constant 0 : index
      %swap3A_203 = vector.load %arg7[%swap3A_201, %swap3A_202] : memref<8x64xf32, #tpu.memory_space<vmem>>, vector<1x64xf32>
      tpu.vector_store %arg7[%swap3A_201, %swap3A_202], %add3A_200 {strides = array<i32>} : memref<8x64xf32, #tpu.memory_space<vmem>>, vector<1x64xf32>,
    } else {
    }
    %eq3A_6 = arith.constant 8 : i32
    %eq3A_7 = arith.cmpi eq, %arg0, %eq3A_6 : i32
    %convert_element_type3A_8 = arith.extui %eq3A_7 : i1 to i32
    %cond3A_9 = arith.constant 0 : i32
    %cond3A_10 = arith.cmpi ne, %convert_element_type3A_8, %cond3A_9 : i32
    scf.if %cond3A_10 {
      %get3A = arith.constant 0 : index
      %get3A_15 = arith.constant 0 : index
      %get3A_16 = vector.load %arg7[%get3A, %get3A_15] : memref<8x64xf32, #tpu.memory_space<vmem>>, vector<1x64xf32>
      %broadcast_in_dim3A = vector.shape_cast %get3A_16 : vector<1x64xf32> to vector<1x64xf32>
      %broadcast_in_dim3A_17 = vector.broadcast %broadcast_in_dim3A : vector<1x64xf32> to vector<8x64xf32>
      %add3A = arith.constant 5.110000e+02 : f32
      %add3A_18 = vector.broadcast %add3A : f32 to vector<8x64xf32>
      %add3A_19 = arith.addf %broadcast_in_dim3A_17, %add3A_18 : vector<8x64xf32>
      %mul3A = arith.constant 0.001953125 : f32
      %mul3A_20 = vector.broadcast %mul3A : f32 to vector<8x64xf32>
      %mul3A_21 = arith.mulf %add3A_19, %mul3A_20 : vector<8x64xf32>
      %floor3A = math.floor %mul3A_21 : vector<8x64xf32>
      %mul3A_22 = arith.constant 5.120000e+02 : f32
      %mul3A_23 = vector.broadcast %mul3A_22 : f32 to vector<8x64xf32>
      %mul3A_24 = arith.mulf %floor3A, %mul3A_23 : vector<8x64xf32>
      %iota3A = tpu.iota {dimensions = array<i32: 0>} : vector<64x64xi32>
      %iota3A_25 = tpu.iota {dimensions = array<i32: 1>} : vector<64x64xi32>
      %lt3A_26 = arith.cmpi slt, %iota3A, %iota3A_25 : vector<64x64xi32>
      %convert_element_type3A_27 = arith.extui %lt3A_26 : vector<64x64xi1> to vector<64x64xi32>
      %convert_element_type3A_28 = arith.sitofp %convert_element_type3A_27 : vector<64x64xi32> to vector<64x64xf32>
      %dot_general3A = arith.constant dense<0.000000e+00> : vector<8x64xf32>
      %dot_general3A_29 = tpu.matmul %mul3A_24, %convert_element_type3A_28, %dot_general3A {dimension_numbers = #tpu.dot_dimension_numbers<[1], [0], [0], [1], [0, 0, 1, 1], [], []>, transpose_lhs_hint = false} : vector<8x64xf32>, vector<64x64xf32>, vector<8x64xf32> -> vector<8x64xf32>
      %swap3A = arith.constant 0 : index
      %swap3A_30 = arith.constant 0 : index
      %swap3A_31 = vector.load %arg11[%swap3A, %swap3A_30] : memref<8x64xf32, #tpu.memory_space<vmem>>, vector<8x64xf32>
      tpu.vector_store %arg11[%swap3A, %swap3A_30], %dot_general3A_29 {strides = array<i32>} : memref<8x64xf32, #tpu.memory_space<vmem>>, vector<8x64xf32>,
      %slice3A = vector.extract_strided_slice %dot_general3A_29 {offsets = [0, 0], sizes = [1, 64], strides = [1, 1]} : vector<8x64xf32> to vector<1x64xf32>
      %slice3A_32 = vector.extract_strided_slice %mul3A_24 {offsets = [0, 0], sizes = [1, 64], strides = [1, 1]} : vector<8x64xf32> to vector<1x64xf32>
      %add3A_33 = arith.addf %slice3A, %slice3A_32 : vector<1x64xf32>
      %iota3A_34 = tpu.iota {dimensions = array<i32: 0>} : vector<96x1xi32>
      %convert_element_type3A_35 = arith.sitofp %iota3A_34 : vector<96x1xi32> to vector<96x1xf32>
      %mul3A_36 = arith.constant 5.120000e+02 : f32
      %mul3A_37 = vector.broadcast %mul3A_36 : f32 to vector<96x1xf32>
      %mul3A_38 = arith.mulf %convert_element_type3A_35, %mul3A_37 : vector<96x1xf32>
      %broadcast_in_dim3A_39 = vector.shape_cast %add3A_33 : vector<1x64xf32> to vector<1x64xf32>
      %broadcast_in_dim3A_40 = vector.broadcast %broadcast_in_dim3A_39 : vector<1x64xf32> to vector<96x64xf32>
      %le3A = vector.broadcast %mul3A_38 : vector<96x1xf32> to vector<96x64xf32>
      %le3A_41 = arith.cmpf ole, %broadcast_in_dim3A_40, %le3A : vector<96x64xf32>
      %convert_element_type3A_42 = arith.extui %le3A_41 : vector<96x64xi1> to vector<96x64xi32>
      %convert_element_type3A_43 = arith.sitofp %convert_element_type3A_42 : vector<96x64xi32> to vector<96x64xf32>
      %reduce_sum3A = arith.constant dense<0.000000e+00> : vector<96xf32>
      %reduce_sum3A_44 = vector.multi_reduction <add>, %convert_element_type3A_43, %reduce_sum3A [1] : vector<96x64xf32> to vector<96xf32>
      %broadcast_in_dim3A_45 = vector.shape_cast %reduce_sum3A_44 : vector<96xf32> to vector<96x1xf32>
      %broadcast_in_dim3A_46 = vector.shape_cast %broadcast_in_dim3A_45 : vector<96x1xf32> to vector<96x1xf32>
      %broadcast_in_dim3A_47 = vector.broadcast %broadcast_in_dim3A_46 : vector<96x1xf32> to vector<96x128xf32>
      %convert_element_type3A_48 = arith.fptosi %broadcast_in_dim3A_47 : vector<96x128xf32> to vector<96x128xi32>
      %swap3A_49 = arith.constant 0 : index
      %swap3A_50 = arith.constant 0 : index
      %swap3A_51 = vector.load %arg5[%swap3A_49, %swap3A_50] : memref<96x128xi32, #tpu.memory_space<vmem>>, vector<96x128xi32>
      tpu.vector_store %arg5[%swap3A_49, %swap3A_50], %convert_element_type3A_48 {strides = array<i32>} : memref<96x128xi32, #tpu.memory_space<vmem>>, vector<96x128xi32>,
    } else {
    }
    %gt3A = arith.constant 8 : i32
    %gt3A_11 = arith.cmpi sgt, %arg0, %gt3A : i32
    %convert_element_type3A_12 = arith.extui %gt3A_11 : i1 to i32
    %cond3A_13 = arith.constant 0 : i32
    %cond3A_14 = arith.cmpi ne, %convert_element_type3A_12, %cond3A_13 : i32
    scf.if %cond3A_14 {
      %sub3A = arith.constant 8 : i32
      %sub3A_15 = arith.subi %arg0, %sub3A : i32
      %sub3A_16 = arith.constant 1 : i32
      %sub3A_17 = arith.subi %sub3A_15, %sub3A_16 : i32
      %mul3A = arith.constant 256 : i32
      %mul3A_18 = arith.muli %sub3A_17, %mul3A : i32
      %get3A = arith.index_cast %mul3A_18 : i32 to index
      %get3A_19 = arith.constant 0 : index
      %get3A_20 = vector.load %arg9[%get3A, %get3A_19] : memref<2048x64xf32, #tpu.memory_space<vmem>>, vector<256x64xf32>
      %iota3A = tpu.iota {dimensions = array<i32: 0>} : vector<64x64xi32>
      %iota3A_21 = tpu.iota {dimensions = array<i32: 1>} : vector<64x64xi32>
      %lt3A_22 = arith.cmpi slt, %iota3A, %iota3A_21 : vector<64x64xi32>
      %convert_element_type3A_23 = arith.extui %lt3A_22 : vector<64x64xi1> to vector<64x64xi32>
      %convert_element_type3A_24 = arith.sitofp %convert_element_type3A_23 : vector<64x64xi32> to vector<64x64xf32>
      %dot_general3A = arith.constant dense<0.000000e+00> : vector<256x64xf32>
      %dot_general3A_25 = tpu.matmul %get3A_20, %convert_element_type3A_24, %dot_general3A {dimension_numbers = #tpu.dot_dimension_numbers<[1], [0], [0], [1], [0, 0, 1, 1], [], []>, transpose_lhs_hint = false} : vector<256x64xf32>, vector<64x64xf32>, vector<256x64xf32> -> vector<256x64xf32>
      %get3A_26 = arith.constant 0 : index
      %get3A_27 = arith.constant 0 : index
      %get3A_28 = vector.load %arg11[%get3A_26, %get3A_27] : memref<8x64xf32, #tpu.memory_space<vmem>>, vector<1x64xf32>
      %get3A_29 = arith.index_cast %mul3A_18 : i32 to index
      %get3A_30 = arith.constant 0 : index
      %get3A_31 = vector.load %arg10[%get3A_29, %get3A_30] : memref<2048x64xf32, #tpu.memory_space<vmem>>, vector<256x64xf32>
      %add3A = vector.broadcast %get3A_28 : vector<1x64xf32> to vector<256x64xf32>
      %add3A_32 = arith.addf %add3A, %get3A_31 : vector<256x64xf32>
      %get3A_33 = arith.index_cast %mul3A_18 : i32 to index
      %get3A_34 = arith.constant 0 : index
      %get3A_35 = vector.load %arg8[%get3A_33, %get3A_34] : memref<2048x64xf32, #tpu.memory_space<vmem>>, vector<256x64xf32>
      %eq3A_36 = arith.constant 0.000000e+00 : f32
      %eq3A_37 = vector.broadcast %eq3A_36 : f32 to vector<256x64xf32>
      %eq3A_38 = arith.cmpf oeq, %dot_general3A_25, %eq3A_37 : vector<256x64xf32>
      %convert_element_type3A_39 = arith.extui %eq3A_38 : vector<256x64xi1> to vector<256x64xi32>
      %convert_element_type3A_40 = arith.sitofp %convert_element_type3A_39 : vector<256x64xi32> to vector<256x64xf32>
      %mul3A_41 = arith.mulf %get3A_20, %convert_element_type3A_40 : vector<256x64xf32>
      %mul3A_42 = arith.mulf %add3A_32, %mul3A_41 : vector<256x64xf32>
      %reduce_sum3A = arith.constant dense<0.000000e+00> : vector<256xf32>
      %reduce_sum3A_43 = vector.multi_reduction <add>, %mul3A_42, %reduce_sum3A [1] : vector<256x64xf32> to vector<256xf32>
      %broadcast_in_dim3A = vector.shape_cast %reduce_sum3A_43 : vector<256xf32> to vector<256x1xf32>
      %convert_element_type3A_44 = arith.fptosi %broadcast_in_dim3A : vector<256x1xf32> to vector<256x1xi32>
      %swap3A = arith.constant 0 : index
      %swap3A_45 = arith.constant 0 : index
      %swap3A_46 = vector.load %arg3[%swap3A, %swap3A_45] : memref<256x8xi32, #tpu.memory_space<vmem>>, vector<256x1xi32>
      tpu.vector_store %arg3[%swap3A, %swap3A_45], %convert_element_type3A_44 {strides = array<i32>} : memref<256x8xi32, #tpu.memory_space<vmem>>, vector<256x1xi32>,
      %mul3A_47 = arith.mulf %get3A_35, %mul3A_41 : vector<256x64xf32>
      %reduce_sum3A_48 = arith.constant dense<0.000000e+00> : vector<256xf32>
      %reduce_sum3A_49 = vector.multi_reduction <add>, %mul3A_47, %reduce_sum3A_48 [1] : vector<256x64xf32> to vector<256xf32>
      %broadcast_in_dim3A_50 = vector.shape_cast %reduce_sum3A_49 : vector<256xf32> to vector<256x1xf32>
      %swap3A_51 = arith.constant 0 : index
      %swap3A_52 = arith.constant 0 : index
      %swap3A_53 = vector.load %arg4[%swap3A_51, %swap3A_52] : memref<256x8xf32, #tpu.memory_space<vmem>>, vector<256x1xf32>
      tpu.vector_store %arg4[%swap3A_51, %swap3A_52], %broadcast_in_dim3A_50 {strides = array<i32>} : memref<256x8xf32, #tpu.memory_space<vmem>>, vector<256x1xf32>,
      %eq3A_54 = arith.constant 1.000000e+00 : f32
      %eq3A_55 = vector.broadcast %eq3A_54 : f32 to vector<256x64xf32>
      %eq3A_56 = arith.cmpf oeq, %dot_general3A_25, %eq3A_55 : vector<256x64xf32>
      %convert_element_type3A_57 = arith.extui %eq3A_56 : vector<256x64xi1> to vector<256x64xi32>
      %convert_element_type3A_58 = arith.sitofp %convert_element_type3A_57 : vector<256x64xi32> to vector<256x64xf32>
      %mul3A_59 = arith.mulf %get3A_20, %convert_element_type3A_58 : vector<256x64xf32>
      %mul3A_60 = arith.mulf %add3A_32, %mul3A_59 : vector<256x64xf32>
      %reduce_sum3A_61 = arith.constant dense<0.000000e+00> : vector<256xf32>
      %reduce_sum3A_62 = vector.multi_reduction <add>, %mul3A_60, %reduce_sum3A_61 [1] : vector<256x64xf32> to vector<256xf32>
      %broadcast_in_dim3A_63 = vector.shape_cast %reduce_sum3A_62 : vector<256xf32> to vector<256x1xf32>
      %convert_element_type3A_64 = arith.fptosi %broadcast_in_dim3A_63 : vector<256x1xf32> to vector<256x1xi32>
      %swap3A_65 = arith.constant 0 : index
      %swap3A_66 = arith.constant 1 : index
      %swap3A_67 = vector.load %arg3[%swap3A_65, %swap3A_66] : memref<256x8xi32, #tpu.memory_space<vmem>>, vector<256x1xi32>
      tpu.vector_store %arg3[%swap3A_65, %swap3A_66], %convert_element_type3A_64 {strides = array<i32>} : memref<256x8xi32, #tpu.memory_space<vmem>>, vector<256x1xi32>,
      %mul3A_68 = arith.mulf %get3A_35, %mul3A_59 : vector<256x64xf32>
      %reduce_sum3A_69 = arith.constant dense<0.000000e+00> : vector<256xf32>
      %reduce_sum3A_70 = vector.multi_reduction <add>, %mul3A_68, %reduce_sum3A_69 [1] : vector<256x64xf32> to vector<256xf32>
      %broadcast_in_dim3A_71 = vector.shape_cast %reduce_sum3A_70 : vector<256xf32> to vector<256x1xf32>
      %swap3A_72 = arith.constant 0 : index
      %swap3A_73 = arith.constant 1 : index
      %swap3A_74 = vector.load %arg4[%swap3A_72, %swap3A_73] : memref<256x8xf32, #tpu.memory_space<vmem>>, vector<256x1xf32>
      tpu.vector_store %arg4[%swap3A_72, %swap3A_73], %broadcast_in_dim3A_71 {strides = array<i32>} : memref<256x8xf32, #tpu.memory_space<vmem>>, vector<256x1xf32>,
      %eq3A_75 = arith.constant 2.000000e+00 : f32
      %eq3A_76 = vector.broadcast %eq3A_75 : f32 to vector<256x64xf32>
      %eq3A_77 = arith.cmpf oeq, %dot_general3A_25, %eq3A_76 : vector<256x64xf32>
      %convert_element_type3A_78 = arith.extui %eq3A_77 : vector<256x64xi1> to vector<256x64xi32>
      %convert_element_type3A_79 = arith.sitofp %convert_element_type3A_78 : vector<256x64xi32> to vector<256x64xf32>
      %mul3A_80 = arith.mulf %get3A_20, %convert_element_type3A_79 : vector<256x64xf32>
      %mul3A_81 = arith.mulf %add3A_32, %mul3A_80 : vector<256x64xf32>
      %reduce_sum3A_82 = arith.constant dense<0.000000e+00> : vector<256xf32>
      %reduce_sum3A_83 = vector.multi_reduction <add>, %mul3A_81, %reduce_sum3A_82 [1] : vector<256x64xf32> to vector<256xf32>
      %broadcast_in_dim3A_84 = vector.shape_cast %reduce_sum3A_83 : vector<256xf32> to vector<256x1xf32>
      %convert_element_type3A_85 = arith.fptosi %broadcast_in_dim3A_84 : vector<256x1xf32> to vector<256x1xi32>
      %swap3A_86 = arith.constant 0 : index
      %swap3A_87 = arith.constant 2 : index
      %swap3A_88 = vector.load %arg3[%swap3A_86, %swap3A_87] : memref<256x8xi32, #tpu.memory_space<vmem>>, vector<256x1xi32>
      tpu.vector_store %arg3[%swap3A_86, %swap3A_87], %convert_element_type3A_85 {strides = array<i32>} : memref<256x8xi32, #tpu.memory_space<vmem>>, vector<256x1xi32>,
      %mul3A_89 = arith.mulf %get3A_35, %mul3A_80 : vector<256x64xf32>
      %reduce_sum3A_90 = arith.constant dense<0.000000e+00> : vector<256xf32>
      %reduce_sum3A_91 = vector.multi_reduction <add>, %mul3A_89, %reduce_sum3A_90 [1] : vector<256x64xf32> to vector<256xf32>
      %broadcast_in_dim3A_92 = vector.shape_cast %reduce_sum3A_91 : vector<256xf32> to vector<256x1xf32>
      %swap3A_93 = arith.constant 0 : index
      %swap3A_94 = arith.constant 2 : index
      %swap3A_95 = vector.load %arg4[%swap3A_93, %swap3A_94] : memref<256x8xf32, #tpu.memory_space<vmem>>, vector<256x1xf32>
      tpu.vector_store %arg4[%swap3A_93, %swap3A_94], %broadcast_in_dim3A_92 {strides = array<i32>} : memref<256x8xf32, #tpu.memory_space<vmem>>, vector<256x1xf32>,
      %eq3A_96 = arith.constant 3.000000e+00 : f32
      %eq3A_97 = vector.broadcast %eq3A_96 : f32 to vector<256x64xf32>
      %eq3A_98 = arith.cmpf oeq, %dot_general3A_25, %eq3A_97 : vector<256x64xf32>
      %convert_element_type3A_99 = arith.extui %eq3A_98 : vector<256x64xi1> to vector<256x64xi32>
      %convert_element_type3A_100 = arith.sitofp %convert_element_type3A_99 : vector<256x64xi32> to vector<256x64xf32>
      %mul3A_101 = arith.mulf %get3A_20, %convert_element_type3A_100 : vector<256x64xf32>
      %mul3A_102 = arith.mulf %add3A_32, %mul3A_101 : vector<256x64xf32>
      %reduce_sum3A_103 = arith.constant dense<0.000000e+00> : vector<256xf32>
      %reduce_sum3A_104 = vector.multi_reduction <add>, %mul3A_102, %reduce_sum3A_103 [1] : vector<256x64xf32> to vector<256xf32>
      %broadcast_in_dim3A_105 = vector.shape_cast %reduce_sum3A_104 : vector<256xf32> to vector<256x1xf32>
      %convert_element_type3A_106 = arith.fptosi %broadcast_in_dim3A_105 : vector<256x1xf32> to vector<256x1xi32>
      %swap3A_107 = arith.constant 0 : index
      %swap3A_108 = arith.constant 3 : index
      %swap3A_109 = vector.load %arg3[%swap3A_107, %swap3A_108] : memref<256x8xi32, #tpu.memory_space<vmem>>, vector<256x1xi32>
      tpu.vector_store %arg3[%swap3A_107, %swap3A_108], %convert_element_type3A_106 {strides = array<i32>} : memref<256x8xi32, #tpu.memory_space<vmem>>, vector<256x1xi32>,
      %mul3A_110 = arith.mulf %get3A_35, %mul3A_101 : vector<256x64xf32>
      %reduce_sum3A_111 = arith.constant dense<0.000000e+00> : vector<256xf32>
      %reduce_sum3A_112 = vector.multi_reduction <add>, %mul3A_110, %reduce_sum3A_111 [1] : vector<256x64xf32> to vector<256xf32>
      %broadcast_in_dim3A_113 = vector.shape_cast %reduce_sum3A_112 : vector<256xf32> to vector<256x1xf32>
      %swap3A_114 = arith.constant 0 : index
      %swap3A_115 = arith.constant 3 : index
      %swap3A_116 = vector.load %arg4[%swap3A_114, %swap3A_115] : memref<256x8xf32, #tpu.memory_space<vmem>>, vector<256x1xf32>
      tpu.vector_store %arg4[%swap3A_114, %swap3A_115], %broadcast_in_dim3A_113 {strides = array<i32>} : memref<256x8xf32, #tpu.memory_space<vmem>>, vector<256x1xf32>,
      %eq3A_117 = arith.constant 4.000000e+00 : f32
      %eq3A_118 = vector.broadcast %eq3A_117 : f32 to vector<256x64xf32>
      %eq3A_119 = arith.cmpf oeq, %dot_general3A_25, %eq3A_118 : vector<256x64xf32>
      %convert_element_type3A_120 = arith.extui %eq3A_119 : vector<256x64xi1> to vector<256x64xi32>
      %convert_element_type3A_121 = arith.sitofp %convert_element_type3A_120 : vector<256x64xi32> to vector<256x64xf32>
      %mul3A_122 = arith.mulf %get3A_20, %convert_element_type3A_121 : vector<256x64xf32>
      %mul3A_123 = arith.mulf %add3A_32, %mul3A_122 : vector<256x64xf32>
      %reduce_sum3A_124 = arith.constant dense<0.000000e+00> : vector<256xf32>
      %reduce_sum3A_125 = vector.multi_reduction <add>, %mul3A_123, %reduce_sum3A_124 [1] : vector<256x64xf32> to vector<256xf32>
      %broadcast_in_dim3A_126 = vector.shape_cast %reduce_sum3A_125 : vector<256xf32> to vector<256x1xf32>
      %convert_element_type3A_127 = arith.fptosi %broadcast_in_dim3A_126 : vector<256x1xf32> to vector<256x1xi32>
      %swap3A_128 = arith.constant 0 : index
      %swap3A_129 = arith.constant 4 : index
      %swap3A_130 = vector.load %arg3[%swap3A_128, %swap3A_129] : memref<256x8xi32, #tpu.memory_space<vmem>>, vector<256x1xi32>
      tpu.vector_store %arg3[%swap3A_128, %swap3A_129], %convert_element_type3A_127 {strides = array<i32>} : memref<256x8xi32, #tpu.memory_space<vmem>>, vector<256x1xi32>,
      %mul3A_131 = arith.mulf %get3A_35, %mul3A_122 : vector<256x64xf32>
      %reduce_sum3A_132 = arith.constant dense<0.000000e+00> : vector<256xf32>
      %reduce_sum3A_133 = vector.multi_reduction <add>, %mul3A_131, %reduce_sum3A_132 [1] : vector<256x64xf32> to vector<256xf32>
      %broadcast_in_dim3A_134 = vector.shape_cast %reduce_sum3A_133 : vector<256xf32> to vector<256x1xf32>
      %swap3A_135 = arith.constant 0 : index
      %swap3A_136 = arith.constant 4 : index
      %swap3A_137 = vector.load %arg4[%swap3A_135, %swap3A_136] : memref<256x8xf32, #tpu.memory_space<vmem>>, vector<256x1xf32>
      tpu.vector_store %arg4[%swap3A_135, %swap3A_136], %broadcast_in_dim3A_134 {strides = array<i32>} : memref<256x8xf32, #tpu.memory_space<vmem>>, vector<256x1xf32>,
      %eq3A_138 = arith.constant 5.000000e+00 : f32
      %eq3A_139 = vector.broadcast %eq3A_138 : f32 to vector<256x64xf32>
      %eq3A_140 = arith.cmpf oeq, %dot_general3A_25, %eq3A_139 : vector<256x64xf32>
      %convert_element_type3A_141 = arith.extui %eq3A_140 : vector<256x64xi1> to vector<256x64xi32>
      %convert_element_type3A_142 = arith.sitofp %convert_element_type3A_141 : vector<256x64xi32> to vector<256x64xf32>
      %mul3A_143 = arith.mulf %get3A_20, %convert_element_type3A_142 : vector<256x64xf32>
      %mul3A_144 = arith.mulf %add3A_32, %mul3A_143 : vector<256x64xf32>
      %reduce_sum3A_145 = arith.constant dense<0.000000e+00> : vector<256xf32>
      %reduce_sum3A_146 = vector.multi_reduction <add>, %mul3A_144, %reduce_sum3A_145 [1] : vector<256x64xf32> to vector<256xf32>
      %broadcast_in_dim3A_147 = vector.shape_cast %reduce_sum3A_146 : vector<256xf32> to vector<256x1xf32>
      %convert_element_type3A_148 = arith.fptosi %broadcast_in_dim3A_147 : vector<256x1xf32> to vector<256x1xi32>
      %swap3A_149 = arith.constant 0 : index
      %swap3A_150 = arith.constant 5 : index
      %swap3A_151 = vector.load %arg3[%swap3A_149, %swap3A_150] : memref<256x8xi32, #tpu.memory_space<vmem>>, vector<256x1xi32>
      tpu.vector_store %arg3[%swap3A_149, %swap3A_150], %convert_element_type3A_148 {strides = array<i32>} : memref<256x8xi32, #tpu.memory_space<vmem>>, vector<256x1xi32>,
      %mul3A_152 = arith.mulf %get3A_35, %mul3A_143 : vector<256x64xf32>
      %reduce_sum3A_153 = arith.constant dense<0.000000e+00> : vector<256xf32>
      %reduce_sum3A_154 = vector.multi_reduction <add>, %mul3A_152, %reduce_sum3A_153 [1] : vector<256x64xf32> to vector<256xf32>
      %broadcast_in_dim3A_155 = vector.shape_cast %reduce_sum3A_154 : vector<256xf32> to vector<256x1xf32>
      %swap3A_156 = arith.constant 0 : index
      %swap3A_157 = arith.constant 5 : index
      %swap3A_158 = vector.load %arg4[%swap3A_156, %swap3A_157] : memref<256x8xf32, #tpu.memory_space<vmem>>, vector<256x1xf32>
      tpu.vector_store %arg4[%swap3A_156, %swap3A_157], %broadcast_in_dim3A_155 {strides = array<i32>} : memref<256x8xf32, #tpu.memory_space<vmem>>, vector<256x1xf32>,
      %eq3A_159 = arith.constant 6.000000e+00 : f32
      %eq3A_160 = vector.broadcast %eq3A_159 : f32 to vector<256x64xf32>
      %eq3A_161 = arith.cmpf oeq, %dot_general3A_25, %eq3A_160 : vector<256x64xf32>
      %convert_element_type3A_162 = arith.extui %eq3A_161 : vector<256x64xi1> to vector<256x64xi32>
      %convert_element_type3A_163 = arith.sitofp %convert_element_type3A_162 : vector<256x64xi32> to vector<256x64xf32>
      %mul3A_164 = arith.mulf %get3A_20, %convert_element_type3A_163 : vector<256x64xf32>
      %mul3A_165 = arith.mulf %add3A_32, %mul3A_164 : vector<256x64xf32>
      %reduce_sum3A_166 = arith.constant dense<0.000000e+00> : vector<256xf32>
      %reduce_sum3A_167 = vector.multi_reduction <add>, %mul3A_165, %reduce_sum3A_166 [1] : vector<256x64xf32> to vector<256xf32>
      %broadcast_in_dim3A_168 = vector.shape_cast %reduce_sum3A_167 : vector<256xf32> to vector<256x1xf32>
      %convert_element_type3A_169 = arith.fptosi %broadcast_in_dim3A_168 : vector<256x1xf32> to vector<256x1xi32>
      %swap3A_170 = arith.constant 0 : index
      %swap3A_171 = arith.constant 6 : index
      %swap3A_172 = vector.load %arg3[%swap3A_170, %swap3A_171] : memref<256x8xi32, #tpu.memory_space<vmem>>, vector<256x1xi32>
      tpu.vector_store %arg3[%swap3A_170, %swap3A_171], %convert_element_type3A_169 {strides = array<i32>} : memref<256x8xi32, #tpu.memory_space<vmem>>, vector<256x1xi32>,
      %mul3A_173 = arith.mulf %get3A_35, %mul3A_164 : vector<256x64xf32>
      %reduce_sum3A_174 = arith.constant dense<0.000000e+00> : vector<256xf32>
      %reduce_sum3A_175 = vector.multi_reduction <add>, %mul3A_173, %reduce_sum3A_174 [1] : vector<256x64xf32> to vector<256xf32>
      %broadcast_in_dim3A_176 = vector.shape_cast %reduce_sum3A_175 : vector<256xf32> to vector<256x1xf32>
      %swap3A_177 = arith.constant 0 : index
      %swap3A_178 = arith.constant 6 : index
      %swap3A_179 = vector.load %arg4[%swap3A_177, %swap3A_178] : memref<256x8xf32, #tpu.memory_space<vmem>>, vector<256x1xf32>
      tpu.vector_store %arg4[%swap3A_177, %swap3A_178], %broadcast_in_dim3A_176 {strides = array<i32>} : memref<256x8xf32, #tpu.memory_space<vmem>>, vector<256x1xf32>,
      %eq3A_180 = arith.constant 7.000000e+00 : f32
      %eq3A_181 = vector.broadcast %eq3A_180 : f32 to vector<256x64xf32>
      %eq3A_182 = arith.cmpf oeq, %dot_general3A_25, %eq3A_181 : vector<256x64xf32>
      %convert_element_type3A_183 = arith.extui %eq3A_182 : vector<256x64xi1> to vector<256x64xi32>
      %convert_element_type3A_184 = arith.sitofp %convert_element_type3A_183 : vector<256x64xi32> to vector<256x64xf32>
      %mul3A_185 = arith.mulf %get3A_20, %convert_element_type3A_184 : vector<256x64xf32>
      %mul3A_186 = arith.mulf %add3A_32, %mul3A_185 : vector<256x64xf32>
      %reduce_sum3A_187 = arith.constant dense<0.000000e+00> : vector<256xf32>
      %reduce_sum3A_188 = vector.multi_reduction <add>, %mul3A_186, %reduce_sum3A_187 [1] : vector<256x64xf32> to vector<256xf32>
      %broadcast_in_dim3A_189 = vector.shape_cast %reduce_sum3A_188 : vector<256xf32> to vector<256x1xf32>
      %convert_element_type3A_190 = arith.fptosi %broadcast_in_dim3A_189 : vector<256x1xf32> to vector<256x1xi32>
      %swap3A_191 = arith.constant 0 : index
      %swap3A_192 = arith.constant 7 : index
      %swap3A_193 = vector.load %arg3[%swap3A_191, %swap3A_192] : memref<256x8xi32, #tpu.memory_space<vmem>>, vector<256x1xi32>
      tpu.vector_store %arg3[%swap3A_191, %swap3A_192], %convert_element_type3A_190 {strides = array<i32>} : memref<256x8xi32, #tpu.memory_space<vmem>>, vector<256x1xi32>,
      %mul3A_194 = arith.mulf %get3A_35, %mul3A_185 : vector<256x64xf32>
      %reduce_sum3A_195 = arith.constant dense<0.000000e+00> : vector<256xf32>
      %reduce_sum3A_196 = vector.multi_reduction <add>, %mul3A_194, %reduce_sum3A_195 [1] : vector<256x64xf32> to vector<256xf32>
      %broadcast_in_dim3A_197 = vector.shape_cast %reduce_sum3A_196 : vector<256xf32> to vector<256x1xf32>
      %swap3A_198 = arith.constant 0 : index
      %swap3A_199 = arith.constant 7 : index
      %swap3A_200 = vector.load %arg4[%swap3A_198, %swap3A_199] : memref<256x8xf32, #tpu.memory_space<vmem>>, vector<256x1xf32>
      tpu.vector_store %arg4[%swap3A_198, %swap3A_199], %broadcast_in_dim3A_197 {strides = array<i32>} : memref<256x8xf32, #tpu.memory_space<vmem>>, vector<256x1xf32>,
    } else {
    }
    return
  }
  func.func @transform_0(%arg0: i32) -> (i32, i32) {
    %min3A = arith.constant 7 : i32
    %min3A_0 = arith.minsi %arg0, %min3A : i32
    %c0_i32 = arith.constant 0 : i32
    %c0_i32_1 = arith.constant 0 : i32
    return %min3A_0, %c0_i32 : i32, i32
  }
  func.func @transform_1(%arg0: i32) -> (i32, i32) {
    %c0_i32 = arith.constant 0 : i32
    %c0_i32_0 = arith.constant 0 : i32
    %c0_i32_1 = arith.constant 0 : i32
    return %c0_i32, %c0_i32_0 : i32, i32
  }
  func.func @transform_2(%arg0: i32) -> (i32, i32) {
    %sub3A = arith.constant 8 : i32
    %sub3A_0 = arith.subi %arg0, %sub3A : i32
    %sub3A_1 = arith.constant 1 : i32
    %sub3A_2 = arith.subi %sub3A_0, %sub3A_1 : i32
    %jit3A = arith.constant 0 : i32
    %jit3A_3 = arith.constant 7 : i32
    %max3A = arith.maxsi %jit3A, %sub3A_2 : i32
    %min3A = arith.minsi %jit3A_3, %max3A : i32
    %c0_i32 = arith.constant 0 : i32
    %c0_i32_4 = arith.constant 0 : i32
    return %min3A, %c0_i32 : i32, i32
  }
  func.func @transform_3(%arg0: i32) -> (i32, i32) {
    %sub3A = arith.constant 8 : i32
    %sub3A_0 = arith.subi %arg0, %sub3A : i32
    %sub3A_1 = arith.constant 1 : i32
    %sub3A_2 = arith.subi %sub3A_0, %sub3A_1 : i32
    %jit3A = arith.constant 0 : i32
    %jit3A_3 = arith.constant 7 : i32
    %max3A = arith.maxsi %jit3A, %sub3A_2 : i32
    %min3A = arith.minsi %jit3A_3, %max3A : i32
    %c0_i32 = arith.constant 0 : i32
    %c0_i32_4 = arith.constant 0 : i32
    return %min3A, %c0_i32 : i32, i32
  }
  func.func @transform_4(%arg0: i32) -> (i32, i32) {
    %c0_i32 = arith.constant 0 : i32
    %c0_i32_0 = arith.constant 0 : i32
    %c0_i32_1 = arith.constant 0 : i32
    return %c0_i32, %c0_i32_0 : i32, i32
  }
  func.func @transform_5(%arg0: i32) -> (i32, i32) {
    %min3A = arith.constant 7 : i32
    %min3A_0 = arith.minsi %arg0, %min3A : i32
    %c0_i32 = arith.constant 0 : i32
    %c0_i32_1 = arith.constant 0 : i32
    return %min3A_0, %c0_i32 : i32, i32
  }
}

module attributes {stable_mosaic.version = 14 : i64} {
  func.func @_combine_body(%arg0: i32, %arg1: memref<8x256x512xi32, #tpu.memory_space<vmem>>, %arg2: memref<256x8xf32, #tpu.memory_space<vmem>>, %arg3: memref<256x1024xf32, #tpu.memory_space<vmem>>) attributes {dimension_semantics = [#tpu.dimension_semantics<arbitrary>], iteration_bounds = array<i64: 8>, scalar_prefetch = 0 : i64, scratch_operands = 0 : i64, tpu.core_type = #tpu.core_type<tc>, window_params = [{transform_indices = @transform_0, window_bounds = array<i64: 8, 256, 512>}, {transform_indices = @transform_1, window_bounds = array<i64: 256, 8>}, {transform_indices = @transform_2, window_bounds = array<i64: 256, 1024>}]} {
    %get3A = arith.constant 0 : index
    %get3A_0 = arith.constant 0 : index
    %get3A_1 = arith.constant 0 : index
    %get3A_2 = vector.load %arg1[%get3A, %get3A_0, %get3A_1] : memref<8x256x512xi32, #tpu.memory_space<vmem>>, vector<1x256x512xi32>
    %get3A_3 = vector.shape_cast %get3A_2 : vector<1x256x512xi32> to vector<256x512xi32>
    %shift_left3A = arith.constant 16 : i32
    %shift_left3A_4 = vector.broadcast %shift_left3A : i32 to vector<256x512xi32>
    %shift_left3A_5 = arith.shli %get3A_3, %shift_left3A_4 : vector<256x512xi32>
    %bitcast_convert_type3A = tpu.bitcast %shift_left3A_5 : vector<256x512xi32> -> vector<256x512xf32>
    %and3A = arith.constant -65536 : i32
    %and3A_6 = vector.broadcast %and3A : i32 to vector<256x512xi32>
    %and3A_7 = arith.andi %get3A_3, %and3A_6 : vector<256x512xi32>
    %bitcast_convert_type3A_8 = tpu.bitcast %and3A_7 : vector<256x512xi32> -> vector<256x512xf32>
    %get3A_9 = arith.constant 0 : index
    %get3A_10 = arith.constant 0 : index
    %get3A_11 = vector.load %arg2[%get3A_9, %get3A_10] : memref<256x8xf32, #tpu.memory_space<vmem>>, vector<256x1xf32>
    %mul3A = vector.broadcast %get3A_11 : vector<256x1xf32> to vector<256x512xf32>
    %mul3A_12 = arith.mulf %mul3A, %bitcast_convert_type3A : vector<256x512xf32>
    %get3A_13 = arith.constant 0 : index
    %get3A_14 = arith.constant 0 : index
    %get3A_15 = vector.load %arg2[%get3A_13, %get3A_14] : memref<256x8xf32, #tpu.memory_space<vmem>>, vector<256x1xf32>
    %mul3A_16 = vector.broadcast %get3A_15 : vector<256x1xf32> to vector<256x512xf32>
    %mul3A_17 = arith.mulf %mul3A_16, %bitcast_convert_type3A_8 : vector<256x512xf32>
    %get3A_18 = arith.constant 1 : index
    %get3A_19 = arith.constant 0 : index
    %get3A_20 = arith.constant 0 : index
    %get3A_21 = vector.load %arg1[%get3A_18, %get3A_19, %get3A_20] : memref<8x256x512xi32, #tpu.memory_space<vmem>>, vector<1x256x512xi32>
    %get3A_22 = vector.shape_cast %get3A_21 : vector<1x256x512xi32> to vector<256x512xi32>
    %shift_left3A_23 = arith.constant 16 : i32
    %shift_left3A_24 = vector.broadcast %shift_left3A_23 : i32 to vector<256x512xi32>
    %shift_left3A_25 = arith.shli %get3A_22, %shift_left3A_24 : vector<256x512xi32>
    %bitcast_convert_type3A_26 = tpu.bitcast %shift_left3A_25 : vector<256x512xi32> -> vector<256x512xf32>
    %and3A_27 = arith.constant -65536 : i32
    %and3A_28 = vector.broadcast %and3A_27 : i32 to vector<256x512xi32>
    %and3A_29 = arith.andi %get3A_22, %and3A_28 : vector<256x512xi32>
    %bitcast_convert_type3A_30 = tpu.bitcast %and3A_29 : vector<256x512xi32> -> vector<256x512xf32>
    %get3A_31 = arith.constant 0 : index
    %get3A_32 = arith.constant 1 : index
    %get3A_33 = vector.load %arg2[%get3A_31, %get3A_32] : memref<256x8xf32, #tpu.memory_space<vmem>>, vector<256x1xf32>
    %mul3A_34 = vector.broadcast %get3A_33 : vector<256x1xf32> to vector<256x512xf32>
    %mul3A_35 = arith.mulf %mul3A_34, %bitcast_convert_type3A_26 : vector<256x512xf32>
    %add3A = arith.addf %mul3A_12, %mul3A_35 : vector<256x512xf32>
    %get3A_36 = arith.constant 0 : index
    %get3A_37 = arith.constant 1 : index
    %get3A_38 = vector.load %arg2[%get3A_36, %get3A_37] : memref<256x8xf32, #tpu.memory_space<vmem>>, vector<256x1xf32>
    %mul3A_39 = vector.broadcast %get3A_38 : vector<256x1xf32> to vector<256x512xf32>
    %mul3A_40 = arith.mulf %mul3A_39, %bitcast_convert_type3A_30 : vector<256x512xf32>
    %add3A_41 = arith.addf %mul3A_17, %mul3A_40 : vector<256x512xf32>
    %get3A_42 = arith.constant 2 : index
    %get3A_43 = arith.constant 0 : index
    %get3A_44 = arith.constant 0 : index
    %get3A_45 = vector.load %arg1[%get3A_42, %get3A_43, %get3A_44] : memref<8x256x512xi32, #tpu.memory_space<vmem>>, vector<1x256x512xi32>
    %get3A_46 = vector.shape_cast %get3A_45 : vector<1x256x512xi32> to vector<256x512xi32>
    %shift_left3A_47 = arith.constant 16 : i32
    %shift_left3A_48 = vector.broadcast %shift_left3A_47 : i32 to vector<256x512xi32>
    %shift_left3A_49 = arith.shli %get3A_46, %shift_left3A_48 : vector<256x512xi32>
    %bitcast_convert_type3A_50 = tpu.bitcast %shift_left3A_49 : vector<256x512xi32> -> vector<256x512xf32>
    %and3A_51 = arith.constant -65536 : i32
    %and3A_52 = vector.broadcast %and3A_51 : i32 to vector<256x512xi32>
    %and3A_53 = arith.andi %get3A_46, %and3A_52 : vector<256x512xi32>
    %bitcast_convert_type3A_54 = tpu.bitcast %and3A_53 : vector<256x512xi32> -> vector<256x512xf32>
    %get3A_55 = arith.constant 0 : index
    %get3A_56 = arith.constant 2 : index
    %get3A_57 = vector.load %arg2[%get3A_55, %get3A_56] : memref<256x8xf32, #tpu.memory_space<vmem>>, vector<256x1xf32>
    %mul3A_58 = vector.broadcast %get3A_57 : vector<256x1xf32> to vector<256x512xf32>
    %mul3A_59 = arith.mulf %mul3A_58, %bitcast_convert_type3A_50 : vector<256x512xf32>
    %add3A_60 = arith.addf %add3A, %mul3A_59 : vector<256x512xf32>
    %get3A_61 = arith.constant 0 : index
    %get3A_62 = arith.constant 2 : index
    %get3A_63 = vector.load %arg2[%get3A_61, %get3A_62] : memref<256x8xf32, #tpu.memory_space<vmem>>, vector<256x1xf32>
    %mul3A_64 = vector.broadcast %get3A_63 : vector<256x1xf32> to vector<256x512xf32>
    %mul3A_65 = arith.mulf %mul3A_64, %bitcast_convert_type3A_54 : vector<256x512xf32>
    %add3A_66 = arith.addf %add3A_41, %mul3A_65 : vector<256x512xf32>
    %get3A_67 = arith.constant 3 : index
    %get3A_68 = arith.constant 0 : index
    %get3A_69 = arith.constant 0 : index
    %get3A_70 = vector.load %arg1[%get3A_67, %get3A_68, %get3A_69] : memref<8x256x512xi32, #tpu.memory_space<vmem>>, vector<1x256x512xi32>
    %get3A_71 = vector.shape_cast %get3A_70 : vector<1x256x512xi32> to vector<256x512xi32>
    %shift_left3A_72 = arith.constant 16 : i32
    %shift_left3A_73 = vector.broadcast %shift_left3A_72 : i32 to vector<256x512xi32>
    %shift_left3A_74 = arith.shli %get3A_71, %shift_left3A_73 : vector<256x512xi32>
    %bitcast_convert_type3A_75 = tpu.bitcast %shift_left3A_74 : vector<256x512xi32> -> vector<256x512xf32>
    %and3A_76 = arith.constant -65536 : i32
    %and3A_77 = vector.broadcast %and3A_76 : i32 to vector<256x512xi32>
    %and3A_78 = arith.andi %get3A_71, %and3A_77 : vector<256x512xi32>
    %bitcast_convert_type3A_79 = tpu.bitcast %and3A_78 : vector<256x512xi32> -> vector<256x512xf32>
    %get3A_80 = arith.constant 0 : index
    %get3A_81 = arith.constant 3 : index
    %get3A_82 = vector.load %arg2[%get3A_80, %get3A_81] : memref<256x8xf32, #tpu.memory_space<vmem>>, vector<256x1xf32>
    %mul3A_83 = vector.broadcast %get3A_82 : vector<256x1xf32> to vector<256x512xf32>
    %mul3A_84 = arith.mulf %mul3A_83, %bitcast_convert_type3A_75 : vector<256x512xf32>
    %add3A_85 = arith.addf %add3A_60, %mul3A_84 : vector<256x512xf32>
    %get3A_86 = arith.constant 0 : index
    %get3A_87 = arith.constant 3 : index
    %get3A_88 = vector.load %arg2[%get3A_86, %get3A_87] : memref<256x8xf32, #tpu.memory_space<vmem>>, vector<256x1xf32>
    %mul3A_89 = vector.broadcast %get3A_88 : vector<256x1xf32> to vector<256x512xf32>
    %mul3A_90 = arith.mulf %mul3A_89, %bitcast_convert_type3A_79 : vector<256x512xf32>
    %add3A_91 = arith.addf %add3A_66, %mul3A_90 : vector<256x512xf32>
    %get3A_92 = arith.constant 4 : index
    %get3A_93 = arith.constant 0 : index
    %get3A_94 = arith.constant 0 : index
    %get3A_95 = vector.load %arg1[%get3A_92, %get3A_93, %get3A_94] : memref<8x256x512xi32, #tpu.memory_space<vmem>>, vector<1x256x512xi32>
    %get3A_96 = vector.shape_cast %get3A_95 : vector<1x256x512xi32> to vector<256x512xi32>
    %shift_left3A_97 = arith.constant 16 : i32
    %shift_left3A_98 = vector.broadcast %shift_left3A_97 : i32 to vector<256x512xi32>
    %shift_left3A_99 = arith.shli %get3A_96, %shift_left3A_98 : vector<256x512xi32>
    %bitcast_convert_type3A_100 = tpu.bitcast %shift_left3A_99 : vector<256x512xi32> -> vector<256x512xf32>
    %and3A_101 = arith.constant -65536 : i32
    %and3A_102 = vector.broadcast %and3A_101 : i32 to vector<256x512xi32>
    %and3A_103 = arith.andi %get3A_96, %and3A_102 : vector<256x512xi32>
    %bitcast_convert_type3A_104 = tpu.bitcast %and3A_103 : vector<256x512xi32> -> vector<256x512xf32>
    %get3A_105 = arith.constant 0 : index
    %get3A_106 = arith.constant 4 : index
    %get3A_107 = vector.load %arg2[%get3A_105, %get3A_106] : memref<256x8xf32, #tpu.memory_space<vmem>>, vector<256x1xf32>
    %mul3A_108 = vector.broadcast %get3A_107 : vector<256x1xf32> to vector<256x512xf32>
    %mul3A_109 = arith.mulf %mul3A_108, %bitcast_convert_type3A_100 : vector<256x512xf32>
    %add3A_110 = arith.addf %add3A_85, %mul3A_109 : vector<256x512xf32>
    %get3A_111 = arith.constant 0 : index
    %get3A_112 = arith.constant 4 : index
    %get3A_113 = vector.load %arg2[%get3A_111, %get3A_112] : memref<256x8xf32, #tpu.memory_space<vmem>>, vector<256x1xf32>
    %mul3A_114 = vector.broadcast %get3A_113 : vector<256x1xf32> to vector<256x512xf32>
    %mul3A_115 = arith.mulf %mul3A_114, %bitcast_convert_type3A_104 : vector<256x512xf32>
    %add3A_116 = arith.addf %add3A_91, %mul3A_115 : vector<256x512xf32>
    %get3A_117 = arith.constant 5 : index
    %get3A_118 = arith.constant 0 : index
    %get3A_119 = arith.constant 0 : index
    %get3A_120 = vector.load %arg1[%get3A_117, %get3A_118, %get3A_119] : memref<8x256x512xi32, #tpu.memory_space<vmem>>, vector<1x256x512xi32>
    %get3A_121 = vector.shape_cast %get3A_120 : vector<1x256x512xi32> to vector<256x512xi32>
    %shift_left3A_122 = arith.constant 16 : i32
    %shift_left3A_123 = vector.broadcast %shift_left3A_122 : i32 to vector<256x512xi32>
    %shift_left3A_124 = arith.shli %get3A_121, %shift_left3A_123 : vector<256x512xi32>
    %bitcast_convert_type3A_125 = tpu.bitcast %shift_left3A_124 : vector<256x512xi32> -> vector<256x512xf32>
    %and3A_126 = arith.constant -65536 : i32
    %and3A_127 = vector.broadcast %and3A_126 : i32 to vector<256x512xi32>
    %and3A_128 = arith.andi %get3A_121, %and3A_127 : vector<256x512xi32>
    %bitcast_convert_type3A_129 = tpu.bitcast %and3A_128 : vector<256x512xi32> -> vector<256x512xf32>
    %get3A_130 = arith.constant 0 : index
    %get3A_131 = arith.constant 5 : index
    %get3A_132 = vector.load %arg2[%get3A_130, %get3A_131] : memref<256x8xf32, #tpu.memory_space<vmem>>, vector<256x1xf32>
    %mul3A_133 = vector.broadcast %get3A_132 : vector<256x1xf32> to vector<256x512xf32>
    %mul3A_134 = arith.mulf %mul3A_133, %bitcast_convert_type3A_125 : vector<256x512xf32>
    %add3A_135 = arith.addf %add3A_110, %mul3A_134 : vector<256x512xf32>
    %get3A_136 = arith.constant 0 : index
    %get3A_137 = arith.constant 5 : index
    %get3A_138 = vector.load %arg2[%get3A_136, %get3A_137] : memref<256x8xf32, #tpu.memory_space<vmem>>, vector<256x1xf32>
    %mul3A_139 = vector.broadcast %get3A_138 : vector<256x1xf32> to vector<256x512xf32>
    %mul3A_140 = arith.mulf %mul3A_139, %bitcast_convert_type3A_129 : vector<256x512xf32>
    %add3A_141 = arith.addf %add3A_116, %mul3A_140 : vector<256x512xf32>
    %get3A_142 = arith.constant 6 : index
    %get3A_143 = arith.constant 0 : index
    %get3A_144 = arith.constant 0 : index
    %get3A_145 = vector.load %arg1[%get3A_142, %get3A_143, %get3A_144] : memref<8x256x512xi32, #tpu.memory_space<vmem>>, vector<1x256x512xi32>
    %get3A_146 = vector.shape_cast %get3A_145 : vector<1x256x512xi32> to vector<256x512xi32>
    %shift_left3A_147 = arith.constant 16 : i32
    %shift_left3A_148 = vector.broadcast %shift_left3A_147 : i32 to vector<256x512xi32>
    %shift_left3A_149 = arith.shli %get3A_146, %shift_left3A_148 : vector<256x512xi32>
    %bitcast_convert_type3A_150 = tpu.bitcast %shift_left3A_149 : vector<256x512xi32> -> vector<256x512xf32>
    %and3A_151 = arith.constant -65536 : i32
    %and3A_152 = vector.broadcast %and3A_151 : i32 to vector<256x512xi32>
    %and3A_153 = arith.andi %get3A_146, %and3A_152 : vector<256x512xi32>
    %bitcast_convert_type3A_154 = tpu.bitcast %and3A_153 : vector<256x512xi32> -> vector<256x512xf32>
    %get3A_155 = arith.constant 0 : index
    %get3A_156 = arith.constant 6 : index
    %get3A_157 = vector.load %arg2[%get3A_155, %get3A_156] : memref<256x8xf32, #tpu.memory_space<vmem>>, vector<256x1xf32>
    %mul3A_158 = vector.broadcast %get3A_157 : vector<256x1xf32> to vector<256x512xf32>
    %mul3A_159 = arith.mulf %mul3A_158, %bitcast_convert_type3A_150 : vector<256x512xf32>
    %add3A_160 = arith.addf %add3A_135, %mul3A_159 : vector<256x512xf32>
    %get3A_161 = arith.constant 0 : index
    %get3A_162 = arith.constant 6 : index
    %get3A_163 = vector.load %arg2[%get3A_161, %get3A_162] : memref<256x8xf32, #tpu.memory_space<vmem>>, vector<256x1xf32>
    %mul3A_164 = vector.broadcast %get3A_163 : vector<256x1xf32> to vector<256x512xf32>
    %mul3A_165 = arith.mulf %mul3A_164, %bitcast_convert_type3A_154 : vector<256x512xf32>
    %add3A_166 = arith.addf %add3A_141, %mul3A_165 : vector<256x512xf32>
    %get3A_167 = arith.constant 7 : index
    %get3A_168 = arith.constant 0 : index
    %get3A_169 = arith.constant 0 : index
    %get3A_170 = vector.load %arg1[%get3A_167, %get3A_168, %get3A_169] : memref<8x256x512xi32, #tpu.memory_space<vmem>>, vector<1x256x512xi32>
    %get3A_171 = vector.shape_cast %get3A_170 : vector<1x256x512xi32> to vector<256x512xi32>
    %shift_left3A_172 = arith.constant 16 : i32
    %shift_left3A_173 = vector.broadcast %shift_left3A_172 : i32 to vector<256x512xi32>
    %shift_left3A_174 = arith.shli %get3A_171, %shift_left3A_173 : vector<256x512xi32>
    %bitcast_convert_type3A_175 = tpu.bitcast %shift_left3A_174 : vector<256x512xi32> -> vector<256x512xf32>
    %and3A_176 = arith.constant -65536 : i32
    %and3A_177 = vector.broadcast %and3A_176 : i32 to vector<256x512xi32>
    %and3A_178 = arith.andi %get3A_171, %and3A_177 : vector<256x512xi32>
    %bitcast_convert_type3A_179 = tpu.bitcast %and3A_178 : vector<256x512xi32> -> vector<256x512xf32>
    %get3A_180 = arith.constant 0 : index
    %get3A_181 = arith.constant 7 : index
    %get3A_182 = vector.load %arg2[%get3A_180, %get3A_181] : memref<256x8xf32, #tpu.memory_space<vmem>>, vector<256x1xf32>
    %mul3A_183 = vector.broadcast %get3A_182 : vector<256x1xf32> to vector<256x512xf32>
    %mul3A_184 = arith.mulf %mul3A_183, %bitcast_convert_type3A_175 : vector<256x512xf32>
    %add3A_185 = arith.addf %add3A_160, %mul3A_184 : vector<256x512xf32>
    %get3A_186 = arith.constant 0 : index
    %get3A_187 = arith.constant 7 : index
    %get3A_188 = vector.load %arg2[%get3A_186, %get3A_187] : memref<256x8xf32, #tpu.memory_space<vmem>>, vector<256x1xf32>
    %mul3A_189 = vector.broadcast %get3A_188 : vector<256x1xf32> to vector<256x512xf32>
    %mul3A_190 = arith.mulf %mul3A_189, %bitcast_convert_type3A_179 : vector<256x512xf32>
    %add3A_191 = arith.addf %add3A_166, %mul3A_190 : vector<256x512xf32>
    %swap3A = arith.constant 0 : index
    %swap3A_192 = arith.constant 0 : index
    %swap3A_193 = vector.load %arg3[%swap3A, %swap3A_192] : memref<256x1024xf32, #tpu.memory_space<vmem>>, vector<256x512xf32>
    tpu.vector_store %arg3[%swap3A, %swap3A_192], %add3A_185 {strides = array<i32>} : memref<256x1024xf32, #tpu.memory_space<vmem>>, vector<256x512xf32>,
    %swap3A_194 = arith.constant 0 : index
    %swap3A_195 = arith.constant 512 : index
    %swap3A_196 = vector.load %arg3[%swap3A_194, %swap3A_195] : memref<256x1024xf32, #tpu.memory_space<vmem>>, vector<256x512xf32>
    tpu.vector_store %arg3[%swap3A_194, %swap3A_195], %add3A_191 {strides = array<i32>} : memref<256x1024xf32, #tpu.memory_space<vmem>>, vector<256x512xf32>,
    return
  }
  func.func @transform_0(%arg0: i32) -> (i32, i32, i32) {
    %c0_i32 = arith.constant 0 : i32
    %c0_i32_0 = arith.constant 0 : i32
    %c0_i32_1 = arith.constant 0 : i32
    return %c0_i32, %arg0, %c0_i32_0 : i32, i32, i32
  }
  func.func @transform_1(%arg0: i32) -> (i32, i32) {
    %c0_i32 = arith.constant 0 : i32
    %c0_i32_0 = arith.constant 0 : i32
    return %arg0, %c0_i32 : i32, i32
  }
  func.func @transform_2(%arg0: i32) -> (i32, i32) {
    %c0_i32 = arith.constant 0 : i32
    %c0_i32_0 = arith.constant 0 : i32
    return %arg0, %c0_i32 : i32, i32
  }
}

module attributes {stable_mosaic.version = 14 : i64} {
  func.func @_ffn_body(%arg0: i32, %arg1: memref<96xi32, #tpu.memory_space<smem>>, %arg2: memref<512x512xi32, #tpu.memory_space<vmem>>, %arg3: memref<1x1024x512xf32, #tpu.memory_space<vmem>>, %arg4: memref<1x512x1024xf32, #tpu.memory_space<vmem>>, %arg5: memref<512x512xi32, #tpu.memory_space<vmem>>) attributes {dimension_semantics = [#tpu.dimension_semantics<arbitrary>], iteration_bounds = array<i64: 96>, scalar_prefetch = 1 : i64, scratch_operands = 0 : i64, tpu.core_type = #tpu.core_type<tc>, window_params = [{transform_indices = @transform_0, window_bounds = array<i64: 512, 512>}, {transform_indices = @transform_1, window_bounds = array<i64: 1, 1024, 512>}, {transform_indices = @transform_2, window_bounds = array<i64: 1, 512, 1024>}, {transform_indices = @transform_3, window_bounds = array<i64: 512, 512>}]} {
    %get3A = arith.index_cast %arg0 : i32 to index
    %get3A_0 = memref.load %arg1[%get3A] : memref<96xi32, #tpu.memory_space<smem>>
    %lt3A = arith.constant 64 : i32
    %lt3A_1 = arith.cmpi slt, %get3A_0, %lt3A : i32
    %convert_element_type3A = arith.extui %lt3A_1 : i1 to i32
    %cond3A = arith.constant 0 : i32
    %cond3A_2 = arith.cmpi ne, %convert_element_type3A, %cond3A : i32
    scf.if %cond3A_2 {
      %get3A_3 = arith.constant 0 : index
      %get3A_4 = arith.constant 0 : index
      %get3A_5 = vector.load %arg2[%get3A_3, %get3A_4] : memref<512x512xi32, #tpu.memory_space<vmem>>, vector<512x512xi32>
      %shift_left3A = arith.constant 16 : i32
      %shift_left3A_6 = vector.broadcast %shift_left3A : i32 to vector<512x512xi32>
      %shift_left3A_7 = arith.shli %get3A_5, %shift_left3A_6 : vector<512x512xi32>
      %bitcast_convert_type3A = tpu.bitcast %shift_left3A_7 : vector<512x512xi32> -> vector<512x512xf32>
      %and3A = arith.constant -65536 : i32
      %and3A_8 = vector.broadcast %and3A : i32 to vector<512x512xi32>
      %and3A_9 = arith.andi %get3A_5, %and3A_8 : vector<512x512xi32>
      %bitcast_convert_type3A_10 = tpu.bitcast %and3A_9 : vector<512x512xi32> -> vector<512x512xf32>
      %get3A_11 = arith.constant 0 : index
      %get3A_12 = arith.constant 0 : index
      %get3A_13 = arith.constant 0 : index
      %get3A_14 = vector.load %arg3[%get3A_11, %get3A_12, %get3A_13] : memref<1x1024x512xf32, #tpu.memory_space<vmem>>, vector<1x512x512xf32>
      %get3A_15 = vector.shape_cast %get3A_14 : vector<1x512x512xf32> to vector<512x512xf32>
      %dot_general3A = arith.constant dense<0.000000e+00> : vector<512x512xf32>
      %dot_general3A_16 = tpu.matmul %bitcast_convert_type3A, %get3A_15, %dot_general3A {dimension_numbers = #tpu.dot_dimension_numbers<[1], [0], [0], [1], [0, 0, 1, 1], [], []>, transpose_lhs_hint = false} : vector<512x512xf32>, vector<512x512xf32>, vector<512x512xf32> -> vector<512x512xf32>
      %get3A_17 = arith.constant 0 : index
      %get3A_18 = arith.constant 512 : index
      %get3A_19 = arith.constant 0 : index
      %get3A_20 = vector.load %arg3[%get3A_17, %get3A_18, %get3A_19] : memref<1x1024x512xf32, #tpu.memory_space<vmem>>, vector<1x512x512xf32>
      %get3A_21 = vector.shape_cast %get3A_20 : vector<1x512x512xf32> to vector<512x512xf32>
      %dot_general3A_22 = arith.constant dense<0.000000e+00> : vector<512x512xf32>
      %dot_general3A_23 = tpu.matmul %bitcast_convert_type3A_10, %get3A_21, %dot_general3A_22 {dimension_numbers = #tpu.dot_dimension_numbers<[1], [0], [0], [1], [0, 0, 1, 1], [], []>, transpose_lhs_hint = false} : vector<512x512xf32>, vector<512x512xf32>, vector<512x512xf32> -> vector<512x512xf32>
      %add3A = arith.addf %dot_general3A_16, %dot_general3A_23 : vector<512x512xf32>
      %max3A = arith.constant 0.000000e+00 : f32
      %max3A_24 = vector.broadcast %max3A : f32 to vector<512x512xf32>
      %max3A_25 = arith.maximumf %add3A, %max3A_24 : vector<512x512xf32>
      %get3A_26 = arith.constant 0 : index
      %get3A_27 = arith.constant 0 : index
      %get3A_28 = arith.constant 0 : index
      %get3A_29 = vector.load %arg4[%get3A_26, %get3A_27, %get3A_28] : memref<1x512x1024xf32, #tpu.memory_space<vmem>>, vector<1x512x1024xf32>
      %get3A_30 = vector.shape_cast %get3A_29 : vector<1x512x1024xf32> to vector<512x1024xf32>
      %dot_general3A_31 = arith.constant dense<0.000000e+00> : vector<512x1024xf32>
      %dot_general3A_32 = tpu.matmul %max3A_25, %get3A_30, %dot_general3A_31 {dimension_numbers = #tpu.dot_dimension_numbers<[1], [0], [0], [1], [0, 0, 1, 1], [], []>, transpose_lhs_hint = false} : vector<512x512xf32>, vector<512x1024xf32>, vector<512x1024xf32> -> vector<512x1024xf32>
      %slice3A = vector.extract_strided_slice %dot_general3A_32 {offsets = [0, 0], sizes = [512, 512], strides = [1, 1]} : vector<512x1024xf32> to vector<512x512xf32>
      %slice3A_33 = vector.extract_strided_slice %dot_general3A_32 {offsets = [0, 512], sizes = [512, 512], strides = [1, 1]} : vector<512x1024xf32> to vector<512x512xf32>
      %bitcast_convert_type3A_34 = tpu.bitcast %slice3A : vector<512x512xf32> -> vector<512x512xi32>
      %bitcast_convert_type3A_35 = tpu.bitcast %slice3A_33 : vector<512x512xf32> -> vector<512x512xi32>
      %add3A_36 = arith.constant 32768 : i32
      %add3A_37 = vector.broadcast %add3A_36 : i32 to vector<512x512xi32>
      %add3A_38 = arith.addi %bitcast_convert_type3A_34, %add3A_37 : vector<512x512xi32>
      %shift_right_arithmetic3A = arith.constant 16 : i32
      %shift_right_arithmetic3A_39 = vector.broadcast %shift_right_arithmetic3A : i32 to vector<512x512xi32>
      %shift_right_arithmetic3A_40 = arith.shrsi %add3A_38, %shift_right_arithmetic3A_39 : vector<512x512xi32>
      %and3A_41 = arith.constant 65535 : i32
      %and3A_42 = vector.broadcast %and3A_41 : i32 to vector<512x512xi32>
      %and3A_43 = arith.andi %shift_right_arithmetic3A_40, %and3A_42 : vector<512x512xi32>
      %add3A_44 = arith.constant 32768 : i32
      %add3A_45 = vector.broadcast %add3A_44 : i32 to vector<512x512xi32>
      %add3A_46 = arith.addi %bitcast_convert_type3A_35, %add3A_45 : vector<512x512xi32>
      %and3A_47 = arith.constant -65536 : i32
      %and3A_48 = vector.broadcast %and3A_47 : i32 to vector<512x512xi32>
      %and3A_49 = arith.andi %add3A_46, %and3A_48 : vector<512x512xi32>
      %or3A = arith.ori %and3A_49, %and3A_43 : vector<512x512xi32>
      %swap3A = arith.constant 0 : index
      %swap3A_50 = arith.constant 0 : index
      %swap3A_51 = vector.load %arg5[%swap3A, %swap3A_50] : memref<512x512xi32, #tpu.memory_space<vmem>>, vector<512x512xi32>
      tpu.vector_store %arg5[%swap3A, %swap3A_50], %or3A {strides = array<i32>} : memref<512x512xi32, #tpu.memory_space<vmem>>, vector<512x512xi32>,
    } else {
    }
    return
  }
  func.func @transform_0(%arg0: i32, %arg1: memref<96xi32, #tpu.memory_space<smem>>) -> (i32, i32) {
    %get3A = arith.index_cast %arg0 : i32 to index
    %get3A_0 = memref.load %arg1[%get3A] : memref<96xi32, #tpu.memory_space<smem>>
    %lt3A = arith.constant 64 : i32
    %lt3A_1 = arith.cmpi slt, %get3A_0, %lt3A : i32
    %jit3A = arith.constant 0 : i32
    %select_n3A = arith.select %lt3A_1, %arg0, %jit3A : i32
    %c0_i32 = arith.constant 0 : i32
    %c0_i32_2 = arith.constant 0 : i32
    return %select_n3A, %c0_i32 : i32, i32
  }
  func.func @transform_1(%arg0: i32, %arg1: memref<96xi32, #tpu.memory_space<smem>>) -> (i32, i32, i32) {
    %get3A = arith.index_cast %arg0 : i32 to index
    %get3A_0 = memref.load %arg1[%get3A] : memref<96xi32, #tpu.memory_space<smem>>
    %min3A = arith.constant 63 : i32
    %min3A_1 = arith.minsi %get3A_0, %min3A : i32
    %c0_i32 = arith.constant 0 : i32
    %c0_i32_2 = arith.constant 0 : i32
    %c0_i32_3 = arith.constant 0 : i32
    return %min3A_1, %c0_i32, %c0_i32_2 : i32, i32, i32
  }
  func.func @transform_2(%arg0: i32, %arg1: memref<96xi32, #tpu.memory_space<smem>>) -> (i32, i32, i32) {
    %get3A = arith.index_cast %arg0 : i32 to index
    %get3A_0 = memref.load %arg1[%get3A] : memref<96xi32, #tpu.memory_space<smem>>
    %min3A = arith.constant 63 : i32
    %min3A_1 = arith.minsi %get3A_0, %min3A : i32
    %c0_i32 = arith.constant 0 : i32
    %c0_i32_2 = arith.constant 0 : i32
    %c0_i32_3 = arith.constant 0 : i32
    return %min3A_1, %c0_i32, %c0_i32_2 : i32, i32, i32
  }
  func.func @transform_3(%arg0: i32, %arg1: memref<96xi32, #tpu.memory_space<smem>>) -> (i32, i32) {
    %get3A = arith.index_cast %arg0 : i32 to index
    %get3A_0 = memref.load %arg1[%get3A] : memref<96xi32, #tpu.memory_space<smem>>
    %lt3A = arith.constant 64 : i32
    %lt3A_1 = arith.cmpi slt, %get3A_0, %lt3A : i32
    %jit3A = arith.constant 95 : i32
    %select_n3A = arith.select %lt3A_1, %arg0, %jit3A : i32
    %c0_i32 = arith.constant 0 : i32
    %c0_i32_2 = arith.constant 0 : i32
    return %select_n3A, %c0_i32 : i32, i32
  }
}

</mosaic_0001>

<sc_bundles>
// kernel: kernel.10.cloned.1.call-start
scs
__scs_entry_jumppad:
0x0: {  	(pc) =	sbr.rel $0x88, $3  }
0x1: {  	(tag) =	ssettag $0x0;
	lr =	simm.s32 $0x1  }
0x2: {  	[smem:$0x3F9D] =	sst lr;
	_ =	strace $0xD0000000  }
0x3: {  	_ = 	snop  }
0x4: {  	_ = 	snop  }
0x5: {  	_ = 	snop  }
0x6: {  	_ = 	snop  }
0x7: {  	_ = 	snop  }
__scs_overlays_trampoline_lowered:
0x8: {  	[smem:$0x3FAC] =	sst s0  }
0x9: {  	[smem:$0x3FAD] =	sst s1  }
0xa: {  	[smem:$0x3FAE] =	sst s2  }
0xb: {  	[smem:$0x3FAF] =	sst s3  }
0xc: {  	[smem:$0x3FB0] =	sst s4  }
0xd: {  	[smem:$0x3FB1] =	sst s5  }
0xe: {  	[smem:$0x3FB2] =	sst s6  }
0xf: {  	[smem:$0x3FB3] =	sst s7  }
0x10: {  	[smem:$0x3FB4] =	sst s8  }
0x11: {  	[smem:$0x3FB5] =	sst s9;
	s0 =	simm.s32 @!p0 $0x0  }
0x12: {  	s1 =	sld [smem:$0x3F9B];
	s0 =	simm.s32 @p0 $0x1  }
0x13: {  	[smem:$0x3FB6] =	sst s0;
	s0 =	simm.s32 @!p1 $0x0  }
0x14: {  	s2 =	sld [smem:$0x3F9A];
	s0 =	simm.s32 @p1 $0x1  }
0x15: {  	[smem:$0x3FB7] =	sst s0;
	s0 =	simm.s32 @!p2 $0x0  }
0x16: {  	s3 =	sld [smem:$0x3FDB];
	s0 =	simm.s32 @p2 $0x1  }
0x17: {  	s4 =	simm.s32 $0x1BF5;
	[smem:$0x3FB9] =	sst s0  }
0x18: {  	s0 =	sld [smem:$0x3F9C];
	_ =	swait.ge [sflag:s4], $0x0  }
0x19: {  	s7 =	sld [smem:$0x3F9D]  }
0x1a: {  	s8 =	sadd.s32 $0xFFFFE003, lr  }
0x1b: {  	s9 =	sadd.s32 $0xFFFFFEF7, lr;
	s5 =	simm.s32 $0xFFFFFFFF;
	p2 =	slt.u32 s8, $0xFFFFF086  }
0x1c: {  	p1 =	slt.u32 s9, $0xF7A;
	s5 =	simm.s32 @!p2 $0x0  }
0x1d: {  	s5 =	simm.s32 @p1 $0x1;
	p0 =	seq.s32 s7, s2  }
0x1e: {  	s7 =	smul.u32 @!p0 $0xF7A, s2;
	p2 =	seq.s32 @!p0 s5, $0x0  }
0x1f: {  	s9 =	smul.u32 $0xF7A, s1;
	s8 =	simm.s32 @!p0 $0x1BF5;
	p2 =	por !p2, p0  }
0x20: {  	[sflag:s8] =	ssyncset.s32 @!p0 $0xFFFFF086;
	s6 =	sadd.s32 @!p0 s3, s7;
	s7 =	simm.s32 @!p0 $0x108  }
0x21: {  	s3 =	sadd.s32 s3, s9;
	s6 =	sadd.s32 @!p0 $0x88, s6;
	s7 =	simm.s32 @p2 $0x1082  }
0x22: {  	[simem:s7], [sflag:s8] =	dma.local @!p0 [hbm:s6], $0xF7A  }
0x23: {  	s9 =	sor.u32 $0xD0000000, s2;
	s6 =	simm.s32 $0x108;
	_ =	swait.ge @!p0 [sflag:s8], $0x0  }
0x24: {  	s3 =	sadd.s32 $0x88, s3;
	s6 =	simm.s32 @!p1 $0x1082;
	[sflag:s4] =	ssyncset.s32 $0xFFFFF086  }
0x25: {  	[simem:s6], [sflag:s4] =	dma.local [hbm:s3], $0xF7A  }
0x26: {  	[smem:$0x3F9D] =	sst s1;
	(tag) =	ssettag s2;
	_ =	strace s9  }
0x27: {  	s1 =	sld [smem:$0x3FAD]  }
0x28: {  	s2 =	sld [smem:$0x3FAE]  }
0x29: {  	s4 =	sld [smem:$0x3FB0]  }
0x2a: {  	p0 =	seq.s32 s5, $0x0;
	s5 =	sld [smem:$0x3FB1]  }
0x2b: {  	s6 =	sld [smem:$0x3FB2]  }
0x2c: {  	s7 =	sld [smem:$0x3FB3]  }
0x2d: {  	s3 =	simm.s32 $0x108;
	s8 =	sld [smem:$0x3FB4]  }
0x2e: {  	s3 =	simm.s32 @!p0 $0x1082;
	s9 =	sld [smem:$0x3FB5]  }
0x2f: {  	lr =	sadd.s32 s0, s3;
	s0 =	sld [smem:$0x3FAC]  }
0x30: {  	s3 =	sld [smem:$0x3FAF]  }
0x31: {  	[smem:$0x3FB8] =	sst s10  }
0x32: {  	s10 =	sld [smem:$0x3FB6];
	_ =	sdelay $0x3  }
0x33: {  	p0 =	seq.s32 s10, $0x1;
	s10 =	sld [smem:$0x3FB8];
	_ =	sdelay $0x3  }
0x34: {  	[smem:$0x3FB8] =	sst s10  }
0x35: {  	s10 =	sld [smem:$0x3FB7];
	_ =	sdelay $0x3  }
0x36: {  	p1 =	seq.s32 s10, $0x1;
	s10 =	sld [smem:$0x3FB8];
	_ =	sdelay $0x3  }
0x37: {  	[smem:$0x3FB8] =	sst s10  }
0x38: {  	s10 =	sld [smem:$0x3FB9]  }
0x39: {  	_ = 	snop;
	(pc) =	sbr.ind lr, $3  }
0x3a: {  	_ = 	snop  }
0x3b: {  	_ = 	snop  }
0x3c: {  	p2 =	seq.s32 s10, $0x1;
	s10 =	sld [smem:$0x3FB8]  }
0x3d: {  	_ =	shalt  }
0x3e: {  	_ =	shalt  }
0x3f: {  	_ =	shalt  }
0x40: {  	_ =	shalt  }
0x41: {  	_ =	shalt  }
0x42: {  	_ =	shalt  }
0x43: {  	_ =	shalt  }
0x44: {  	_ =	shalt  }
0x45: {  	_ =	shalt  }
0x46: {  	_ =	shalt  }
0x47: {  	_ =	shalt  }
0x48: {  	_ =	shalt  }
0x49: {  	_ =	shalt  }
0x4a: {  	_ =	shalt  }
0x4b: {  	_ =	shalt  }
0x4c: {  	_ =	shalt  }
0x4d: {  	_ =	shalt  }
0x4e: {  	_ =	shalt  }
0x4f: {  	_ =	shalt  }
0x50: {  	_ =	shalt  }
0x51: {  	_ =	shalt  }
0x52: {  	_ =	shalt  }
0x53: {  	_ =	shalt  }
0x54: {  	_ =	shalt  }
0x55: {  	_ =	shalt  }
0x56: {  	_ =	shalt  }
0x57: {  	_ =	shalt  }
0x58: {  	_ =	shalt  }
0x59: {  	_ =	shalt  }
0x5a: {  	_ =	shalt  }
0x5b: {  	_ =	shalt  }
0x5c: {  	_ =	shalt  }
0x5d: {  	_ =	shalt  }
0x5e: {  	_ =	shalt  }
0x5f: {  	_ =	shalt  }
0x60: {  	_ =	shalt  }
0x61: {  	_ =	shalt  }
0x62: {  	_ =	shalt  }
0x63: {  	_ =	shalt  }
0x64: {  	_ =	shalt  }
0x65: {  	_ =	shalt  }
0x66: {  	_ =	shalt  }
0x67: {  	_ =	shalt  }
0x68: {  	_ =	shalt  }
0x69: {  	_ =	shalt  }
0x6a: {  	_ =	shalt  }
0x6b: {  	_ =	shalt  }
0x6c: {  	_ =	shalt  }
0x6d: {  	_ =	shalt  }
0x6e: {  	_ =	shalt  }
0x6f: {  	_ =	shalt  }
0x70: {  	_ =	shalt  }
0x71: {  	_ =	shalt  }
0x72: {  	_ =	shalt  }
0x73: {  	_ =	shalt  }
0x74: {  	_ =	shalt  }
0x75: {  	_ =	shalt  }
0x76: {  	_ =	shalt  }
0x77: {  	_ =	shalt  }
0x78: {  	_ =	shalt  }
0x79: {  	_ =	shalt  }
0x7a: {  	_ =	shalt  }
0x7b: {  	_ =	shalt  }
0x7c: {  	_ =	shalt  }
0x7d: {  	_ =	shalt  }
0x7e: {  	_ =	shalt  }
0x7f: {  	_ =	shalt  }
0x80: {  	_ =	shalt  }
0x81: {  	_ =	shalt  }
0x82: {  	_ =	shalt  }
0x83: {  	_ =	shalt  }
0x84: {  	_ =	shalt  }
0x85: {  	_ =	shalt  }
0x86: {  	_ =	shalt  }
0x87: {  	_ =	shalt  }
.Lfunc_end0:
.L_simem_size_0:
called_computation.1_lowered:
.L_overlay_start_0:
0x88: {  	s2 =	sld [smem:$0x3FD9]  }
0x89: {  	s3 =	sld [smem:$0x3FFE];
	_ =	sdelay $0x1  }
0x8a: {  	s1 =	srdreg.scid  }
0x8b: {  	s0 =	sand.u32 $0x1, s1  }
0x8c: {  	s16 =	sshll.u32 s0, $0xA;
	s2 =	sadd.s32 s3, s2  }
0x8d: {  	s2 =	sadd.s32 s2, s16  }
0x8e: {  	[smem:$0x3FC4] =	sst s2  }
0x8f: {  	_ = 	snop  }
0x90: {  	(tm) =	ssettm $0x1  }
0x91: {  	s17 =	sld [smem:$0x3FFB];
	_ =	sdelay $0x3  }
0x92: {  	_ =	strace s17  }
0x93: {  	s2 =	sld [smem:$0x3FFC];
	_ =	sdelay $0x3  }
0x94: {  	_ =	strace s2  }
0x95: {  	s2 =	sld [smem:$0x3FFD];
	_ =	sdelay $0x3  }
0x96: {  	_ =	strace s2  }
0x97: {  	_ =	strace $0x8FFFFFFF  }
0x98: {  	s18 =	sld [smem:$0x3FDB];
	_ =	sdelay $0x1  }
0x99: {  	s19 =	simm.s32 $_scs_section_size  }
0x9a: {  	s4 =	simm.s32 $_size__tile_overlayer_lowered;
	s5 =	simm.s32 $_tile_overlayer_lowered  }
0x9b: {  	s22 =	simm.s32 $0x1BFF;
	s21 =	sshll.u32 s5, $0x1;
	s2 =	sadd.s32 s19, s18  }
0x9c: {  	s6 =	simm.s32 $0x0;
	s20 =	sshll.u32 s4, $0x1;
	s4 =	sadd.s32 s21, s2  }
0x9d: {  	[timem:s6], [sflag:s22] =	dma.local [hbm:s4], s20  }
0x9e: {  	_ =	swait.ge [sflag:s22], s20  }
0x9f: {  	s3 =	ssub.s32 $0x0, s20;
	[sflag:s22] =	ssyncset.done $0x0  }
0xa0: {  	[sflag:s22] =	ssyncadd.s32 s3;
	_ =	sdelay $0x1  }
0xa1: {  	s23 =	simm.s32 $0x1B8B  }
0xa2: {  	_ =	swait.ge [sflag:s23], $0x1  }
0xa3: {  	[sflag:s23] =	ssyncset.done $0x0  }
0xa4: {  	s25 =	simm.s32 $0x1B8E;
	s24 =	sld [smem:$0x3FFE];
	[sflag:s23] =	ssyncadd.s32 $0xFFFFFFFF  }
0xa5: {  	s26 =	simm.s32 $execute0_lowered;
	[smem:$0x3FD2] =	sst s25  }
0xa6: {  	s4 =	sshll.u32 s26, $0x1;
	_ =	strace $0x80000049;
	[dreg:$0x1] =	wrdreg $0xFFFFFFFF  }
0xa7: {  	s28 =	simm.s32 $_size_execute0_lowered;
	s2 =	sadd.s32 s2, s4;
	[dreg:$0x0] =	wrdreg $0x0  }
0xa8: {  	s4 =	sshll.u32 s28, $0x1;
	[dreg:$0x2] =	wrdreg s2  }
0xa9: {  	[dreg:$0x3] =	wrdreg s4  }
0xaa: {  	[dreg:$0x4] =	wrdreg $0xC0  }
0xab: {  	_ =	task [dreg:s6], $0x5FFFF  }
0xac: {  	[dreg:$0x1] =	wrdreg $0xFFFFFFFF  }
0xad: {  	[dreg:$0x0] =	wrdreg $0x60  }
0xae: {  	[dreg:$0x2] =	wrdreg s24  }
0xaf: {  	[dreg:$0x3] =	wrdreg $0x9  }
0xb0: {  	_ =	task.clear_ibuf [dreg:s6], $0x4FFFF;
	_ =	strace $0x90000049  }
0xb1: {  	s29 =	simm.s32 $0x9;
	_ =	strace $0x8000004B  }
0xb2: {  	_ =	swait.ge [sflag:s29], $0x1  }
0xb3: {  	[sflag:s29] =	ssyncadd.s32 $0xFFFFFFFF  }
0xb4: {  	_ =	strace $0x9000004B  }
0xb5: {  	_ =	sfence  }
0xb6: {  	s30 =	sld [smem:$0x0];
	_ =	sdelay $0x2  }
0xb7: {  	s31 =	sshll.u32 s1, $0xD;
	s1 =	sshrl.u32 s1, $0x2  }
0xb8: {  	s3 =	sand.u32 $0x4000, s31;
	s1 =	sadd.s32 s1, s30  }
0xb9: {  	s0 =	sor.u32 s3, s0;
	s1 =	sshll.u32 s1, $0x11  }
0xba: {  	s0 =	sor.u32 s1, s0  }
0xbb: {  	s0 =	sadd.s32 $0x8F2B, s0  }
0xbc: {  	[sflag:s0] =	ssyncadd.remote.s32 $0x1  }
0xbd: {  	_ =	sfence.sel $0xFFFF  }
0xbe: {  	[dreg:$0x0] =	wrdreg $0xFFFFFFFF;
	(pc) =	sbr.abs _section_cstart, $3  }
0xbf: {  	[dreg:$0x1] =	wrdreg $0xFFFFFFFF  }
0xc0: {  	_ =	task.clear_ibuf [dreg:s6], $0x2FFFF;
	_ =	strace $0x9FFFFFFF  }
0xc1: {  	(tm) =	ssettm $0x7FFFFFFF  }
tec
execute0_lowered:
.L_overlay_start_1:
0x0: {  	(tag) =	ssettag $0x1  }
0x1: {  	s0 =	srdreg.scid  }
0x2: {  	s1 =	stileid.u32;
	s0 =	sand.u32 $0x1, s0  }
0x3: {  	s1 =	sshll.u32 s1, $0x7;
	s2 =	sshll.u32 s0, $0x6  }
0x4: {  	s4 =	rddreg [dreg:$0x0];
	s1 =	sor.u32 s2, s1;
	s2 =	simm.s32 $0x0  }
0x5: {  	s21 =	simm.s32 $0x10000;
	[smem:$0x7FF] =	sst s2  }
0x6: {  	s22 =	simm.s32 $0x10080;
	_ =	strace $0x8000004A;
	[dreg:$0x12] =	wrdreg s21  }
0x7: {  	s23 =	simm.s32 $0x10100;
	[dreg:$0x13] =	wrdreg s22  }
0x8: {  	s24 =	simm.s32 $0x10180;
	[dreg:$0x14] =	wrdreg s23  }
0x9: {  	s25 =	simm.s32 $0x10200;
	[dreg:$0x15] =	wrdreg s24  }
0xa: {  	s28 =	simm.s32 $0x10280;
	[dreg:$0x16] =	wrdreg s25  }
0xb: {  	s29 =	simm.s32 $0x10300;
	s3 =	sshrl.u32 s1, $0x3;
	[dreg:$0x17] =	wrdreg s28  }
0xc: {  	s30 =	simm.s32 $0x10380;
	s3 =	sadd.s32 s3, s4;
	[dreg:$0x18] =	wrdreg s29  }
0xd: {  	[dreg:$0x19] =	wrdreg s30;
	s5 =	sadd.s32 $0x8E00, s3  }
0xe: {  	s8 =	sadd.s32 $0x8F00, s3;
	[dreg:$0x2] =	wrdreg s5  }
0xf: {  	s9 =	sadd.s32 $0x9000, s3;
	[dreg:$0x3] =	wrdreg s8  }
0x10: {  	s10 =	sadd.s32 $0x9100, s3;
	[dreg:$0x4] =	wrdreg s9  }
0x11: {  	s11 =	sadd.s32 $0x9200, s3;
	[dreg:$0x5] =	wrdreg s10  }
0x12: {  	s12 =	sadd.s32 $0x9300, s3;
	[dreg:$0x6] =	wrdreg s11  }
0x13: {  	s1 =	sshll.u32 s1, $0x6;
	s13 =	sadd.s32 $0x9400, s3;
	[dreg:$0x7] =	wrdreg s12  }
0x14: {  	s1 =	sadd.s32 s1, s4;
	s3 =	sadd.s32 $0x9500, s3;
	[dreg:$0x8] =	wrdreg s13  }
0x15: {  	s14 =	sadd.s32 $0x9600, s1;
	[dreg:$0x9] =	wrdreg s3  }
0x16: {  	s15 =	sadd.s32 $0x29600, s1;
	[dreg:$0xa] =	wrdreg s14  }
0x17: {  	s16 =	sadd.s32 $0x49600, s1;
	[dreg:$0xb] =	wrdreg s15  }
0x18: {  	s6 =	simm.s32 $0x1;
	s17 =	sadd.s32 $0x69600, s1;
	[dreg:$0xc] =	wrdreg s16  }
0x19: {  	s31 =	simm.s32 $0x8000;
	s18 =	sadd.s32 $0x89600, s1;
	[dreg:$0xd] =	wrdreg s17  }
0x1a: {  	s0 =	ssub.s32 $0x2, s0;
	s19 =	sadd.s32 $0xA9600, s1;
	[dreg:$0xe] =	wrdreg s18  }
0x1b: {  	s26 =	sshrl.u32 s0, $0x1;
	s20 =	sadd.s32 $0xC9600, s1;
	[dreg:$0xf] =	wrdreg s19  }
0x1c: {  	v2 =	vlaneseq.u32;
	s0 =	ssub.s32 s0, s26;
	s1 =	sadd.s32 $0xE9600, s1;
	[dreg:$0x10] =	wrdreg s20  }
0x1d: {  	vm0 =	vmmov $0xffff;
	v1 =	vshrl.u32 v2, $0x3;
	s22 =	simm.s32 $0x2;
	[dreg:$0x11] =	wrdreg s1;
	s3 =	sadd.s32 $0x309600, s4  }
0x1e: {  	v0 =	vand.u32 $0x7, v2;
	v2 =	vor.u32 $0x8, v2;
	v1 =	vmul.u32 $0x8, v1;
	s4 =	sadd.s32 $0x309700, s4;
	s5 =	smax.u32 s0, $0x1;
	s13 =	simm.s32 $0x3  }
.LBB2_1:
0x1f: {  	s14 =	rddreg [dreg:$0x2]  }
0x20: {  	s15 =	rddreg [dreg:$0x12]  }
0x21: {  	s16 =	rddreg [dreg:$0x3]  }
0x22: {  	s17 =	rddreg [dreg:$0x13]  }
0x23: {  	s18 =	rddreg [dreg:$0x5]  }
0x24: {  	s19 =	rddreg [dreg:$0x15]  }
0x25: {  	s20 =	rddreg [dreg:$0x6]  }
0x26: {  	s21 =	rddreg [dreg:$0x16]  }
0x27: {  	[tilespmem:s15], [sflag:$0x1] =	stream.linear.gather [hbm4b:s14+s2], $0x40, $0x38;
	[tilespmem:$0x10400] =	vst v63  }
0x28: {  	s23 =	rddreg [dreg:$0x7]  }
0x29: {  	[tilespmem:s17], [sflag:$0x1] =	stream.linear.gather [hbm4b:s16+s2], $0x40, $0x38;
	[tilespmem:$0x10400] =	vst v63  }
0x2a: {  	s16 =	rddreg [dreg:$0x4]  }
0x2b: {  	s17 =	rddreg [dreg:$0x14]  }
0x2c: {  	[tilespmem:s17], [sflag:$0x1] =	stream.linear.gather [hbm4b:s16+s2], $0x40, $0x38;
	[tilespmem:$0x10400] =	vst v63  }
0x2d: {  	s24 =	rddreg [dreg:$0x17]  }
0x2e: {  	[tilespmem:s19], [sflag:$0x1] =	stream.linear.gather [hbm4b:s18+s2], $0x40, $0x38;
	[tilespmem:$0x10400] =	vst v63  }
0x2f: {  	s25 =	rddreg [dreg:$0x8]  }
0x30: {  	[tilespmem:s21], [sflag:$0x1] =	stream.linear.gather [hbm4b:s20+s2], $0x40, $0x38;
	[tilespmem:$0x10400] =	vst v63  }
0x31: {  	s26 =	rddreg [dreg:$0x18]  }
0x32: {  	[tilespmem:s24], [sflag:$0x1] =	stream.linear.gather [hbm4b:s23+s2], $0x40, $0x38;
	[tilespmem:$0x10400] =	vst v63  }
0x33: {  	s28 =	rddreg [dreg:$0x9]  }
0x34: {  	[tilespmem:s26], [sflag:$0x1] =	stream.linear.gather [hbm4b:s25+s2], $0x40, $0x38;
	[tilespmem:$0x10400] =	vst v63  }
0x35: {  	s29 =	rddreg [dreg:$0x19]  }
0x36: {  	[tilespmem:s29], [sflag:$0x1] =	stream.linear.gather [hbm4b:s28+s2], $0x40, $0x38;
	[tilespmem:$0x10400] =	vst v63  }
0x37: {  	_ =	swait.ge [sflag:s6], $0x40  }
0x38: {  	[sflag:s6] =	ssyncset.done $0x0  }
0x39: {  	[sflag:s6] =	ssyncadd.s32 $0xFFFFFFC0  }
0x3a: {  	v3 =	vld [tilespmem:$0x10000];
	_ =	sdelay $0x4  }
0x3b: {  	v4 =	vshll.u32 v3, $0x2  }
0x3c: {  	v3 =	vand.u32 $0x7, v3;
	v4 =	vand.u32 $0xFFFFFFE0, v4  }
0x3d: {  	v3 =	vor.u32 v3, v4  }
0x3e: {  	v4 =	vperm.xlane v3, v0;
	_ =	sdelay $0x1  }
0x3f: {  	v4 =	vadd.s32 v1, v4;
	_ =	sdelay $0x1  }
0x40: {  	v3 =	vperm.xlane v3, v2;
	_ =	sdelay $0x1  }
0x41: {  	v3 =	vadd.s32 v1, v3  }
0x42: {  	[tilespmem:s2], [sflag:$0x2] =	stream.indirect_vreg.gather [hbm4b:s3+s2], $0x80, v4, vm0, $0xb8;
	[tilespmem:$0x10400] =	vst v63  }
0x43: {  	s0 =	simm.s32 $0x800  }
0x44: {  	[tilespmem:s0], [sflag:$0x2] =	stream.indirect_vreg.gather [hbm4b:s4+s2], $0x80, v4, vm0, $0xb8;
	[tilespmem:$0x10400] =	vst v63  }
0x45: {  	s30 =	simm.s32 $0x1000  }
0x46: {  	[tilespmem:s30], [sflag:$0x2] =	stream.indirect_vreg.gather [hbm4b:s3+s2], $0x80, v3, vm0, $0xb8;
	[tilespmem:$0x10400] =	vst v63  }
0x47: {  	s7 =	simm.s32 $0x1800  }
0x48: {  	[tilespmem:s7], [sflag:$0x2] =	stream.indirect_vreg.gather [hbm4b:s4+s2], $0x80, v3, vm0, $0xb8;
	[tilespmem:$0x10400] =	vst v63  }
0x49: {  	v3 =	vld [tilespmem:$0x10010];
	_ =	sdelay $0x4  }
0x4a: {  	v33 =	vshll.u32 v3, $0x2  }
0x4b: {  	v3 =	vand.u32 $0x7, v3;
	v4 =	vand.u32 $0xFFFFFFE0, v33  }
0x4c: {  	v3 =	vor.u32 v3, v4  }
0x4d: {  	v4 =	vperm.xlane v3, v0;
	_ =	sdelay $0x1  }
0x4e: {  	v4 =	vadd.s32 v1, v4;
	_ =	sdelay $0x1  }
0x4f: {  	v3 =	vperm.xlane v3, v2;
	_ =	sdelay $0x1  }
0x50: {  	s9 =	simm.s32 $0x2000;
	v3 =	vadd.s32 v1, v3  }
0x51: {  	[tilespmem:s9], [sflag:$0x2] =	stream.indirect_vreg.gather [hbm4b:s3+s2], $0x80, v4, vm0, $0xb8;
	[tilespmem:$0x10400] =	vst v63  }
0x52: {  	s11 =	simm.s32 $0x2800  }
0x53: {  	[tilespmem:s11], [sflag:$0x2] =	stream.indirect_vreg.gather [hbm4b:s4+s2], $0x80, v4, vm0, $0xb8;
	[tilespmem:$0x10400] =	vst v63  }
0x54: {  	s12 =	simm.s32 $0x3000  }
0x55: {  	[tilespmem:s12], [sflag:$0x2] =	stream.indirect_vreg.gather [hbm4b:s3+s2], $0x80, v3, vm0, $0xb8;
	[tilespmem:$0x10400] =	vst v63  }
0x56: {  	s14 =	simm.s32 $0x3800  }
0x57: {  	[tilespmem:s14], [sflag:$0x2] =	stream.indirect_vreg.gather [hbm4b:s4+s2], $0x80, v3, vm0, $0xb8;
	[tilespmem:$0x10400] =	vst v63  }
0x58: {  	v3 =	vld [tilespmem:$0x10020];
	_ =	sdelay $0x4  }
0x59: {  	v34 =	vshll.u32 v3, $0x2  }
0x5a: {  	v3 =	vand.u32 $0x7, v3;
	v4 =	vand.u32 $0xFFFFFFE0, v34  }
0x5b: {  	v3 =	vor.u32 v3, v4  }
0x5c: {  	v4 =	vperm.xlane v3, v0;
	_ =	sdelay $0x1  }
0x5d: {  	v4 =	vadd.s32 v1, v4;
	_ =	sdelay $0x1  }
0x5e: {  	v3 =	vperm.xlane v3, v2;
	_ =	sdelay $0x1  }
0x5f: {  	s15 =	simm.s32 $0x4000;
	v3 =	vadd.s32 v1, v3  }
0x60: {  	[tilespmem:s15], [sflag:$0x2] =	stream.indirect_vreg.gather [hbm4b:s3+s2], $0x80, v4, vm0, $0xb8;
	[tilespmem:$0x10400] =	vst v63  }
0x61: {  	s16 =	simm.s32 $0x4800  }
0x62: {  	[tilespmem:s16], [sflag:$0x2] =	stream.indirect_vreg.gather [hbm4b:s4+s2], $0x80, v4, vm0, $0xb8;
	[tilespmem:$0x10400] =	vst v63  }
0x63: {  	s17 =	simm.s32 $0x5000  }
0x64: {  	[tilespmem:s17], [sflag:$0x2] =	stream.indirect_vreg.gather [hbm4b:s3+s2], $0x80, v3, vm0, $0xb8;
	[tilespmem:$0x10400] =	vst v63  }
0x65: {  	s18 =	simm.s32 $0x5800  }
0x66: {  	[tilespmem:s18], [sflag:$0x2] =	stream.indirect_vreg.gather [hbm4b:s4+s2], $0x80, v3, vm0, $0xb8;
	[tilespmem:$0x10400] =	vst v63  }
0x67: {  	v3 =	vld [tilespmem:$0x10030];
	_ =	sdelay $0x4  }
0x68: {  	v35 =	vshll.u32 v3, $0x2  }
0x69: {  	v3 =	vand.u32 $0x7, v3;
	v4 =	vand.u32 $0xFFFFFFE0, v35  }
0x6a: {  	v3 =	vor.u32 v3, v4  }
0x6b: {  	v4 =	vperm.xlane v3, v0;
	_ =	sdelay $0x1  }
0x6c: {  	v4 =	vadd.s32 v1, v4;
	_ =	sdelay $0x1  }
0x6d: {  	v3 =	vperm.xlane v3, v2;
	_ =	sdelay $0x1  }
0x6e: {  	s19 =	simm.s32 $0x6000;
	v3 =	vadd.s32 v1, v3  }
0x6f: {  	[tilespmem:s19], [sflag:$0x2] =	stream.indirect_vreg.gather [hbm4b:s3+s2], $0x80, v4, vm0, $0xb8;
	[tilespmem:$0x10400] =	vst v63  }
0x70: {  	s20 =	simm.s32 $0x6800  }
0x71: {  	[tilespmem:s20], [sflag:$0x2] =	stream.indirect_vreg.gather [hbm4b:s4+s2], $0x80, v4, vm0, $0xb8;
	[tilespmem:$0x10400] =	vst v63  }
0x72: {  	s21 =	simm.s32 $0x7000  }
0x73: {  	[tilespmem:s21], [sflag:$0x2] =	stream.indirect_vreg.gather [hbm4b:s3+s2], $0x80, v3, vm0, $0xb8;
	[tilespmem:$0x10400] =	vst v63  }
0x74: {  	s23 =	simm.s32 $0x7800  }
0x75: {  	[tilespmem:s23], [sflag:$0x2] =	stream.indirect_vreg.gather [hbm4b:s4+s2], $0x80, v3, vm0, $0xb8;
	[tilespmem:$0x10400] =	vst v63  }
0x76: {  	_ =	swait.ge [sflag:s22], $0x8000  }
0x77: {  	[sflag:s22] =	ssyncset.done $0x0  }
0x78: {  	s24 =	rddreg [dreg:$0xa];
	[sflag:s22] =	ssyncadd.s32 $0xFFFF8000  }
0x79: {  	[hbm4b:s24+s2] =	stream.linear.scatter [tilespmem:s2], [sflag:$0x3], $0x8000, $0x38;
	[tilespmem:$0x10400] =	vst v63  }
0x7a: {  	_ =	swait.ge [sflag:s6], $0x40  }
0x7b: {  	[sflag:s6] =	ssyncset.done $0x0  }
0x7c: {  	[sflag:s6] =	ssyncadd.s32 $0xFFFFFFC0  }
0x7d: {  	v3 =	vld [tilespmem:$0x10080];
	_ =	sdelay $0x4  }
0x7e: {  	v36 =	vshll.u32 v3, $0x2  }
0x7f: {  	v3 =	vand.u32 $0x7, v3;
	v4 =	vand.u32 $0xFFFFFFE0, v36  }
0x80: {  	v3 =	vor.u32 v3, v4  }
0x81: {  	v4 =	vperm.xlane v3, v0;
	_ =	sdelay $0x1  }
0x82: {  	v4 =	vadd.s32 v1, v4;
	_ =	sdelay $0x1  }
0x83: {  	v3 =	vperm.xlane v3, v2;
	_ =	sdelay $0x1  }
0x84: {  	v3 =	vadd.s32 v1, v3  }
0x85: {  	[tilespmem:s31], [sflag:$0x2] =	stream.indirect_vreg.gather [hbm4b:s3+s2], $0x80, v4, vm0, $0xb8;
	[tilespmem:$0x10400] =	vst v63  }
0x86: {  	s25 =	simm.s32 $0x8800  }
0x87: {  	[tilespmem:s25], [sflag:$0x2] =	stream.indirect_vreg.gather [hbm4b:s4+s2], $0x80, v4, vm0, $0xb8;
	[tilespmem:$0x10400] =	vst v63  }
0x88: {  	s26 =	simm.s32 $0x9000  }
0x89: {  	[tilespmem:s26], [sflag:$0x2] =	stream.indirect_vreg.gather [hbm4b:s3+s2], $0x80, v3, vm0, $0xb8;
	[tilespmem:$0x10400] =	vst v63  }
0x8a: {  	s28 =	simm.s32 $0x9800  }
0x8b: {  	[tilespmem:s28], [sflag:$0x2] =	stream.indirect_vreg.gather [hbm4b:s4+s2], $0x80, v3, vm0, $0xb8;
	[tilespmem:$0x10400] =	vst v63  }
0x8c: {  	v3 =	vld [tilespmem:$0x10090];
	_ =	sdelay $0x4  }
0x8d: {  	v37 =	vshll.u32 v3, $0x2  }
0x8e: {  	v3 =	vand.u32 $0x7, v3;
	v4 =	vand.u32 $0xFFFFFFE0, v37  }
0x8f: {  	v3 =	vor.u32 v3, v4  }
0x90: {  	v4 =	vperm.xlane v3, v0;
	_ =	sdelay $0x1  }
0x91: {  	v4 =	vadd.s32 v1, v4;
	_ =	sdelay $0x1  }
0x92: {  	v3 =	vperm.xlane v3, v2;
	_ =	sdelay $0x1  }
0x93: {  	s29 =	simm.s32 $0xA000;
	v3 =	vadd.s32 v1, v3  }
0x94: {  	[tilespmem:s29], [sflag:$0x2] =	stream.indirect_vreg.gather [hbm4b:s3+s2], $0x80, v4, vm0, $0xb8;
	[tilespmem:$0x10400] =	vst v63  }
0x95: {  	s30 =	simm.s32 $0xA800  }
0x96: {  	[tilespmem:s30], [sflag:$0x2] =	stream.indirect_vreg.gather [hbm4b:s4+s2], $0x80, v4, vm0, $0xb8;
	[tilespmem:$0x10400] =	vst v63  }
0x97: {  	s12 =	simm.s32 $0xB000  }
0x98: {  	[tilespmem:s12], [sflag:$0x2] =	stream.indirect_vreg.gather [hbm4b:s3+s2], $0x80, v3, vm0, $0xb8;
	[tilespmem:$0x10400] =	vst v63  }
0x99: {  	s14 =	simm.s32 $0xB800  }
0x9a: {  	[tilespmem:s14], [sflag:$0x2] =	stream.indirect_vreg.gather [hbm4b:s4+s2], $0x80, v3, vm0, $0xb8;
	[tilespmem:$0x10400] =	vst v63  }
0x9b: {  	v3 =	vld [tilespmem:$0x100A0];
	_ =	sdelay $0x4  }
0x9c: {  	v38 =	vshll.u32 v3, $0x2  }
0x9d: {  	v3 =	vand.u32 $0x7, v3;
	v4 =	vand.u32 $0xFFFFFFE0, v38  }
0x9e: {  	v3 =	vor.u32 v3, v4  }
0x9f: {  	v4 =	vperm.xlane v3, v0;
	_ =	sdelay $0x1  }
0xa0: {  	v4 =	vadd.s32 v1, v4;
	_ =	sdelay $0x1  }
0xa1: {  	v3 =	vperm.xlane v3, v2;
	_ =	sdelay $0x1  }
0xa2: {  	s15 =	simm.s32 $0xC000;
	v3 =	vadd.s32 v1, v3  }
0xa3: {  	[tilespmem:s15], [sflag:$0x2] =	stream.indirect_vreg.gather [hbm4b:s3+s2], $0x80, v4, vm0, $0xb8;
	[tilespmem:$0x10400] =	vst v63  }
0xa4: {  	s17 =	simm.s32 $0xC800  }
0xa5: {  	[tilespmem:s17], [sflag:$0x2] =	stream.indirect_vreg.gather [hbm4b:s4+s2], $0x80, v4, vm0, $0xb8;
	[tilespmem:$0x10400] =	vst v63  }
0xa6: {  	s18 =	simm.s32 $0xD000  }
0xa7: {  	[tilespmem:s18], [sflag:$0x2] =	stream.indirect_vreg.gather [hbm4b:s3+s2], $0x80, v3, vm0, $0xb8;
	[tilespmem:$0x10400] =	vst v63  }
0xa8: {  	s19 =	simm.s32 $0xD800  }
0xa9: {  	[tilespmem:s19], [sflag:$0x2] =	stream.indirect_vreg.gather [hbm4b:s4+s2], $0x80, v3, vm0, $0xb8;
	[tilespmem:$0x10400] =	vst v63  }
0xaa: {  	v3 =	vld [tilespmem:$0x100B0];
	_ =	sdelay $0x4  }
0xab: {  	v39 =	vshll.u32 v3, $0x2  }
0xac: {  	v3 =	vand.u32 $0x7, v3;
	v4 =	vand.u32 $0xFFFFFFE0, v39  }
0xad: {  	v3 =	vor.u32 v3, v4  }
0xae: {  	v4 =	vperm.xlane v3, v0;
	_ =	sdelay $0x1  }
0xaf: {  	v4 =	vadd.s32 v1, v4;
	_ =	sdelay $0x1  }
0xb0: {  	v3 =	vperm.xlane v3, v2;
	_ =	sdelay $0x1  }
0xb1: {  	s21 =	simm.s32 $0xE000;
	v3 =	vadd.s32 v1, v3  }
0xb2: {  	[tilespmem:s21], [sflag:$0x2] =	stream.indirect_vreg.gather [hbm4b:s3+s2], $0x80, v4, vm0, $0xb8;
	[tilespmem:$0x10400] =	vst v63  }
0xb3: {  	s23 =	simm.s32 $0xE800  }
0xb4: {  	[tilespmem:s23], [sflag:$0x2] =	stream.indirect_vreg.gather [hbm4b:s4+s2], $0x80, v4, vm0, $0xb8;
	[tilespmem:$0x10400] =	vst v63  }
0xb5: {  	s28 =	simm.s32 $0xF000  }
0xb6: {  	[tilespmem:s28], [sflag:$0x2] =	stream.indirect_vreg.gather [hbm4b:s3+s2], $0x80, v3, vm0, $0xb8;
	[tilespmem:$0x10400] =	vst v63  }
0xb7: {  	s30 =	simm.s32 $0xF800  }
0xb8: {  	[tilespmem:s30], [sflag:$0x2] =	stream.indirect_vreg.gather [hbm4b:s4+s2], $0x80, v3, vm0, $0xb8;
	[tilespmem:$0x10400] =	vst v63  }
0xb9: {  	_ =	swait.ge [sflag:s22], $0x8000  }
0xba: {  	[sflag:s22] =	ssyncset.done $0x0  }
0xbb: {  	s0 =	rddreg [dreg:$0xb];
	[sflag:s22] =	ssyncadd.s32 $0xFFFF8000  }
0xbc: {  	[hbm4b:s0+s2] =	stream.linear.scatter [tilespmem:s31], [sflag:$0x3], $0x8000, $0x38;
	[tilespmem:$0x10400] =	vst v63  }
0xbd: {  	_ =	swait.ge [sflag:s6], $0x40  }
0xbe: {  	[sflag:s6] =	ssyncset.done $0x0  }
0xbf: {  	[sflag:s6] =	ssyncadd.s32 $0xFFFFFFC0  }
0xc0: {  	_ =	swait.ge [sflag:s13], $0x8000  }
0xc1: {  	[sflag:s13] =	ssyncset.done $0x0  }
0xc2: {  	[sflag:s13] =	ssyncadd.s32 $0xFFFF8000  }
0xc3: {  	v3 =	vld [tilespmem:$0x10100];
	_ =	sdelay $0x4  }
0xc4: {  	v40 =	vshll.u32 v3, $0x2  }
0xc5: {  	v3 =	vand.u32 $0x7, v3;
	v4 =	vand.u32 $0xFFFFFFE0, v40  }
0xc6: {  	v3 =	vor.u32 v3, v4  }
0xc7: {  	v4 =	vperm.xlane v3, v0;
	_ =	sdelay $0x1  }
0xc8: {  	v4 =	vadd.s32 v1, v4;
	_ =	sdelay $0x1  }
0xc9: {  	v3 =	vperm.xlane v3, v2;
	_ =	sdelay $0x1  }
0xca: {  	v3 =	vadd.s32 v1, v3  }
0xcb: {  	[tilespmem:s2], [sflag:$0x2] =	stream.indirect_vreg.gather [hbm4b:s3+s2], $0x80, v4, vm0, $0xb8;
	[tilespmem:$0x10400] =	vst v63  }
0xcc: {  	s1 =	simm.s32 $0x800  }
0xcd: {  	[tilespmem:s1], [sflag:$0x2] =	stream.indirect_vreg.gather [hbm4b:s4+s2], $0x80, v4, vm0, $0xb8;
	[tilespmem:$0x10400] =	vst v63  }
0xce: {  	s8 =	simm.s32 $0x1000  }
0xcf: {  	[tilespmem:s8], [sflag:$0x2] =	stream.indirect_vreg.gather [hbm4b:s3+s2], $0x80, v3, vm0, $0xb8;
	[tilespmem:$0x10400] =	vst v63  }
0xd0: {  	s10 =	simm.s32 $0x1800  }
0xd1: {  	[tilespmem:s10], [sflag:$0x2] =	stream.indirect_vreg.gather [hbm4b:s4+s2], $0x80, v3, vm0, $0xb8;
	[tilespmem:$0x10400] =	vst v63  }
0xd2: {  	v3 =	vld [tilespmem:$0x10110];
	_ =	sdelay $0x4  }
0xd3: {  	v41 =	vshll.u32 v3, $0x2  }
0xd4: {  	v3 =	vand.u32 $0x7, v3;
	v4 =	vand.u32 $0xFFFFFFE0, v41  }
0xd5: {  	v3 =	vor.u32 v3, v4  }
0xd6: {  	v4 =	vperm.xlane v3, v0;
	_ =	sdelay $0x1  }
0xd7: {  	v4 =	vadd.s32 v1, v4;
	_ =	sdelay $0x1  }
0xd8: {  	v3 =	vperm.xlane v3, v2;
	_ =	sdelay $0x1  }
0xd9: {  	s9 =	simm.s32 $0x2000;
	v3 =	vadd.s32 v1, v3  }
0xda: {  	[tilespmem:s9], [sflag:$0x2] =	stream.indirect_vreg.gather [hbm4b:s3+s2], $0x80, v4, vm0, $0xb8;
	[tilespmem:$0x10400] =	vst v63  }
0xdb: {  	s23 =	simm.s32 $0x2800  }
0xdc: {  	[tilespmem:s23], [sflag:$0x2] =	stream.indirect_vreg.gather [hbm4b:s4+s2], $0x80, v4, vm0, $0xb8;
	[tilespmem:$0x10400] =	vst v63  }
0xdd: {  	s10 =	simm.s32 $0x3000  }
0xde: {  	[tilespmem:s10], [sflag:$0x2] =	stream.indirect_vreg.gather [hbm4b:s3+s2], $0x80, v3, vm0, $0xb8;
	[tilespmem:$0x10400] =	vst v63  }
0xdf: {  	s11 =	simm.s32 $0x3800  }
0xe0: {  	[tilespmem:s11], [sflag:$0x2] =	stream.indirect_vreg.gather [hbm4b:s4+s2], $0x80, v3, vm0, $0xb8;
	[tilespmem:$0x10400] =	vst v63  }
0xe1: {  	v3 =	vld [tilespmem:$0x10120];
	_ =	sdelay $0x4  }
0xe2: {  	v42 =	vshll.u32 v3, $0x2  }
0xe3: {  	v3 =	vand.u32 $0x7, v3;
	v4 =	vand.u32 $0xFFFFFFE0, v42  }
0xe4: {  	v3 =	vor.u32 v3, v4  }
0xe5: {  	v4 =	vperm.xlane v3, v0;
	_ =	sdelay $0x1  }
0xe6: {  	v4 =	vadd.s32 v1, v4;
	_ =	sdelay $0x1  }
0xe7: {  	v3 =	vperm.xlane v3, v2;
	_ =	sdelay $0x1  }
0xe8: {  	s11 =	simm.s32 $0x4000;
	v3 =	vadd.s32 v1, v3  }
0xe9: {  	[tilespmem:s11], [sflag:$0x2] =	stream.indirect_vreg.gather [hbm4b:s3+s2], $0x80, v4, vm0, $0xb8;
	[tilespmem:$0x10400] =	vst v63  }
0xea: {  	s12 =	simm.s32 $0x4800  }
0xeb: {  	[tilespmem:s12], [sflag:$0x2] =	stream.indirect_vreg.gather [hbm4b:s4+s2], $0x80, v4, vm0, $0xb8;
	[tilespmem:$0x10400] =	vst v63  }
0xec: {  	s15 =	simm.s32 $0x5000  }
0xed: {  	[tilespmem:s15], [sflag:$0x2] =	stream.indirect_vreg.gather [hbm4b:s3+s2], $0x80, v3, vm0, $0xb8;
	[tilespmem:$0x10400] =	vst v63  }
0xee: {  	s17 =	simm.s32 $0x5800  }
0xef: {  	[tilespmem:s17], [sflag:$0x2] =	stream.indirect_vreg.gather [hbm4b:s4+s2], $0x80, v3, vm0, $0xb8;
	[tilespmem:$0x10400] =	vst v63  }
0xf0: {  	v3 =	vld [tilespmem:$0x10130];
	_ =	sdelay $0x4  }
0xf1: {  	v43 =	vshll.u32 v3, $0x2  }
0xf2: {  	v3 =	vand.u32 $0x7, v3;
	v4 =	vand.u32 $0xFFFFFFE0, v43  }
0xf3: {  	v3 =	vor.u32 v3, v4  }
0xf4: {  	v4 =	vperm.xlane v3, v0;
	_ =	sdelay $0x1  }
0xf5: {  	v4 =	vadd.s32 v1, v4;
	_ =	sdelay $0x1  }
0xf6: {  	v3 =	vperm.xlane v3, v2;
	_ =	sdelay $0x1  }
0xf7: {  	s16 =	simm.s32 $0x6000;
	v3 =	vadd.s32 v1, v3  }
0xf8: {  	[tilespmem:s16], [sflag:$0x2] =	stream.indirect_vreg.gather [hbm4b:s3+s2], $0x80, v4, vm0, $0xb8;
	[tilespmem:$0x10400] =	vst v63  }
0xf9: {  	s21 =	simm.s32 $0x6800  }
0xfa: {  	[tilespmem:s21], [sflag:$0x2] =	stream.indirect_vreg.gather [hbm4b:s4+s2], $0x80, v4, vm0, $0xb8;
	[tilespmem:$0x10400] =	vst v63  }
0xfb: {  	s18 =	simm.s32 $0x7000  }
0xfc: {  	[tilespmem:s18], [sflag:$0x2] =	stream.indirect_vreg.gather [hbm4b:s3+s2], $0x80, v3, vm0, $0xb8;
	[tilespmem:$0x10400] =	vst v63  }
0xfd: {  	s16 =	simm.s32 $0x7800  }
0xfe: {  	[tilespmem:s16], [sflag:$0x2] =	stream.indirect_vreg.gather [hbm4b:s4+s2], $0x80, v3, vm0, $0xb8;
	[tilespmem:$0x10400] =	vst v63  }
0xff: {  	_ =	swait.ge [sflag:s22], $0x8000  }
0x100: {  	[sflag:s22] =	ssyncset.done $0x0  }
0x101: {  	s9 =	rddreg [dreg:$0xc];
	[sflag:s22] =	ssyncadd.s32 $0xFFFF8000  }
0x102: {  	[hbm4b:s9+s2] =	stream.linear.scatter [tilespmem:s2], [sflag:$0x3], $0x8000, $0x38;
	[tilespmem:$0x10400] =	vst v63  }
0x103: {  	_ =	swait.ge [sflag:s6], $0x40  }
0x104: {  	[sflag:s6] =	ssyncset.done $0x0  }
0x105: {  	[sflag:s6] =	ssyncadd.s32 $0xFFFFFFC0  }
0x106: {  	_ =	swait.ge [sflag:s13], $0x8000  }
0x107: {  	[sflag:s13] =	ssyncset.done $0x0  }
0x108: {  	[sflag:s13] =	ssyncadd.s32 $0xFFFF8000  }
0x109: {  	v3 =	vld [tilespmem:$0x10180];
	_ =	sdelay $0x4  }
0x10a: {  	v44 =	vshll.u32 v3, $0x2  }
0x10b: {  	v3 =	vand.u32 $0x7, v3;
	v4 =	vand.u32 $0xFFFFFFE0, v44  }
0x10c: {  	v3 =	vor.u32 v3, v4  }
0x10d: {  	v4 =	vperm.xlane v3, v0;
	_ =	sdelay $0x1  }
0x10e: {  	v4 =	vadd.s32 v1, v4;
	_ =	sdelay $0x1  }
0x10f: {  	v3 =	vperm.xlane v3, v2;
	_ =	sdelay $0x1  }
0x110: {  	v3 =	vadd.s32 v1, v3  }
0x111: {  	[tilespmem:s31], [sflag:$0x2] =	stream.indirect_vreg.gather [hbm4b:s3+s2], $0x80, v4, vm0, $0xb8;
	[tilespmem:$0x10400] =	vst v63  }
0x112: {  	s0 =	simm.s32 $0x8800  }
0x113: {  	[tilespmem:s0], [sflag:$0x2] =	stream.indirect_vreg.gather [hbm4b:s4+s2], $0x80, v4, vm0, $0xb8;
	[tilespmem:$0x10400] =	vst v63  }
0x114: {  	s1 =	simm.s32 $0x9000  }
0x115: {  	[tilespmem:s1], [sflag:$0x2] =	stream.indirect_vreg.gather [hbm4b:s3+s2], $0x80, v3, vm0, $0xb8;
	[tilespmem:$0x10400] =	vst v63  }
0x116: {  	s7 =	simm.s32 $0x9800  }
0x117: {  	[tilespmem:s7], [sflag:$0x2] =	stream.indirect_vreg.gather [hbm4b:s4+s2], $0x80, v3, vm0, $0xb8;
	[tilespmem:$0x10400] =	vst v63  }
0x118: {  	v3 =	vld [tilespmem:$0x10190];
	_ =	sdelay $0x4  }
0x119: {  	v45 =	vshll.u32 v3, $0x2  }
0x11a: {  	v3 =	vand.u32 $0x7, v3;
	v4 =	vand.u32 $0xFFFFFFE0, v45  }
0x11b: {  	v3 =	vor.u32 v3, v4  }
0x11c: {  	v4 =	vperm.xlane v3, v0;
	_ =	sdelay $0x1  }
0x11d: {  	v4 =	vadd.s32 v1, v4;
	_ =	sdelay $0x1  }
0x11e: {  	v3 =	vperm.xlane v3, v2;
	_ =	sdelay $0x1  }
0x11f: {  	s7 =	simm.s32 $0xA000;
	v3 =	vadd.s32 v1, v3  }
0x120: {  	[tilespmem:s7], [sflag:$0x2] =	stream.indirect_vreg.gather [hbm4b:s3+s2], $0x80, v4, vm0, $0xb8;
	[tilespmem:$0x10400] =	vst v63  }
0x121: {  	s8 =	simm.s32 $0xA800  }
0x122: {  	[tilespmem:s8], [sflag:$0x2] =	stream.indirect_vreg.gather [hbm4b:s4+s2], $0x80, v4, vm0, $0xb8;
	[tilespmem:$0x10400] =	vst v63  }
0x123: {  	s9 =	simm.s32 $0xB000  }
0x124: {  	[tilespmem:s9], [sflag:$0x2] =	stream.indirect_vreg.gather [hbm4b:s3+s2], $0x80, v3, vm0, $0xb8;
	[tilespmem:$0x10400] =	vst v63  }
0x125: {  	s20 =	simm.s32 $0xB800  }
0x126: {  	[tilespmem:s20], [sflag:$0x2] =	stream.indirect_vreg.gather [hbm4b:s4+s2], $0x80, v3, vm0, $0xb8;
	[tilespmem:$0x10400] =	vst v63  }
0x127: {  	v3 =	vld [tilespmem:$0x101A0];
	_ =	sdelay $0x4  }
0x128: {  	v46 =	vshll.u32 v3, $0x2  }
0x129: {  	v3 =	vand.u32 $0x7, v3;
	v4 =	vand.u32 $0xFFFFFFE0, v46  }
0x12a: {  	v3 =	vor.u32 v3, v4  }
0x12b: {  	v4 =	vperm.xlane v3, v0;
	_ =	sdelay $0x1  }
0x12c: {  	v4 =	vadd.s32 v1, v4;
	_ =	sdelay $0x1  }
0x12d: {  	v3 =	vperm.xlane v3, v2;
	_ =	sdelay $0x1  }
0x12e: {  	s29 =	simm.s32 $0xC000;
	v3 =	vadd.s32 v1, v3  }
0x12f: {  	[tilespmem:s29], [sflag:$0x2] =	stream.indirect_vreg.gather [hbm4b:s3+s2], $0x80, v4, vm0, $0xb8;
	[tilespmem:$0x10400] =	vst v63  }
0x130: {  	s25 =	simm.s32 $0xC800  }
0x131: {  	[tilespmem:s25], [sflag:$0x2] =	stream.indirect_vreg.gather [hbm4b:s4+s2], $0x80, v4, vm0, $0xb8;
	[tilespmem:$0x10400] =	vst v63  }
0x132: {  	s26 =	simm.s32 $0xD000  }
0x133: {  	[tilespmem:s26], [sflag:$0x2] =	stream.indirect_vreg.gather [hbm4b:s3+s2], $0x80, v3, vm0, $0xb8;
	[tilespmem:$0x10400] =	vst v63  }
0x134: {  	s24 =	simm.s32 $0xD800  }
0x135: {  	[tilespmem:s24], [sflag:$0x2] =	stream.indirect_vreg.gather [hbm4b:s4+s2], $0x80, v3, vm0, $0xb8;
	[tilespmem:$0x10400] =	vst v63  }
0x136: {  	v3 =	vld [tilespmem:$0x101B0];
	_ =	sdelay $0x4  }
0x137: {  	v47 =	vshll.u32 v3, $0x2  }
0x138: {  	v3 =	vand.u32 $0x7, v3;
	v4 =	vand.u32 $0xFFFFFFE0, v47  }
0x139: {  	v3 =	vor.u32 v3, v4  }
0x13a: {  	v4 =	vperm.xlane v3, v0;
	_ =	sdelay $0x1  }
0x13b: {  	v4 =	vadd.s32 v1, v4;
	_ =	sdelay $0x1  }
0x13c: {  	v3 =	vperm.xlane v3, v2;
	_ =	sdelay $0x1  }
0x13d: {  	s26 =	simm.s32 $0xE000;
	v3 =	vadd.s32 v1, v3  }
0x13e: {  	[tilespmem:s26], [sflag:$0x2] =	stream.indirect_vreg.gather [hbm4b:s3+s2], $0x80, v4, vm0, $0xb8;
	[tilespmem:$0x10400] =	vst v63  }
0x13f: {  	s29 =	simm.s32 $0xE800  }
0x140: {  	[tilespmem:s29], [sflag:$0x2] =	stream.indirect_vreg.gather [hbm4b:s4+s2], $0x80, v4, vm0, $0xb8;
	[tilespmem:$0x10400] =	vst v63  }
0x141: {  	s28 =	simm.s32 $0xF000  }
0x142: {  	[tilespmem:s28], [sflag:$0x2] =	stream.indirect_vreg.gather [hbm4b:s3+s2], $0x80, v3, vm0, $0xb8;
	[tilespmem:$0x10400] =	vst v63  }
0x143: {  	s19 =	simm.s32 $0xF800  }
0x144: {  	[tilespmem:s19], [sflag:$0x2] =	stream.indirect_vreg.gather [hbm4b:s4+s2], $0x80, v3, vm0, $0xb8;
	[tilespmem:$0x10400] =	vst v63  }
0x145: {  	_ =	swait.ge [sflag:s22], $0x8000  }
0x146: {  	[sflag:s22] =	ssyncset.done $0x0  }
0x147: {  	s19 =	rddreg [dreg:$0xd];
	[sflag:s22] =	ssyncadd.s32 $0xFFFF8000  }
0x148: {  	[hbm4b:s19+s2] =	stream.linear.scatter [tilespmem:s31], [sflag:$0x3], $0x8000, $0x38;
	[tilespmem:$0x10400] =	vst v63  }
0x149: {  	_ =	swait.ge [sflag:s6], $0x40  }
0x14a: {  	[sflag:s6] =	ssyncset.done $0x0  }
0x14b: {  	[sflag:s6] =	ssyncadd.s32 $0xFFFFFFC0  }
0x14c: {  	_ =	swait.ge [sflag:s13], $0x8000  }
0x14d: {  	[sflag:s13] =	ssyncset.done $0x0  }
0x14e: {  	[sflag:s13] =	ssyncadd.s32 $0xFFFF8000  }
0x14f: {  	v3 =	vld [tilespmem:$0x10200];
	_ =	sdelay $0x4  }
0x150: {  	v48 =	vshll.u32 v3, $0x2  }
0x151: {  	v3 =	vand.u32 $0x7, v3;
	v4 =	vand.u32 $0xFFFFFFE0, v48  }
0x152: {  	v3 =	vor.u32 v3, v4  }
0x153: {  	v4 =	vperm.xlane v3, v0;
	_ =	sdelay $0x1  }
0x154: {  	v4 =	vadd.s32 v1, v4;
	_ =	sdelay $0x1  }
0x155: {  	v3 =	vperm.xlane v3, v2;
	_ =	sdelay $0x1  }
0x156: {  	v3 =	vadd.s32 v1, v3  }
0x157: {  	[tilespmem:s2], [sflag:$0x2] =	stream.indirect_vreg.gather [hbm4b:s3+s2], $0x80, v4, vm0, $0xb8;
	[tilespmem:$0x10400] =	vst v63  }
0x158: {  	s19 =	simm.s32 $0x800  }
0x159: {  	[tilespmem:s19], [sflag:$0x2] =	stream.indirect_vreg.gather [hbm4b:s4+s2], $0x80, v4, vm0, $0xb8;
	[tilespmem:$0x10400] =	vst v63  }
0x15a: {  	s19 =	simm.s32 $0x1000  }
0x15b: {  	[tilespmem:s19], [sflag:$0x2] =	stream.indirect_vreg.gather [hbm4b:s3+s2], $0x80, v3, vm0, $0xb8;
	[tilespmem:$0x10400] =	vst v63  }
0x15c: {  	s19 =	simm.s32 $0x1800  }
0x15d: {  	[tilespmem:s19], [sflag:$0x2] =	stream.indirect_vreg.gather [hbm4b:s4+s2], $0x80, v3, vm0, $0xb8;
	[tilespmem:$0x10400] =	vst v63  }
0x15e: {  	v3 =	vld [tilespmem:$0x10210];
	_ =	sdelay $0x4  }
0x15f: {  	v49 =	vshll.u32 v3, $0x2  }
0x160: {  	v3 =	vand.u32 $0x7, v3;
	v4 =	vand.u32 $0xFFFFFFE0, v49  }
0x161: {  	v3 =	vor.u32 v3, v4  }
0x162: {  	v4 =	vperm.xlane v3, v0;
	_ =	sdelay $0x1  }
0x163: {  	v4 =	vadd.s32 v1, v4;
	_ =	sdelay $0x1  }
0x164: {  	v3 =	vperm.xlane v3, v2;
	_ =	sdelay $0x1  }
0x165: {  	s19 =	simm.s32 $0x2000;
	v3 =	vadd.s32 v1, v3  }
0x166: {  	[tilespmem:s19], [sflag:$0x2] =	stream.indirect_vreg.gather [hbm4b:s3+s2], $0x80, v4, vm0, $0xb8;
	[tilespmem:$0x10400] =	vst v63  }
0x167: {  	_ = 	snop  }
0x168: {  	[tilespmem:s23], [sflag:$0x2] =	stream.indirect_vreg.gather [hbm4b:s4+s2], $0x80, v4, vm0, $0xb8;
	[tilespmem:$0x10400] =	vst v63  }
0x169: {  	_ = 	snop  }
0x16a: {  	[tilespmem:s10], [sflag:$0x2] =	stream.indirect_vreg.gather [hbm4b:s3+s2], $0x80, v3, vm0, $0xb8;
	[tilespmem:$0x10400] =	vst v63  }
0x16b: {  	s19 =	simm.s32 $0x3800  }
0x16c: {  	[tilespmem:s19], [sflag:$0x2] =	stream.indirect_vreg.gather [hbm4b:s4+s2], $0x80, v3, vm0, $0xb8;
	[tilespmem:$0x10400] =	vst v63  }
0x16d: {  	v3 =	vld [tilespmem:$0x10220];
	_ =	sdelay $0x4  }
0x16e: {  	v50 =	vshll.u32 v3, $0x2  }
0x16f: {  	v3 =	vand.u32 $0x7, v3;
	v4 =	vand.u32 $0xFFFFFFE0, v50  }
0x170: {  	v3 =	vor.u32 v3, v4  }
0x171: {  	v4 =	vperm.xlane v3, v0;
	_ =	sdelay $0x1  }
0x172: {  	v4 =	vadd.s32 v1, v4;
	_ =	sdelay $0x1  }
0x173: {  	v3 =	vperm.xlane v3, v2;
	_ =	sdelay $0x1  }
0x174: {  	v3 =	vadd.s32 v1, v3  }
0x175: {  	[tilespmem:s11], [sflag:$0x2] =	stream.indirect_vreg.gather [hbm4b:s3+s2], $0x80, v4, vm0, $0xb8;
	[tilespmem:$0x10400] =	vst v63  }
0x176: {  	_ = 	snop  }
0x177: {  	[tilespmem:s12], [sflag:$0x2] =	stream.indirect_vreg.gather [hbm4b:s4+s2], $0x80, v4, vm0, $0xb8;
	[tilespmem:$0x10400] =	vst v63  }
0x178: {  	_ = 	snop  }
0x179: {  	[tilespmem:s15], [sflag:$0x2] =	stream.indirect_vreg.gather [hbm4b:s3+s2], $0x80, v3, vm0, $0xb8;
	[tilespmem:$0x10400] =	vst v63  }
0x17a: {  	_ = 	snop  }
0x17b: {  	[tilespmem:s17], [sflag:$0x2] =	stream.indirect_vreg.gather [hbm4b:s4+s2], $0x80, v3, vm0, $0xb8;
	[tilespmem:$0x10400] =	vst v63  }
0x17c: {  	v3 =	vld [tilespmem:$0x10230];
	_ =	sdelay $0x4  }
0x17d: {  	v51 =	vshll.u32 v3, $0x2  }
0x17e: {  	v3 =	vand.u32 $0x7, v3;
	v4 =	vand.u32 $0xFFFFFFE0, v51  }
0x17f: {  	v3 =	vor.u32 v3, v4  }
0x180: {  	v4 =	vperm.xlane v3, v0;
	_ =	sdelay $0x1  }
0x181: {  	v4 =	vadd.s32 v1, v4;
	_ =	sdelay $0x1  }
0x182: {  	v3 =	vperm.xlane v3, v2;
	_ =	sdelay $0x1  }
0x183: {  	s19 =	simm.s32 $0x6000;
	v3 =	vadd.s32 v1, v3  }
0x184: {  	[tilespmem:s19], [sflag:$0x2] =	stream.indirect_vreg.gather [hbm4b:s3+s2], $0x80, v4, vm0, $0xb8;
	[tilespmem:$0x10400] =	vst v63  }
0x185: {  	_ = 	snop  }
0x186: {  	[tilespmem:s21], [sflag:$0x2] =	stream.indirect_vreg.gather [hbm4b:s4+s2], $0x80, v4, vm0, $0xb8;
	[tilespmem:$0x10400] =	vst v63  }
0x187: {  	_ = 	snop  }
0x188: {  	[tilespmem:s18], [sflag:$0x2] =	stream.indirect_vreg.gather [hbm4b:s3+s2], $0x80, v3, vm0, $0xb8;
	[tilespmem:$0x10400] =	vst v63  }
0x189: {  	_ = 	snop  }
0x18a: {  	[tilespmem:s16], [sflag:$0x2] =	stream.indirect_vreg.gather [hbm4b:s4+s2], $0x80, v3, vm0, $0xb8;
	[tilespmem:$0x10400] =	vst v63  }
0x18b: {  	_ =	swait.ge [sflag:s22], $0x8000  }
0x18c: {  	[sflag:s22] =	ssyncset.done $0x0  }
0x18d: {  	s21 =	rddreg [dreg:$0xe];
	[sflag:s22] =	ssyncadd.s32 $0xFFFF8000  }
0x18e: {  	[hbm4b:s21+s2] =	stream.linear.scatter [tilespmem:s2], [sflag:$0x3], $0x8000, $0x38;
	[tilespmem:$0x10400] =	vst v63  }
0x18f: {  	_ =	swait.ge [sflag:s6], $0x40  }
0x190: {  	[sflag:s6] =	ssyncset.done $0x0  }
0x191: {  	[sflag:s6] =	ssyncadd.s32 $0xFFFFFFC0  }
0x192: {  	_ =	swait.ge [sflag:s13], $0x8000  }
0x193: {  	[sflag:s13] =	ssyncset.done $0x0  }
0x194: {  	[sflag:s13] =	ssyncadd.s32 $0xFFFF8000  }
0x195: {  	v3 =	vld [tilespmem:$0x10280];
	_ =	sdelay $0x4  }
0x196: {  	v52 =	vshll.u32 v3, $0x2  }
0x197: {  	v3 =	vand.u32 $0x7, v3;
	v4 =	vand.u32 $0xFFFFFFE0, v52  }
0x198: {  	v3 =	vor.u32 v3, v4  }
0x199: {  	v4 =	vperm.xlane v3, v0;
	_ =	sdelay $0x1  }
0x19a: {  	v4 =	vadd.s32 v1, v4;
	_ =	sdelay $0x1  }
0x19b: {  	v3 =	vperm.xlane v3, v2;
	_ =	sdelay $0x1  }
0x19c: {  	v3 =	vadd.s32 v1, v3  }
0x19d: {  	[tilespmem:s31], [sflag:$0x2] =	stream.indirect_vreg.gather [hbm4b:s3+s2], $0x80, v4, vm0, $0xb8;
	[tilespmem:$0x10400] =	vst v63  }
0x19e: {  	_ = 	snop  }
0x19f: {  	[tilespmem:s0], [sflag:$0x2] =	stream.indirect_vreg.gather [hbm4b:s4+s2], $0x80, v4, vm0, $0xb8;
	[tilespmem:$0x10400] =	vst v63  }
0x1a0: {  	_ = 	snop  }
0x1a1: {  	[tilespmem:s1], [sflag:$0x2] =	stream.indirect_vreg.gather [hbm4b:s3+s2], $0x80, v3, vm0, $0xb8;
	[tilespmem:$0x10400] =	vst v63  }
0x1a2: {  	s21 =	simm.s32 $0x9800  }
0x1a3: {  	[tilespmem:s21], [sflag:$0x2] =	stream.indirect_vreg.gather [hbm4b:s4+s2], $0x80, v3, vm0, $0xb8;
	[tilespmem:$0x10400] =	vst v63  }
0x1a4: {  	v3 =	vld [tilespmem:$0x10290];
	_ =	sdelay $0x4  }
0x1a5: {  	v53 =	vshll.u32 v3, $0x2  }
0x1a6: {  	v3 =	vand.u32 $0x7, v3;
	v4 =	vand.u32 $0xFFFFFFE0, v53  }
0x1a7: {  	v3 =	vor.u32 v3, v4  }
0x1a8: {  	v4 =	vperm.xlane v3, v0;
	_ =	sdelay $0x1  }
0x1a9: {  	v4 =	vadd.s32 v1, v4;
	_ =	sdelay $0x1  }
0x1aa: {  	v3 =	vperm.xlane v3, v2;
	_ =	sdelay $0x1  }
0x1ab: {  	v3 =	vadd.s32 v1, v3  }
0x1ac: {  	[tilespmem:s7], [sflag:$0x2] =	stream.indirect_vreg.gather [hbm4b:s3+s2], $0x80, v4, vm0, $0xb8;
	[tilespmem:$0x10400] =	vst v63  }
0x1ad: {  	_ = 	snop  }
0x1ae: {  	[tilespmem:s8], [sflag:$0x2] =	stream.indirect_vreg.gather [hbm4b:s4+s2], $0x80, v4, vm0, $0xb8;
	[tilespmem:$0x10400] =	vst v63  }
0x1af: {  	_ = 	snop  }
0x1b0: {  	[tilespmem:s9], [sflag:$0x2] =	stream.indirect_vreg.gather [hbm4b:s3+s2], $0x80, v3, vm0, $0xb8;
	[tilespmem:$0x10400] =	vst v63  }
0x1b1: {  	s21 =	simm.s32 $0xB800  }
0x1b2: {  	[tilespmem:s21], [sflag:$0x2] =	stream.indirect_vreg.gather [hbm4b:s4+s2], $0x80, v3, vm0, $0xb8;
	[tilespmem:$0x10400] =	vst v63  }
0x1b3: {  	v3 =	vld [tilespmem:$0x102A0];
	_ =	sdelay $0x4  }
0x1b4: {  	v54 =	vshll.u32 v3, $0x2  }
0x1b5: {  	v3 =	vand.u32 $0x7, v3;
	v4 =	vand.u32 $0xFFFFFFE0, v54  }
0x1b6: {  	v3 =	vor.u32 v3, v4  }
0x1b7: {  	v4 =	vperm.xlane v3, v0;
	_ =	sdelay $0x1  }
0x1b8: {  	v4 =	vadd.s32 v1, v4;
	_ =	sdelay $0x1  }
0x1b9: {  	v3 =	vperm.xlane v3, v2;
	_ =	sdelay $0x1  }
0x1ba: {  	s30 =	simm.s32 $0xC000;
	v3 =	vadd.s32 v1, v3  }
0x1bb: {  	[tilespmem:s30], [sflag:$0x2] =	stream.indirect_vreg.gather [hbm4b:s3+s2], $0x80, v4, vm0, $0xb8;
	[tilespmem:$0x10400] =	vst v63  }
0x1bc: {  	s21 =	simm.s32 $0xC800  }
0x1bd: {  	[tilespmem:s21], [sflag:$0x2] =	stream.indirect_vreg.gather [hbm4b:s4+s2], $0x80, v4, vm0, $0xb8;
	[tilespmem:$0x10400] =	vst v63  }
0x1be: {  	s20 =	simm.s32 $0xD000  }
0x1bf: {  	[tilespmem:s20], [sflag:$0x2] =	stream.indirect_vreg.gather [hbm4b:s3+s2], $0x80, v3, vm0, $0xb8;
	[tilespmem:$0x10400] =	vst v63  }
0x1c0: {  	s25 =	simm.s32 $0xD800  }
0x1c1: {  	[tilespmem:s25], [sflag:$0x2] =	stream.indirect_vreg.gather [hbm4b:s4+s2], $0x80, v3, vm0, $0xb8;
	[tilespmem:$0x10400] =	vst v63  }
0x1c2: {  	v3 =	vld [tilespmem:$0x102B0];
	_ =	sdelay $0x4  }
0x1c3: {  	v55 =	vshll.u32 v3, $0x2  }
0x1c4: {  	v3 =	vand.u32 $0x7, v3;
	v4 =	vand.u32 $0xFFFFFFE0, v55  }
0x1c5: {  	v3 =	vor.u32 v3, v4  }
0x1c6: {  	v4 =	vperm.xlane v3, v0;
	_ =	sdelay $0x1  }
0x1c7: {  	v4 =	vadd.s32 v1, v4;
	_ =	sdelay $0x1  }
0x1c8: {  	v3 =	vperm.xlane v3, v2;
	_ =	sdelay $0x1  }
0x1c9: {  	s26 =	simm.s32 $0xE000;
	v3 =	vadd.s32 v1, v3  }
0x1ca: {  	[tilespmem:s26], [sflag:$0x2] =	stream.indirect_vreg.gather [hbm4b:s3+s2], $0x80, v4, vm0, $0xb8;
	[tilespmem:$0x10400] =	vst v63  }
0x1cb: {  	s24 =	simm.s32 $0xE800  }
0x1cc: {  	[tilespmem:s24], [sflag:$0x2] =	stream.indirect_vreg.gather [hbm4b:s4+s2], $0x80, v4, vm0, $0xb8;
	[tilespmem:$0x10400] =	vst v63  }
0x1cd: {  	s28 =	simm.s32 $0xF000  }
0x1ce: {  	[tilespmem:s28], [sflag:$0x2] =	stream.indirect_vreg.gather [hbm4b:s3+s2], $0x80, v3, vm0, $0xb8;
	[tilespmem:$0x10400] =	vst v63  }
0x1cf: {  	s29 =	simm.s32 $0xF800  }
0x1d0: {  	[tilespmem:s29], [sflag:$0x2] =	stream.indirect_vreg.gather [hbm4b:s4+s2], $0x80, v3, vm0, $0xb8;
	[tilespmem:$0x10400] =	vst v63  }
0x1d1: {  	_ =	swait.ge [sflag:s22], $0x8000  }
0x1d2: {  	[sflag:s22] =	ssyncset.done $0x0  }
0x1d3: {  	s29 =	rddreg [dreg:$0xf];
	[sflag:s22] =	ssyncadd.s32 $0xFFFF8000  }
0x1d4: {  	[hbm4b:s29+s2] =	stream.linear.scatter [tilespmem:s31], [sflag:$0x3], $0x8000, $0x38;
	[tilespmem:$0x10400] =	vst v63  }
0x1d5: {  	_ =	swait.ge [sflag:s6], $0x40  }
0x1d6: {  	[sflag:s6] =	ssyncset.done $0x0  }
0x1d7: {  	[sflag:s6] =	ssyncadd.s32 $0xFFFFFFC0  }
0x1d8: {  	_ =	swait.ge [sflag:s13], $0x8000  }
0x1d9: {  	[sflag:s13] =	ssyncset.done $0x0  }
0x1da: {  	[sflag:s13] =	ssyncadd.s32 $0xFFFF8000  }
0x1db: {  	v3 =	vld [tilespmem:$0x10300];
	_ =	sdelay $0x4  }
0x1dc: {  	v56 =	vshll.u32 v3, $0x2  }
0x1dd: {  	v3 =	vand.u32 $0x7, v3;
	v4 =	vand.u32 $0xFFFFFFE0, v56  }
0x1de: {  	v3 =	vor.u32 v3, v4  }
0x1df: {  	v4 =	vperm.xlane v3, v0;
	_ =	sdelay $0x1  }
0x1e0: {  	v4 =	vadd.s32 v1, v4;
	_ =	sdelay $0x1  }
0x1e1: {  	v3 =	vperm.xlane v3, v2;
	_ =	sdelay $0x1  }
0x1e2: {  	v3 =	vadd.s32 v1, v3  }
0x1e3: {  	[tilespmem:s2], [sflag:$0x2] =	stream.indirect_vreg.gather [hbm4b:s3+s2], $0x80, v4, vm0, $0xb8;
	[tilespmem:$0x10400] =	vst v63  }
0x1e4: {  	s29 =	simm.s32 $0x800  }
0x1e5: {  	[tilespmem:s29], [sflag:$0x2] =	stream.indirect_vreg.gather [hbm4b:s4+s2], $0x80, v4, vm0, $0xb8;
	[tilespmem:$0x10400] =	vst v63  }
0x1e6: {  	s29 =	simm.s32 $0x1000  }
0x1e7: {  	[tilespmem:s29], [sflag:$0x2] =	stream.indirect_vreg.gather [hbm4b:s3+s2], $0x80, v3, vm0, $0xb8;
	[tilespmem:$0x10400] =	vst v63  }
0x1e8: {  	s29 =	simm.s32 $0x1800  }
0x1e9: {  	[tilespmem:s29], [sflag:$0x2] =	stream.indirect_vreg.gather [hbm4b:s4+s2], $0x80, v3, vm0, $0xb8;
	[tilespmem:$0x10400] =	vst v63  }
0x1ea: {  	v3 =	vld [tilespmem:$0x10310];
	_ =	sdelay $0x4  }
0x1eb: {  	v57 =	vshll.u32 v3, $0x2  }
0x1ec: {  	v3 =	vand.u32 $0x7, v3;
	v4 =	vand.u32 $0xFFFFFFE0, v57  }
0x1ed: {  	v3 =	vor.u32 v3, v4  }
0x1ee: {  	v4 =	vperm.xlane v3, v0;
	_ =	sdelay $0x1  }
0x1ef: {  	v4 =	vadd.s32 v1, v4;
	_ =	sdelay $0x1  }
0x1f0: {  	v3 =	vperm.xlane v3, v2;
	_ =	sdelay $0x1  }
0x1f1: {  	s29 =	simm.s32 $0x2000;
	v3 =	vadd.s32 v1, v3  }
0x1f2: {  	[tilespmem:s29], [sflag:$0x2] =	stream.indirect_vreg.gather [hbm4b:s3+s2], $0x80, v4, vm0, $0xb8;
	[tilespmem:$0x10400] =	vst v63  }
0x1f3: {  	s23 =	simm.s32 $0x2800  }
0x1f4: {  	[tilespmem:s23], [sflag:$0x2] =	stream.indirect_vreg.gather [hbm4b:s4+s2], $0x80, v4, vm0, $0xb8;
	[tilespmem:$0x10400] =	vst v63  }
0x1f5: {  	s10 =	simm.s32 $0x3000  }
0x1f6: {  	[tilespmem:s10], [sflag:$0x2] =	stream.indirect_vreg.gather [hbm4b:s3+s2], $0x80, v3, vm0, $0xb8;
	[tilespmem:$0x10400] =	vst v63  }
0x1f7: {  	s14 =	simm.s32 $0x3800  }
0x1f8: {  	[tilespmem:s14], [sflag:$0x2] =	stream.indirect_vreg.gather [hbm4b:s4+s2], $0x80, v3, vm0, $0xb8;
	[tilespmem:$0x10400] =	vst v63  }
0x1f9: {  	v3 =	vld [tilespmem:$0x10320];
	_ =	sdelay $0x4  }
0x1fa: {  	v58 =	vshll.u32 v3, $0x2  }
0x1fb: {  	v3 =	vand.u32 $0x7, v3;
	v4 =	vand.u32 $0xFFFFFFE0, v58  }
0x1fc: {  	v3 =	vor.u32 v3, v4  }
0x1fd: {  	v4 =	vperm.xlane v3, v0;
	_ =	sdelay $0x1  }
0x1fe: {  	v4 =	vadd.s32 v1, v4;
	_ =	sdelay $0x1  }
0x1ff: {  	v3 =	vperm.xlane v3, v2;
	_ =	sdelay $0x1  }
0x200: {  	s11 =	simm.s32 $0x4000;
	v3 =	vadd.s32 v1, v3  }
0x201: {  	[tilespmem:s11], [sflag:$0x2] =	stream.indirect_vreg.gather [hbm4b:s3+s2], $0x80, v4, vm0, $0xb8;
	[tilespmem:$0x10400] =	vst v63  }
0x202: {  	s12 =	simm.s32 $0x4800  }
0x203: {  	[tilespmem:s12], [sflag:$0x2] =	stream.indirect_vreg.gather [hbm4b:s4+s2], $0x80, v4, vm0, $0xb8;
	[tilespmem:$0x10400] =	vst v63  }
0x204: {  	s15 =	simm.s32 $0x5000  }
0x205: {  	[tilespmem:s15], [sflag:$0x2] =	stream.indirect_vreg.gather [hbm4b:s3+s2], $0x80, v3, vm0, $0xb8;
	[tilespmem:$0x10400] =	vst v63  }
0x206: {  	s17 =	simm.s32 $0x5800  }
0x207: {  	[tilespmem:s17], [sflag:$0x2] =	stream.indirect_vreg.gather [hbm4b:s4+s2], $0x80, v3, vm0, $0xb8;
	[tilespmem:$0x10400] =	vst v63  }
0x208: {  	v3 =	vld [tilespmem:$0x10330];
	_ =	sdelay $0x4  }
0x209: {  	v59 =	vshll.u32 v3, $0x2  }
0x20a: {  	v3 =	vand.u32 $0x7, v3;
	v4 =	vand.u32 $0xFFFFFFE0, v59  }
0x20b: {  	v3 =	vor.u32 v3, v4  }
0x20c: {  	v4 =	vperm.xlane v3, v0;
	_ =	sdelay $0x1  }
0x20d: {  	v4 =	vadd.s32 v1, v4;
	_ =	sdelay $0x1  }
0x20e: {  	v3 =	vperm.xlane v3, v2;
	_ =	sdelay $0x1  }
0x20f: {  	s17 =	simm.s32 $0x6000;
	v3 =	vadd.s32 v1, v3  }
0x210: {  	[tilespmem:s17], [sflag:$0x2] =	stream.indirect_vreg.gather [hbm4b:s3+s2], $0x80, v4, vm0, $0xb8;
	[tilespmem:$0x10400] =	vst v63  }
0x211: {  	s19 =	simm.s32 $0x6800  }
0x212: {  	[tilespmem:s19], [sflag:$0x2] =	stream.indirect_vreg.gather [hbm4b:s4+s2], $0x80, v4, vm0, $0xb8;
	[tilespmem:$0x10400] =	vst v63  }
0x213: {  	s18 =	simm.s32 $0x7000  }
0x214: {  	[tilespmem:s18], [sflag:$0x2] =	stream.indirect_vreg.gather [hbm4b:s3+s2], $0x80, v3, vm0, $0xb8;
	[tilespmem:$0x10400] =	vst v63  }
0x215: {  	s16 =	simm.s32 $0x7800  }
0x216: {  	[tilespmem:s16], [sflag:$0x2] =	stream.indirect_vreg.gather [hbm4b:s4+s2], $0x80, v3, vm0, $0xb8;
	[tilespmem:$0x10400] =	vst v63  }
0x217: {  	_ =	swait.ge [sflag:s22], $0x8000  }
0x218: {  	[sflag:s22] =	ssyncset.done $0x0  }
0x219: {  	s18 =	rddreg [dreg:$0x10];
	[sflag:s22] =	ssyncadd.s32 $0xFFFF8000  }
0x21a: {  	[hbm4b:s18+s2] =	stream.linear.scatter [tilespmem:s2], [sflag:$0x3], $0x8000, $0x38;
	[tilespmem:$0x10400] =	vst v63  }
0x21b: {  	_ =	swait.ge [sflag:s6], $0x40  }
0x21c: {  	[sflag:s6] =	ssyncset.done $0x0  }
0x21d: {  	[sflag:s6] =	ssyncadd.s32 $0xFFFFFFC0  }
0x21e: {  	_ =	swait.ge [sflag:s13], $0x8000  }
0x21f: {  	[sflag:s13] =	ssyncset.done $0x0  }
0x220: {  	[sflag:s13] =	ssyncadd.s32 $0xFFFF8000  }
0x221: {  	v3 =	vld [tilespmem:$0x10380];
	_ =	sdelay $0x4  }
0x222: {  	v60 =	vshll.u32 v3, $0x2  }
0x223: {  	v3 =	vand.u32 $0x7, v3;
	v4 =	vand.u32 $0xFFFFFFE0, v60  }
0x224: {  	v3 =	vor.u32 v3, v4  }
0x225: {  	v4 =	vperm.xlane v3, v0;
	_ =	sdelay $0x1  }
0x226: {  	v4 =	vadd.s32 v1, v4;
	_ =	sdelay $0x1  }
0x227: {  	v3 =	vperm.xlane v3, v2;
	_ =	sdelay $0x1  }
0x228: {  	v3 =	vadd.s32 v1, v3  }
0x229: {  	[tilespmem:s31], [sflag:$0x2] =	stream.indirect_vreg.gather [hbm4b:s3+s2], $0x80, v4, vm0, $0xb8;
	[tilespmem:$0x10400] =	vst v63  }
0x22a: {  	s0 =	simm.s32 $0x8800  }
0x22b: {  	[tilespmem:s0], [sflag:$0x2] =	stream.indirect_vreg.gather [hbm4b:s4+s2], $0x80, v4, vm0, $0xb8;
	[tilespmem:$0x10400] =	vst v63  }
0x22c: {  	s1 =	simm.s32 $0x9000  }
0x22d: {  	[tilespmem:s1], [sflag:$0x2] =	stream.indirect_vreg.gather [hbm4b:s3+s2], $0x80, v3, vm0, $0xb8;
	[tilespmem:$0x10400] =	vst v63  }
0x22e: {  	s19 =	simm.s32 $0x9800  }
0x22f: {  	[tilespmem:s19], [sflag:$0x2] =	stream.indirect_vreg.gather [hbm4b:s4+s2], $0x80, v3, vm0, $0xb8;
	[tilespmem:$0x10400] =	vst v63  }
0x230: {  	v3 =	vld [tilespmem:$0x10390];
	_ =	sdelay $0x4  }
0x231: {  	v61 =	vshll.u32 v3, $0x2  }
0x232: {  	v3 =	vand.u32 $0x7, v3;
	v4 =	vand.u32 $0xFFFFFFE0, v61  }
0x233: {  	v3 =	vor.u32 v3, v4  }
0x234: {  	v4 =	vperm.xlane v3, v0;
	_ =	sdelay $0x1  }
0x235: {  	v4 =	vadd.s32 v1, v4;
	_ =	sdelay $0x1  }
0x236: {  	v3 =	vperm.xlane v3, v2;
	_ =	sdelay $0x1  }
0x237: {  	s7 =	simm.s32 $0xA000;
	v3 =	vadd.s32 v1, v3  }
0x238: {  	[tilespmem:s7], [sflag:$0x2] =	stream.indirect_vreg.gather [hbm4b:s3+s2], $0x80, v4, vm0, $0xb8;
	[tilespmem:$0x10400] =	vst v63  }
0x239: {  	s8 =	simm.s32 $0xA800  }
0x23a: {  	[tilespmem:s8], [sflag:$0x2] =	stream.indirect_vreg.gather [hbm4b:s4+s2], $0x80, v4, vm0, $0xb8;
	[tilespmem:$0x10400] =	vst v63  }
0x23b: {  	s9 =	simm.s32 $0xB000  }
0x23c: {  	[tilespmem:s9], [sflag:$0x2] =	stream.indirect_vreg.gather [hbm4b:s3+s2], $0x80, v3, vm0, $0xb8;
	[tilespmem:$0x10400] =	vst v63  }
0x23d: {  	s23 =	simm.s32 $0xB800  }
0x23e: {  	[tilespmem:s23], [sflag:$0x2] =	stream.indirect_vreg.gather [hbm4b:s4+s2], $0x80, v3, vm0, $0xb8;
	[tilespmem:$0x10400] =	vst v63  }
0x23f: {  	v3 =	vld [tilespmem:$0x103A0];
	_ =	sdelay $0x4  }
0x240: {  	v62 =	vshll.u32 v3, $0x2  }
0x241: {  	v3 =	vand.u32 $0x7, v3;
	v4 =	vand.u32 $0xFFFFFFE0, v62  }
0x242: {  	v3 =	vor.u32 v3, v4  }
0x243: {  	v4 =	vperm.xlane v3, v0;
	_ =	sdelay $0x1  }
0x244: {  	v4 =	vadd.s32 v1, v4;
	_ =	sdelay $0x1  }
0x245: {  	v3 =	vperm.xlane v3, v2;
	_ =	sdelay $0x1  }
0x246: {  	s30 =	simm.s32 $0xC000;
	v3 =	vadd.s32 v1, v3  }
0x247: {  	[tilespmem:s30], [sflag:$0x2] =	stream.indirect_vreg.gather [hbm4b:s3+s2], $0x80, v4, vm0, $0xb8;
	[tilespmem:$0x10400] =	vst v63  }
0x248: {  	s29 =	simm.s32 $0xC800  }
0x249: {  	[tilespmem:s29], [sflag:$0x2] =	stream.indirect_vreg.gather [hbm4b:s4+s2], $0x80, v4, vm0, $0xb8;
	[tilespmem:$0x10400] =	vst v63  }
0x24a: {  	s21 =	simm.s32 $0xD000  }
0x24b: {  	[tilespmem:s21], [sflag:$0x2] =	stream.indirect_vreg.gather [hbm4b:s3+s2], $0x80, v3, vm0, $0xb8;
	[tilespmem:$0x10400] =	vst v63  }
0x24c: {  	s25 =	simm.s32 $0xD800  }
0x24d: {  	[tilespmem:s25], [sflag:$0x2] =	stream.indirect_vreg.gather [hbm4b:s4+s2], $0x80, v3, vm0, $0xb8;
	[tilespmem:$0x10400] =	vst v63  }
0x24e: {  	v3 =	vld [tilespmem:$0x103B0];
	_ =	sdelay $0x4  }
0x24f: {  	v63 =	vshll.u32 v3, $0x2  }
0x250: {  	v3 =	vand.u32 $0x7, v3;
	v4 =	vand.u32 $0xFFFFFFE0, v63  }
0x251: {  	v3 =	vor.u32 v3, v4  }
0x252: {  	v4 =	vperm.xlane v3, v0;
	_ =	sdelay $0x1  }
0x253: {  	v4 =	vadd.s32 v1, v4;
	_ =	sdelay $0x1  }
0x254: {  	v3 =	vperm.xlane v3, v2;
	_ =	sdelay $0x1  }
0x255: {  	s26 =	simm.s32 $0xE000;
	v3 =	vadd.s32 v1, v3  }
0x256: {  	[tilespmem:s26], [sflag:$0x2] =	stream.indirect_vreg.gather [hbm4b:s3+s2], $0x80, v4, vm0, $0xb8;
	[tilespmem:$0x10400] =	vst v63  }
0x257: {  	s20 =	simm.s32 $0xE800  }
0x258: {  	[tilespmem:s20], [sflag:$0x2] =	stream.indirect_vreg.gather [hbm4b:s4+s2], $0x80, v4, vm0, $0xb8;
	[tilespmem:$0x10400] =	vst v63  }
0x259: {  	s24 =	simm.s32 $0xF000  }
0x25a: {  	[tilespmem:s24], [sflag:$0x2] =	stream.indirect_vreg.gather [hbm4b:s3+s2], $0x80, v3, vm0, $0xb8;
	[tilespmem:$0x10400] =	vst v63  }
0x25b: {  	s28 =	simm.s32 $0xF800  }
0x25c: {  	[tilespmem:s28], [sflag:$0x2] =	stream.indirect_vreg.gather [hbm4b:s4+s2], $0x80, v3, vm0, $0xb8;
	[tilespmem:$0x10400] =	vst v63  }
0x25d: {  	_ =	swait.ge [sflag:s22], $0x8000  }
0x25e: {  	[sflag:s22] =	ssyncset.done $0x0  }
0x25f: {  	s30 =	rddreg [dreg:$0x11];
	[sflag:s22] =	ssyncadd.s32 $0xFFFF8000  }
0x260: {  	[hbm4b:s30+s2] =	stream.linear.scatter [tilespmem:s31], [sflag:$0x3], $0x8000, $0x38;
	[tilespmem:$0x10400] =	vst v63  }
0x261: {  	p0 =	sne.s32 s5, $0x1;
	_ =	swait.ge [sflag:s13], $0x8000  }
.Ltmp0:
0x262: {  	[sflag:s13] =	ssyncset.done $0x0;
	(pc) =	sbr.rel @p0 .LBB2_1-.Ltmp0, $4  }
0x263: {  	[sflag:s13] =	ssyncadd.s32 $0xFFFF8000  }
0x264: {  	_ =	swait.ge [sflag:s13], $0x8000  }
0x265: {  	[sflag:s13] =	ssyncset.done $0x0  }
0x266: {  	s5 =	sadd.s32 $0xFFFFFFFF, s5;
	[sflag:s13] =	ssyncadd.s32 $0xFFFF8000  }
0x267: {  	_ =	sfence.sel $0x180000  }
0x268: {  	[bflag:$0x0] =	sbarrier.arrive $0xFFFF  }
0x269: {  	_ =	strace $0x9000004A  }
0x26a: {  	s0 =	stileid.u32;
	[bflag:$0x2] =	sbarrier.arrive $0xFFFF  }
0x26b: {  	p0 =	sne.s32 s0, $0x0;
	s0 =	rddreg [dreg:$0x1]  }
0x26c: {  	s0 =	sadd.s32 @!p0 $0x100000, s0  }
0x26d: {  	[sflag:s0] =	ssyncadd.tile.s32 @!p0 $0x1;
	_ =	shalt  }
.Lfunc_end2:
_tile_overlayer_lowered:
.L_overlay_start_2:
0x26e: {  	(tag) =	ssettag $0x2  }
0x26f: {  	s0 =	rddreg [dreg:$0x0];
	s2 =	stileid.u32  }
0x270: {  	s1 =	rddreg [dreg:$0x1];
	p0 =	sne.s32 s2, $0x0  }
0x271: {  	s3 =	rddreg [dreg:$0x2];
	[bflag:$0x3] =	sbarrier.arrive $0xFFFF;
	s2 =	simm.s32 @!p0 $0x1C04  }
0x272: {  	[timem:s3], [sflag:s2] =	dma.local @!p0 [hbm:s0], s1  }
0x273: {  	s0 =	simm.s32 @!p0 $0x4  }
0x274: {  	_ =	swait.ge @!p0 [sflag:s0], s1  }
0x275: {  	s1 =	ssub.s32 @!p0 $0x0, s1;
	[sflag:s0] =	ssyncset.done @!p0 $0x0  }
0x276: {  	[sflag:s0] =	ssyncadd.s32 @!p0 s1  }
0x277: {  	[bflag:$0x3] =	sbarrier.arrive $0xFFFF  }
0x278: {  	_ =	shalt  }

// kernel: kernel.7.cloned.1.call-start
scs
__scs_entry_jumppad:
0x0: {  	(pc) =	sbr.rel $0x88, $3  }
0x1: {  	(tag) =	ssettag $0x0;
	lr =	simm.s32 $0x1  }
0x2: {  	[smem:$0x3F9D] =	sst lr;
	_ =	strace $0xD0000000  }
0x3: {  	_ = 	snop  }
0x4: {  	_ = 	snop  }
0x5: {  	_ = 	snop  }
0x6: {  	_ = 	snop  }
0x7: {  	_ = 	snop  }
__scs_overlays_trampoline_lowered:
0x8: {  	[smem:$0x3FAC] =	sst s0  }
0x9: {  	[smem:$0x3FAD] =	sst s1  }
0xa: {  	[smem:$0x3FAE] =	sst s2  }
0xb: {  	[smem:$0x3FAF] =	sst s3  }
0xc: {  	[smem:$0x3FB0] =	sst s4  }
0xd: {  	[smem:$0x3FB1] =	sst s5  }
0xe: {  	[smem:$0x3FB2] =	sst s6  }
0xf: {  	[smem:$0x3FB3] =	sst s7  }
0x10: {  	[smem:$0x3FB4] =	sst s8  }
0x11: {  	[smem:$0x3FB5] =	sst s9;
	s0 =	simm.s32 @!p0 $0x0  }
0x12: {  	s1 =	sld [smem:$0x3F9B];
	s0 =	simm.s32 @p0 $0x1  }
0x13: {  	[smem:$0x3FB6] =	sst s0;
	s0 =	simm.s32 @!p1 $0x0  }
0x14: {  	s2 =	sld [smem:$0x3F9A];
	s0 =	simm.s32 @p1 $0x1  }
0x15: {  	[smem:$0x3FB7] =	sst s0;
	s0 =	simm.s32 @!p2 $0x0  }
0x16: {  	s3 =	sld [smem:$0x3FDB];
	s0 =	simm.s32 @p2 $0x1  }
0x17: {  	s4 =	simm.s32 $0x1BF5;
	[smem:$0x3FB9] =	sst s0  }
0x18: {  	s0 =	sld [smem:$0x3F9C];
	_ =	swait.ge [sflag:s4], $0x0  }
0x19: {  	s7 =	sld [smem:$0x3F9D]  }
0x1a: {  	s8 =	sadd.s32 $0xFFFFE003, lr  }
0x1b: {  	s9 =	sadd.s32 $0xFFFFFEF7, lr;
	s5 =	simm.s32 $0xFFFFFFFF;
	p2 =	slt.u32 s8, $0xFFFFF086  }
0x1c: {  	p1 =	slt.u32 s9, $0xF7A;
	s5 =	simm.s32 @!p2 $0x0  }
0x1d: {  	s5 =	simm.s32 @p1 $0x1;
	p0 =	seq.s32 s7, s2  }
0x1e: {  	s7 =	smul.u32 @!p0 $0xF7A, s2;
	p2 =	seq.s32 @!p0 s5, $0x0  }
0x1f: {  	s9 =	smul.u32 $0xF7A, s1;
	s8 =	simm.s32 @!p0 $0x1BF5;
	p2 =	por !p2, p0  }
0x20: {  	[sflag:s8] =	ssyncset.s32 @!p0 $0xFFFFF086;
	s6 =	sadd.s32 @!p0 s3, s7;
	s7 =	simm.s32 @!p0 $0x108  }
0x21: {  	s3 =	sadd.s32 s3, s9;
	s6 =	sadd.s32 @!p0 $0x88, s6;
	s7 =	simm.s32 @p2 $0x1082  }
0x22: {  	[simem:s7], [sflag:s8] =	dma.local @!p0 [hbm:s6], $0xF7A  }
0x23: {  	s9 =	sor.u32 $0xD0000000, s2;
	s6 =	simm.s32 $0x108;
	_ =	swait.ge @!p0 [sflag:s8], $0x0  }
0x24: {  	s3 =	sadd.s32 $0x88, s3;
	s6 =	simm.s32 @!p1 $0x1082;
	[sflag:s4] =	ssyncset.s32 $0xFFFFF086  }
0x25: {  	[simem:s6], [sflag:s4] =	dma.local [hbm:s3], $0xF7A  }
0x26: {  	[smem:$0x3F9D] =	sst s1;
	(tag) =	ssettag s2;
	_ =	strace s9  }
0x27: {  	s1 =	sld [smem:$0x3FAD]  }
0x28: {  	s2 =	sld [smem:$0x3FAE]  }
0x29: {  	s4 =	sld [smem:$0x3FB0]  }
0x2a: {  	p0 =	seq.s32 s5, $0x0;
	s5 =	sld [smem:$0x3FB1]  }
0x2b: {  	s6 =	sld [smem:$0x3FB2]  }
0x2c: {  	s7 =	sld [smem:$0x3FB3]  }
0x2d: {  	s3 =	simm.s32 $0x108;
	s8 =	sld [smem:$0x3FB4]  }
0x2e: {  	s3 =	simm.s32 @!p0 $0x1082;
	s9 =	sld [smem:$0x3FB5]  }
0x2f: {  	lr =	sadd.s32 s0, s3;
	s0 =	sld [smem:$0x3FAC]  }
0x30: {  	s3 =	sld [smem:$0x3FAF]  }
0x31: {  	[smem:$0x3FB8] =	sst s10  }
0x32: {  	s10 =	sld [smem:$0x3FB6];
	_ =	sdelay $0x3  }
0x33: {  	p0 =	seq.s32 s10, $0x1;
	s10 =	sld [smem:$0x3FB8];
	_ =	sdelay $0x3  }
0x34: {  	[smem:$0x3FB8] =	sst s10  }
0x35: {  	s10 =	sld [smem:$0x3FB7];
	_ =	sdelay $0x3  }
0x36: {  	p1 =	seq.s32 s10, $0x1;
	s10 =	sld [smem:$0x3FB8];
	_ =	sdelay $0x3  }
0x37: {  	[smem:$0x3FB8] =	sst s10  }
0x38: {  	s10 =	sld [smem:$0x3FB9]  }
0x39: {  	_ = 	snop;
	(pc) =	sbr.ind lr, $3  }
0x3a: {  	_ = 	snop  }
0x3b: {  	_ = 	snop  }
0x3c: {  	p2 =	seq.s32 s10, $0x1;
	s10 =	sld [smem:$0x3FB8]  }
0x3d: {  	_ =	shalt  }
0x3e: {  	_ =	shalt  }
0x3f: {  	_ =	shalt  }
0x40: {  	_ =	shalt  }
0x41: {  	_ =	shalt  }
0x42: {  	_ =	shalt  }
0x43: {  	_ =	shalt  }
0x44: {  	_ =	shalt  }
0x45: {  	_ =	shalt  }
0x46: {  	_ =	shalt  }
0x47: {  	_ =	shalt  }
0x48: {  	_ =	shalt  }
0x49: {  	_ =	shalt  }
0x4a: {  	_ =	shalt  }
0x4b: {  	_ =	shalt  }
0x4c: {  	_ =	shalt  }
0x4d: {  	_ =	shalt  }
0x4e: {  	_ =	shalt  }
0x4f: {  	_ =	shalt  }
0x50: {  	_ =	shalt  }
0x51: {  	_ =	shalt  }
0x52: {  	_ =	shalt  }
0x53: {  	_ =	shalt  }
0x54: {  	_ =	shalt  }
0x55: {  	_ =	shalt  }
0x56: {  	_ =	shalt  }
0x57: {  	_ =	shalt  }
0x58: {  	_ =	shalt  }
0x59: {  	_ =	shalt  }
0x5a: {  	_ =	shalt  }
0x5b: {  	_ =	shalt  }
0x5c: {  	_ =	shalt  }
0x5d: {  	_ =	shalt  }
0x5e: {  	_ =	shalt  }
0x5f: {  	_ =	shalt  }
0x60: {  	_ =	shalt  }
0x61: {  	_ =	shalt  }
0x62: {  	_ =	shalt  }
0x63: {  	_ =	shalt  }
0x64: {  	_ =	shalt  }
0x65: {  	_ =	shalt  }
0x66: {  	_ =	shalt  }
0x67: {  	_ =	shalt  }
0x68: {  	_ =	shalt  }
0x69: {  	_ =	shalt  }
0x6a: {  	_ =	shalt  }
0x6b: {  	_ =	shalt  }
0x6c: {  	_ =	shalt  }
0x6d: {  	_ =	shalt  }
0x6e: {  	_ =	shalt  }
0x6f: {  	_ =	shalt  }
0x70: {  	_ =	shalt  }
0x71: {  	_ =	shalt  }
0x72: {  	_ =	shalt  }
0x73: {  	_ =	shalt  }
0x74: {  	_ =	shalt  }
0x75: {  	_ =	shalt  }
0x76: {  	_ =	shalt  }
0x77: {  	_ =	shalt  }
0x78: {  	_ =	shalt  }
0x79: {  	_ =	shalt  }
0x7a: {  	_ =	shalt  }
0x7b: {  	_ =	shalt  }
0x7c: {  	_ =	shalt  }
0x7d: {  	_ =	shalt  }
0x7e: {  	_ =	shalt  }
0x7f: {  	_ =	shalt  }
0x80: {  	_ =	shalt  }
0x81: {  	_ =	shalt  }
0x82: {  	_ =	shalt  }
0x83: {  	_ =	shalt  }
0x84: {  	_ =	shalt  }
0x85: {  	_ =	shalt  }
0x86: {  	_ =	shalt  }
0x87: {  	_ =	shalt  }
.Lfunc_end0:
.L_simem_size_0:
called_computation_lowered:
.L_overlay_start_0:
0x88: {  	s2 =	sld [smem:$0x3FD9]  }
0x89: {  	s3 =	sld [smem:$0x3FFE];
	_ =	sdelay $0x1  }
0x8a: {  	s1 =	srdreg.scid  }
0x8b: {  	s0 =	sand.u32 $0x1, s1  }
0x8c: {  	s17 =	sshll.u32 s0, $0xA;
	s2 =	sadd.s32 s3, s2  }
0x8d: {  	s2 =	sadd.s32 s2, s17  }
0x8e: {  	[smem:$0x3FC4] =	sst s2  }
0x8f: {  	_ = 	snop  }
0x90: {  	s2 =	sld [smem:$0x3FD0];
	(tm) =	ssettm $0x1  }
0x91: {  	s18 =	sld [smem:$0x3FFB];
	_ =	sdelay $0x3  }
0x92: {  	_ =	strace s18  }
0x93: {  	s3 =	sld [smem:$0x3FFC];
	_ =	sdelay $0x3  }
0x94: {  	_ =	strace s3  }
0x95: {  	s3 =	sld [smem:$0x3FFD];
	_ =	sdelay $0x3  }
0x96: {  	_ =	strace s3  }
0x97: {  	_ =	strace $0x8FFFFFFF  }
0x98: {  	s19 =	sld [smem:$0x3FDB];
	_ =	sdelay $0x1  }
0x99: {  	s4 =	simm.s32 $_scs_section_size  }
0x9a: {  	s5 =	simm.s32 $_size__tile_overlayer_lowered;
	s6 =	simm.s32 $_tile_overlayer_lowered  }
0x9b: {  	s22 =	simm.s32 $0x1BFF;
	s21 =	sshll.u32 s6, $0x1;
	s3 =	sadd.s32 s4, s19  }
0x9c: {  	s7 =	simm.s32 $0x0;
	s20 =	sshll.u32 s5, $0x1;
	s5 =	sadd.s32 s21, s3  }
0x9d: {  	[timem:s7], [sflag:s22] =	dma.local [hbm:s5], s20  }
0x9e: {  	_ =	swait.ge [sflag:s22], s20  }
0x9f: {  	s4 =	ssub.s32 $0x0, s20;
	[sflag:s22] =	ssyncset.done $0x0  }
0xa0: {  	[sflag:s22] =	ssyncadd.s32 s4;
	_ =	sdelay $0x1  }
0xa1: {  	s23 =	simm.s32 $0x1B8B  }
0xa2: {  	_ =	swait.ge [sflag:s23], $0x1  }
0xa3: {  	[sflag:s23] =	ssyncset.done $0x0  }
0xa4: {  	s25 =	simm.s32 $0x1B8E;
	s24 =	sld [smem:$0x3FFE];
	[sflag:s23] =	ssyncadd.s32 $0xFFFFFFFF  }
0xa5: {  	s26 =	simm.s32 $execute0_lowered;
	[smem:$0x3FD2] =	sst s25  }
0xa6: {  	s5 =	sshll.u32 s26, $0x1;
	_ =	strace $0x80000046;
	[dreg:$0x1] =	wrdreg $0xFFFFFFFF  }
0xa7: {  	s28 =	simm.s32 $_size_execute0_lowered;
	s3 =	sadd.s32 s3, s5;
	[dreg:$0x0] =	wrdreg $0x0  }
0xa8: {  	s5 =	sshll.u32 s28, $0x1;
	[dreg:$0x2] =	wrdreg s3  }
0xa9: {  	[dreg:$0x3] =	wrdreg s5  }
0xaa: {  	[dreg:$0x4] =	wrdreg $0xC0  }
0xab: {  	_ =	task [dreg:s7], $0x5FFFF  }
0xac: {  	[dreg:$0x1] =	wrdreg $0xFFFFFFFF  }
0xad: {  	[dreg:$0x0] =	wrdreg $0x60  }
0xae: {  	[dreg:$0x2] =	wrdreg s2  }
0xaf: {  	[dreg:$0x3] =	wrdreg s24  }
0xb0: {  	[dreg:$0x4] =	wrdreg $0x9  }
0xb1: {  	_ =	task.clear_ibuf [dreg:s7], $0x5FFFF;
	_ =	strace $0x90000046  }
0xb2: {  	s29 =	simm.s32 $0x9;
	_ =	strace $0x80000048  }
0xb3: {  	_ =	swait.ge [sflag:s29], $0x1  }
0xb4: {  	[sflag:s29] =	ssyncadd.s32 $0xFFFFFFFF  }
0xb5: {  	_ =	strace $0x90000048  }
0xb6: {  	_ =	sfence  }
0xb7: {  	s30 =	sld [smem:$0x0];
	_ =	sdelay $0x2  }
0xb8: {  	s31 =	sshll.u32 s1, $0xD;
	s1 =	sshrl.u32 s1, $0x2  }
0xb9: {  	s3 =	sand.u32 $0x4000, s31;
	s1 =	sadd.s32 s1, s30  }
0xba: {  	s0 =	sor.u32 s3, s0;
	s1 =	sshll.u32 s1, $0x11  }
0xbb: {  	s0 =	sor.u32 s1, s0  }
0xbc: {  	s0 =	sadd.s32 $0x8F2B, s0  }
0xbd: {  	[sflag:s0] =	ssyncadd.remote.s32 $0x1  }
0xbe: {  	_ =	sfence.sel $0xFFFF  }
0xbf: {  	[dreg:$0x0] =	wrdreg $0xFFFFFFFF;
	(pc) =	sbr.abs _section_cstart, $3  }
0xc0: {  	[dreg:$0x1] =	wrdreg $0xFFFFFFFF  }
0xc1: {  	_ =	task.clear_ibuf [dreg:s7], $0x2FFFF;
	_ =	strace $0x9FFFFFFF  }
0xc2: {  	(tm) =	ssettm $0x7FFFFFFF  }
0xc3: {  	_ =	shalt  }
tec
execute0_lowered:
.L_overlay_start_1:
0x0: {  	(tag) =	ssettag $0x1  }
0x1: {  	s1 =	srdreg.scid;
	s3 =	rddreg [dreg:$0x0]  }
0x2: {  	s0 =	stileid.u32;
	s4 =	rddreg [dreg:$0x1];
	s2 =	simm.s32 $0x0  }
0x3: {  	s9 =	simm.s32 $0x8100;
	s10 =	simm.s32 $0x8180;
	s11 =	simm.s32 $0x8200  }
0x4: {  	s12 =	simm.s32 $0x8280;
	s13 =	simm.s32 $0x8300;
	s14 =	simm.s32 $0x8380  }
0x5: {  	s15 =	simm.s32 $0x1;
	s16 =	simm.s32 $0x800;
	s17 =	simm.s32 $0x1000  }
0x6: {  	s18 =	simm.s32 $0x1800;
	s28 =	simm.s32 $0x6000;
	s1 =	sand.u32 $0x1, s1  }
0x7: {  	s29 =	simm.s32 $0x6800;
	s5 =	sshll.u32 s0, $0x7;
	s6 =	sshll.u32 s1, $0x6  }
0x8: {  	s30 =	simm.s32 $0x7000;
	s31 =	simm.s32 $0x7800;
	s5 =	sor.u32 s6, s5  }
0x9: {  	[smem:$0x7FF] =	sst s2;
	s6 =	sshrl.u32 s5, $0x3;
	s5 =	sshll.u32 s5, $0x6  }
0xa: {  	_ =	strace $0x80000047;
	s6 =	sadd.s32 s6, s4;
	s3 =	sadd.s32 s3, s5  }
0xb: {  	s1 =	ssub.s32 $0x2, s1;
	[dreg:$0x3] =	wrdreg s3;
	s19 =	sadd.s32 $0x8E00, s6  }
0xc: {  	s7 =	sshrl.u32 s1, $0x1;
	s20 =	sadd.s32 $0x8F00, s6;
	[dreg:$0x4] =	wrdreg s19  }
0xd: {  	s1 =	ssub.s32 s1, s7;
	s21 =	sadd.s32 $0x9000, s6;
	[dreg:$0x5] =	wrdreg s20  }
0xe: {  	s5 =	smax.u32 s1, $0x1;
	s22 =	sadd.s32 $0x9100, s6;
	[dreg:$0x6] =	wrdreg s21  }
0xf: {  	s1 =	simm.s32 $0x2;
	s23 =	sadd.s32 $0x9200, s6;
	[dreg:$0x7] =	wrdreg s22  }
0x10: {  	s3 =	sadd.s32 $0x9600, s4;
	s24 =	sadd.s32 $0x9300, s6;
	[dreg:$0x8] =	wrdreg s23  }
0x11: {  	s25 =	sadd.s32 $0x9400, s6;
	s26 =	sadd.s32 $0x9500, s6;
	[dreg:$0x9] =	wrdreg s24  }
0x12: {  	s4 =	sadd.s32 $0x9700, s4;
	s6 =	simm.s32 $0x3;
	[dreg:$0xa] =	wrdreg s25  }
0x13: {  	v2 =	vlaneseq.u32;
	[dreg:$0xb] =	wrdreg s26;
	s19 =	simm.s32 $0x2000;
	s20 =	simm.s32 $0x2800  }
0x14: {  	vm0 =	vmmov $0xffff;
	v1 =	vshrl.u32 v2, $0x3;
	s21 =	simm.s32 $0x3000;
	s22 =	simm.s32 $0x3800;
	s23 =	simm.s32 $0x4000  }
0x15: {  	v0 =	vand.u32 $0x7, v2;
	v2 =	vor.u32 $0x8, v2;
	v1 =	vmul.u32 $0x8, v1;
	s24 =	simm.s32 $0x4800;
	s25 =	simm.s32 $0x5000;
	s26 =	simm.s32 $0x5800  }
.LBB2_1:
0x16: {  	s0 =	rddreg [dreg:$0x3]  }
0x17: {  	[tilespmem:s2], [sflag:$0x3] =	stream.linear.gather [hbm4b:s0+s2], $0x8000, $0x38;
	[tilespmem:$0x8400] =	vst v63  }
0x18: {  	_ =	swait.ge [sflag:s6], $0x8000  }
0x19: {  	[sflag:s6] =	ssyncset.done $0x0  }
0x1a: {  	s8 =	simm.s32 $0x8000;
	s0 =	rddreg [dreg:$0x4];
	[sflag:s6] =	ssyncadd.s32 $0xFFFF8000  }
0x1b: {  	[tilespmem:s8], [sflag:$0x1] =	stream.linear.gather [hbm4b:s0+s2], $0x40, $0x38;
	[tilespmem:$0x8400] =	vst v63  }
0x1c: {  	s7 =	rddreg [dreg:$0x5];
	s8 =	simm.s32 $0x8080  }
0x1d: {  	[tilespmem:s8], [sflag:$0x1] =	stream.linear.gather [hbm4b:s7+s2], $0x40, $0x38;
	[tilespmem:$0x8400] =	vst v63  }
0x1e: {  	s0 =	rddreg [dreg:$0x6]  }
0x1f: {  	[tilespmem:s9], [sflag:$0x1] =	stream.linear.gather [hbm4b:s0+s2], $0x40, $0x38;
	[tilespmem:$0x8400] =	vst v63  }
0x20: {  	s8 =	rddreg [dreg:$0x7]  }
0x21: {  	[tilespmem:s10], [sflag:$0x1] =	stream.linear.gather [hbm4b:s8+s2], $0x40, $0x38;
	[tilespmem:$0x8400] =	vst v63  }
0x22: {  	s0 =	rddreg [dreg:$0x8]  }
0x23: {  	[tilespmem:s11], [sflag:$0x1] =	stream.linear.gather [hbm4b:s0+s2], $0x40, $0x38;
	[tilespmem:$0x8400] =	vst v63  }
0x24: {  	s8 =	rddreg [dreg:$0x9]  }
0x25: {  	[tilespmem:s12], [sflag:$0x1] =	stream.linear.gather [hbm4b:s8+s2], $0x40, $0x38;
	[tilespmem:$0x8400] =	vst v63  }
0x26: {  	s0 =	rddreg [dreg:$0xa]  }
0x27: {  	[tilespmem:s13], [sflag:$0x1] =	stream.linear.gather [hbm4b:s0+s2], $0x40, $0x38;
	[tilespmem:$0x8400] =	vst v63  }
0x28: {  	s8 =	rddreg [dreg:$0xb]  }
0x29: {  	[tilespmem:s14], [sflag:$0x1] =	stream.linear.gather [hbm4b:s8+s2], $0x40, $0x38;
	[tilespmem:$0x8400] =	vst v63  }
0x2a: {  	_ =	swait.ge [sflag:s15], $0x40  }
0x2b: {  	[sflag:s15] =	ssyncset.done $0x0  }
0x2c: {  	[sflag:s15] =	ssyncadd.s32 $0xFFFFFFC0  }
0x2d: {  	v3 =	vld [tilespmem:$0x8000];
	_ =	sdelay $0x4  }
0x2e: {  	v4 =	vshll.u32 v3, $0x2  }
0x2f: {  	v3 =	vand.u32 $0x7, v3;
	v4 =	vand.u32 $0xFFFFFFE0, v4  }
0x30: {  	v3 =	vor.u32 v3, v4  }
0x31: {  	v4 =	vperm.xlane v3, v0;
	_ =	sdelay $0x1  }
0x32: {  	v4 =	vadd.s32 v1, v4;
	_ =	sdelay $0x1  }
0x33: {  	v3 =	vperm.xlane v3, v2;
	_ =	sdelay $0x1  }
0x34: {  	v3 =	vadd.s32 v1, v3  }
0x35: {  	[hbm4b:s3+s2] =	stream.indirect_vreg.scatter [tilespmem:s2], [sflag:$0x2], $0x80, v4, vm0, $0xb8;
	[tilespmem:$0x8400] =	vst v63  }
0x36: {  	_ = 	snop  }
0x37: {  	[hbm4b:s4+s2] =	stream.indirect_vreg.scatter [tilespmem:s16], [sflag:$0x2], $0x80, v4, vm0, $0xb8;
	[tilespmem:$0x8400] =	vst v63  }
0x38: {  	_ = 	snop  }
0x39: {  	[hbm4b:s3+s2] =	stream.indirect_vreg.scatter [tilespmem:s17], [sflag:$0x2], $0x80, v3, vm0, $0xb8;
	[tilespmem:$0x8400] =	vst v63  }
0x3a: {  	_ = 	snop  }
0x3b: {  	[hbm4b:s4+s2] =	stream.indirect_vreg.scatter [tilespmem:s18], [sflag:$0x2], $0x80, v3, vm0, $0xb8;
	[tilespmem:$0x8400] =	vst v63  }
0x3c: {  	v3 =	vld [tilespmem:$0x8010];
	_ =	sdelay $0x4  }
0x3d: {  	v33 =	vshll.u32 v3, $0x2  }
0x3e: {  	v3 =	vand.u32 $0x7, v3;
	v4 =	vand.u32 $0xFFFFFFE0, v33  }
0x3f: {  	v3 =	vor.u32 v3, v4  }
0x40: {  	v4 =	vperm.xlane v3, v0;
	_ =	sdelay $0x1  }
0x41: {  	v4 =	vadd.s32 v1, v4;
	_ =	sdelay $0x1  }
0x42: {  	v3 =	vperm.xlane v3, v2;
	_ =	sdelay $0x1  }
0x43: {  	v3 =	vadd.s32 v1, v3  }
0x44: {  	[hbm4b:s3+s2] =	stream.indirect_vreg.scatter [tilespmem:s19], [sflag:$0x2], $0x80, v4, vm0, $0xb8;
	[tilespmem:$0x8400] =	vst v63  }
0x45: {  	_ = 	snop  }
0x46: {  	[hbm4b:s4+s2] =	stream.indirect_vreg.scatter [tilespmem:s20], [sflag:$0x2], $0x80, v4, vm0, $0xb8;
	[tilespmem:$0x8400] =	vst v63  }
0x47: {  	_ = 	snop  }
0x48: {  	[hbm4b:s3+s2] =	stream.indirect_vreg.scatter [tilespmem:s21], [sflag:$0x2], $0x80, v3, vm0, $0xb8;
	[tilespmem:$0x8400] =	vst v63  }
0x49: {  	_ = 	snop  }
0x4a: {  	[hbm4b:s4+s2] =	stream.indirect_vreg.scatter [tilespmem:s22], [sflag:$0x2], $0x80, v3, vm0, $0xb8;
	[tilespmem:$0x8400] =	vst v63  }
0x4b: {  	v3 =	vld [tilespmem:$0x8020];
	_ =	sdelay $0x4  }
0x4c: {  	v34 =	vshll.u32 v3, $0x2  }
0x4d: {  	v3 =	vand.u32 $0x7, v3;
	v4 =	vand.u32 $0xFFFFFFE0, v34  }
0x4e: {  	v3 =	vor.u32 v3, v4  }
0x4f: {  	v4 =	vperm.xlane v3, v0;
	_ =	sdelay $0x1  }
0x50: {  	v4 =	vadd.s32 v1, v4;
	_ =	sdelay $0x1  }
0x51: {  	v3 =	vperm.xlane v3, v2;
	_ =	sdelay $0x1  }
0x52: {  	v3 =	vadd.s32 v1, v3  }
0x53: {  	[hbm4b:s3+s2] =	stream.indirect_vreg.scatter [tilespmem:s23], [sflag:$0x2], $0x80, v4, vm0, $0xb8;
	[tilespmem:$0x8400] =	vst v63  }
0x54: {  	_ = 	snop  }
0x55: {  	[hbm4b:s4+s2] =	stream.indirect_vreg.scatter [tilespmem:s24], [sflag:$0x2], $0x80, v4, vm0, $0xb8;
	[tilespmem:$0x8400] =	vst v63  }
0x56: {  	_ = 	snop  }
0x57: {  	[hbm4b:s3+s2] =	stream.indirect_vreg.scatter [tilespmem:s25], [sflag:$0x2], $0x80, v3, vm0, $0xb8;
	[tilespmem:$0x8400] =	vst v63  }
0x58: {  	_ = 	snop  }
0x59: {  	[hbm4b:s4+s2] =	stream.indirect_vreg.scatter [tilespmem:s26], [sflag:$0x2], $0x80, v3, vm0, $0xb8;
	[tilespmem:$0x8400] =	vst v63  }
0x5a: {  	v3 =	vld [tilespmem:$0x8030];
	_ =	sdelay $0x4  }
0x5b: {  	v35 =	vshll.u32 v3, $0x2  }
0x5c: {  	v3 =	vand.u32 $0x7, v3;
	v4 =	vand.u32 $0xFFFFFFE0, v35  }
0x5d: {  	v3 =	vor.u32 v3, v4  }
0x5e: {  	v4 =	vperm.xlane v3, v0;
	_ =	sdelay $0x1  }
0x5f: {  	v4 =	vadd.s32 v1, v4;
	_ =	sdelay $0x1  }
0x60: {  	v3 =	vperm.xlane v3, v2;
	_ =	sdelay $0x1  }
0x61: {  	v3 =	vadd.s32 v1, v3  }
0x62: {  	[hbm4b:s3+s2] =	stream.indirect_vreg.scatter [tilespmem:s28], [sflag:$0x2], $0x80, v4, vm0, $0xb8;
	[tilespmem:$0x8400] =	vst v63  }
0x63: {  	_ = 	snop  }
0x64: {  	[hbm4b:s4+s2] =	stream.indirect_vreg.scatter [tilespmem:s29], [sflag:$0x2], $0x80, v4, vm0, $0xb8;
	[tilespmem:$0x8400] =	vst v63  }
0x65: {  	_ = 	snop  }
0x66: {  	[hbm4b:s3+s2] =	stream.indirect_vreg.scatter [tilespmem:s30], [sflag:$0x2], $0x80, v3, vm0, $0xb8;
	[tilespmem:$0x8400] =	vst v63  }
0x67: {  	_ = 	snop  }
0x68: {  	[hbm4b:s4+s2] =	stream.indirect_vreg.scatter [tilespmem:s31], [sflag:$0x2], $0x80, v3, vm0, $0xb8;
	[tilespmem:$0x8400] =	vst v63  }
0x69: {  	_ =	swait.ge [sflag:s15], $0x40  }
0x6a: {  	[sflag:s15] =	ssyncset.done $0x0  }
0x6b: {  	[sflag:s15] =	ssyncadd.s32 $0xFFFFFFC0  }
0x6c: {  	v3 =	vld [tilespmem:$0x8080];
	_ =	sdelay $0x4  }
0x6d: {  	v36 =	vshll.u32 v3, $0x2  }
0x6e: {  	v3 =	vand.u32 $0x7, v3;
	v4 =	vand.u32 $0xFFFFFFE0, v36  }
0x6f: {  	v3 =	vor.u32 v3, v4  }
0x70: {  	v4 =	vperm.xlane v3, v0;
	_ =	sdelay $0x1  }
0x71: {  	v4 =	vadd.s32 v1, v4;
	_ =	sdelay $0x1  }
0x72: {  	v3 =	vperm.xlane v3, v2;
	_ =	sdelay $0x1  }
0x73: {  	v3 =	vadd.s32 v1, v3  }
0x74: {  	[hbm4b:s3+s2] =	stream.indirect_vreg.scatter [tilespmem:s2], [sflag:$0x2], $0x80, v4, vm0, $0xb8;
	[tilespmem:$0x8400] =	vst v63  }
0x75: {  	_ = 	snop  }
0x76: {  	[hbm4b:s4+s2] =	stream.indirect_vreg.scatter [tilespmem:s16], [sflag:$0x2], $0x80, v4, vm0, $0xb8;
	[tilespmem:$0x8400] =	vst v63  }
0x77: {  	_ = 	snop  }
0x78: {  	[hbm4b:s3+s2] =	stream.indirect_vreg.scatter [tilespmem:s17], [sflag:$0x2], $0x80, v3, vm0, $0xb8;
	[tilespmem:$0x8400] =	vst v63  }
0x79: {  	_ = 	snop  }
0x7a: {  	[hbm4b:s4+s2] =	stream.indirect_vreg.scatter [tilespmem:s18], [sflag:$0x2], $0x80, v3, vm0, $0xb8;
	[tilespmem:$0x8400] =	vst v63  }
0x7b: {  	v3 =	vld [tilespmem:$0x8090];
	_ =	sdelay $0x4  }
0x7c: {  	v37 =	vshll.u32 v3, $0x2  }
0x7d: {  	v3 =	vand.u32 $0x7, v3;
	v4 =	vand.u32 $0xFFFFFFE0, v37  }
0x7e: {  	v3 =	vor.u32 v3, v4  }
0x7f: {  	v4 =	vperm.xlane v3, v0;
	_ =	sdelay $0x1  }
0x80: {  	v4 =	vadd.s32 v1, v4;
	_ =	sdelay $0x1  }
0x81: {  	v3 =	vperm.xlane v3, v2;
	_ =	sdelay $0x1  }
0x82: {  	v3 =	vadd.s32 v1, v3  }
0x83: {  	[hbm4b:s3+s2] =	stream.indirect_vreg.scatter [tilespmem:s19], [sflag:$0x2], $0x80, v4, vm0, $0xb8;
	[tilespmem:$0x8400] =	vst v63  }
0x84: {  	_ = 	snop  }
0x85: {  	[hbm4b:s4+s2] =	stream.indirect_vreg.scatter [tilespmem:s20], [sflag:$0x2], $0x80, v4, vm0, $0xb8;
	[tilespmem:$0x8400] =	vst v63  }
0x86: {  	_ = 	snop  }
0x87: {  	[hbm4b:s3+s2] =	stream.indirect_vreg.scatter [tilespmem:s21], [sflag:$0x2], $0x80, v3, vm0, $0xb8;
	[tilespmem:$0x8400] =	vst v63  }
0x88: {  	_ = 	snop  }
0x89: {  	[hbm4b:s4+s2] =	stream.indirect_vreg.scatter [tilespmem:s22], [sflag:$0x2], $0x80, v3, vm0, $0xb8;
	[tilespmem:$0x8400] =	vst v63  }
0x8a: {  	v3 =	vld [tilespmem:$0x80A0];
	_ =	sdelay $0x4  }
0x8b: {  	v38 =	vshll.u32 v3, $0x2  }
0x8c: {  	v3 =	vand.u32 $0x7, v3;
	v4 =	vand.u32 $0xFFFFFFE0, v38  }
0x8d: {  	v3 =	vor.u32 v3, v4  }
0x8e: {  	v4 =	vperm.xlane v3, v0;
	_ =	sdelay $0x1  }
0x8f: {  	v4 =	vadd.s32 v1, v4;
	_ =	sdelay $0x1  }
0x90: {  	v3 =	vperm.xlane v3, v2;
	_ =	sdelay $0x1  }
0x91: {  	v3 =	vadd.s32 v1, v3  }
0x92: {  	[hbm4b:s3+s2] =	stream.indirect_vreg.scatter [tilespmem:s23], [sflag:$0x2], $0x80, v4, vm0, $0xb8;
	[tilespmem:$0x8400] =	vst v63  }
0x93: {  	_ = 	snop  }
0x94: {  	[hbm4b:s4+s2] =	stream.indirect_vreg.scatter [tilespmem:s24], [sflag:$0x2], $0x80, v4, vm0, $0xb8;
	[tilespmem:$0x8400] =	vst v63  }
0x95: {  	_ = 	snop  }
0x96: {  	[hbm4b:s3+s2] =	stream.indirect_vreg.scatter [tilespmem:s25], [sflag:$0x2], $0x80, v3, vm0, $0xb8;
	[tilespmem:$0x8400] =	vst v63  }
0x97: {  	_ = 	snop  }
0x98: {  	[hbm4b:s4+s2] =	stream.indirect_vreg.scatter [tilespmem:s26], [sflag:$0x2], $0x80, v3, vm0, $0xb8;
	[tilespmem:$0x8400] =	vst v63  }
0x99: {  	v3 =	vld [tilespmem:$0x80B0];
	_ =	sdelay $0x4  }
0x9a: {  	v39 =	vshll.u32 v3, $0x2  }
0x9b: {  	v3 =	vand.u32 $0x7, v3;
	v4 =	vand.u32 $0xFFFFFFE0, v39  }
0x9c: {  	v3 =	vor.u32 v3, v4  }
0x9d: {  	v4 =	vperm.xlane v3, v0;
	_ =	sdelay $0x1  }
0x9e: {  	v4 =	vadd.s32 v1, v4;
	_ =	sdelay $0x1  }
0x9f: {  	v3 =	vperm.xlane v3, v2;
	_ =	sdelay $0x1  }
0xa0: {  	v3 =	vadd.s32 v1, v3  }
0xa1: {  	[hbm4b:s3+s2] =	stream.indirect_vreg.scatter [tilespmem:s28], [sflag:$0x2], $0x80, v4, vm0, $0xb8;
	[tilespmem:$0x8400] =	vst v63  }
0xa2: {  	_ = 	snop  }
0xa3: {  	[hbm4b:s4+s2] =	stream.indirect_vreg.scatter [tilespmem:s29], [sflag:$0x2], $0x80, v4, vm0, $0xb8;
	[tilespmem:$0x8400] =	vst v63  }
0xa4: {  	_ = 	snop  }
0xa5: {  	[hbm4b:s3+s2] =	stream.indirect_vreg.scatter [tilespmem:s30], [sflag:$0x2], $0x80, v3, vm0, $0xb8;
	[tilespmem:$0x8400] =	vst v63  }
0xa6: {  	_ = 	snop  }
0xa7: {  	[hbm4b:s4+s2] =	stream.indirect_vreg.scatter [tilespmem:s31], [sflag:$0x2], $0x80, v3, vm0, $0xb8;
	[tilespmem:$0x8400] =	vst v63  }
0xa8: {  	_ =	swait.ge [sflag:s15], $0x40  }
0xa9: {  	[sflag:s15] =	ssyncset.done $0x0  }
0xaa: {  	[sflag:s15] =	ssyncadd.s32 $0xFFFFFFC0  }
0xab: {  	v3 =	vld [tilespmem:$0x8100];
	_ =	sdelay $0x4  }
0xac: {  	v40 =	vshll.u32 v3, $0x2  }
0xad: {  	v3 =	vand.u32 $0x7, v3;
	v4 =	vand.u32 $0xFFFFFFE0, v40  }
0xae: {  	v3 =	vor.u32 v3, v4  }
0xaf: {  	v4 =	vperm.xlane v3, v0;
	_ =	sdelay $0x1  }
0xb0: {  	v4 =	vadd.s32 v1, v4;
	_ =	sdelay $0x1  }
0xb1: {  	v3 =	vperm.xlane v3, v2;
	_ =	sdelay $0x1  }
0xb2: {  	v3 =	vadd.s32 v1, v3  }
0xb3: {  	[hbm4b:s3+s2] =	stream.indirect_vreg.scatter [tilespmem:s2], [sflag:$0x2], $0x80, v4, vm0, $0xb8;
	[tilespmem:$0x8400] =	vst v63  }
0xb4: {  	_ = 	snop  }
0xb5: {  	[hbm4b:s4+s2] =	stream.indirect_vreg.scatter [tilespmem:s16], [sflag:$0x2], $0x80, v4, vm0, $0xb8;
	[tilespmem:$0x8400] =	vst v63  }
0xb6: {  	_ = 	snop  }
0xb7: {  	[hbm4b:s3+s2] =	stream.indirect_vreg.scatter [tilespmem:s17], [sflag:$0x2], $0x80, v3, vm0, $0xb8;
	[tilespmem:$0x8400] =	vst v63  }
0xb8: {  	_ = 	snop  }
0xb9: {  	[hbm4b:s4+s2] =	stream.indirect_vreg.scatter [tilespmem:s18], [sflag:$0x2], $0x80, v3, vm0, $0xb8;
	[tilespmem:$0x8400] =	vst v63  }
0xba: {  	v3 =	vld [tilespmem:$0x8110];
	_ =	sdelay $0x4  }
0xbb: {  	v41 =	vshll.u32 v3, $0x2  }
0xbc: {  	v3 =	vand.u32 $0x7, v3;
	v4 =	vand.u32 $0xFFFFFFE0, v41  }
0xbd: {  	v3 =	vor.u32 v3, v4  }
0xbe: {  	v4 =	vperm.xlane v3, v0;
	_ =	sdelay $0x1  }
0xbf: {  	v4 =	vadd.s32 v1, v4;
	_ =	sdelay $0x1  }
0xc0: {  	v3 =	vperm.xlane v3, v2;
	_ =	sdelay $0x1  }
0xc1: {  	v3 =	vadd.s32 v1, v3  }
0xc2: {  	[hbm4b:s3+s2] =	stream.indirect_vreg.scatter [tilespmem:s19], [sflag:$0x2], $0x80, v4, vm0, $0xb8;
	[tilespmem:$0x8400] =	vst v63  }
0xc3: {  	_ = 	snop  }
0xc4: {  	[hbm4b:s4+s2] =	stream.indirect_vreg.scatter [tilespmem:s20], [sflag:$0x2], $0x80, v4, vm0, $0xb8;
	[tilespmem:$0x8400] =	vst v63  }
0xc5: {  	_ = 	snop  }
0xc6: {  	[hbm4b:s3+s2] =	stream.indirect_vreg.scatter [tilespmem:s21], [sflag:$0x2], $0x80, v3, vm0, $0xb8;
	[tilespmem:$0x8400] =	vst v63  }
0xc7: {  	_ = 	snop  }
0xc8: {  	[hbm4b:s4+s2] =	stream.indirect_vreg.scatter [tilespmem:s22], [sflag:$0x2], $0x80, v3, vm0, $0xb8;
	[tilespmem:$0x8400] =	vst v63  }
0xc9: {  	v3 =	vld [tilespmem:$0x8120];
	_ =	sdelay $0x4  }
0xca: {  	v42 =	vshll.u32 v3, $0x2  }
0xcb: {  	v3 =	vand.u32 $0x7, v3;
	v4 =	vand.u32 $0xFFFFFFE0, v42  }
0xcc: {  	v3 =	vor.u32 v3, v4  }
0xcd: {  	v4 =	vperm.xlane v3, v0;
	_ =	sdelay $0x1  }
0xce: {  	v4 =	vadd.s32 v1, v4;
	_ =	sdelay $0x1  }
0xcf: {  	v3 =	vperm.xlane v3, v2;
	_ =	sdelay $0x1  }
0xd0: {  	v3 =	vadd.s32 v1, v3  }
0xd1: {  	[hbm4b:s3+s2] =	stream.indirect_vreg.scatter [tilespmem:s23], [sflag:$0x2], $0x80, v4, vm0, $0xb8;
	[tilespmem:$0x8400] =	vst v63  }
0xd2: {  	_ = 	snop  }
0xd3: {  	[hbm4b:s4+s2] =	stream.indirect_vreg.scatter [tilespmem:s24], [sflag:$0x2], $0x80, v4, vm0, $0xb8;
	[tilespmem:$0x8400] =	vst v63  }
0xd4: {  	_ = 	snop  }
0xd5: {  	[hbm4b:s3+s2] =	stream.indirect_vreg.scatter [tilespmem:s25], [sflag:$0x2], $0x80, v3, vm0, $0xb8;
	[tilespmem:$0x8400] =	vst v63  }
0xd6: {  	_ = 	snop  }
0xd7: {  	[hbm4b:s4+s2] =	stream.indirect_vreg.scatter [tilespmem:s26], [sflag:$0x2], $0x80, v3, vm0, $0xb8;
	[tilespmem:$0x8400] =	vst v63  }
0xd8: {  	v3 =	vld [tilespmem:$0x8130];
	_ =	sdelay $0x4  }
0xd9: {  	v43 =	vshll.u32 v3, $0x2  }
0xda: {  	v3 =	vand.u32 $0x7, v3;
	v4 =	vand.u32 $0xFFFFFFE0, v43  }
0xdb: {  	v3 =	vor.u32 v3, v4  }
0xdc: {  	v4 =	vperm.xlane v3, v0;
	_ =	sdelay $0x1  }
0xdd: {  	v4 =	vadd.s32 v1, v4;
	_ =	sdelay $0x1  }
0xde: {  	v3 =	vperm.xlane v3, v2;
	_ =	sdelay $0x1  }
0xdf: {  	v3 =	vadd.s32 v1, v3  }
0xe0: {  	[hbm4b:s3+s2] =	stream.indirect_vreg.scatter [tilespmem:s28], [sflag:$0x2], $0x80, v4, vm0, $0xb8;
	[tilespmem:$0x8400] =	vst v63  }
0xe1: {  	_ = 	snop  }
0xe2: {  	[hbm4b:s4+s2] =	stream.indirect_vreg.scatter [tilespmem:s29], [sflag:$0x2], $0x80, v4, vm0, $0xb8;
	[tilespmem:$0x8400] =	vst v63  }
0xe3: {  	_ = 	snop  }
0xe4: {  	[hbm4b:s3+s2] =	stream.indirect_vreg.scatter [tilespmem:s30], [sflag:$0x2], $0x80, v3, vm0, $0xb8;
	[tilespmem:$0x8400] =	vst v63  }
0xe5: {  	_ = 	snop  }
0xe6: {  	[hbm4b:s4+s2] =	stream.indirect_vreg.scatter [tilespmem:s31], [sflag:$0x2], $0x80, v3, vm0, $0xb8;
	[tilespmem:$0x8400] =	vst v63  }
0xe7: {  	_ =	swait.ge [sflag:s15], $0x40  }
0xe8: {  	[sflag:s15] =	ssyncset.done $0x0  }
0xe9: {  	[sflag:s15] =	ssyncadd.s32 $0xFFFFFFC0  }
0xea: {  	v3 =	vld [tilespmem:$0x8180];
	_ =	sdelay $0x4  }
0xeb: {  	v44 =	vshll.u32 v3, $0x2  }
0xec: {  	v3 =	vand.u32 $0x7, v3;
	v4 =	vand.u32 $0xFFFFFFE0, v44  }
0xed: {  	v3 =	vor.u32 v3, v4  }
0xee: {  	v4 =	vperm.xlane v3, v0;
	_ =	sdelay $0x1  }
0xef: {  	v4 =	vadd.s32 v1, v4;
	_ =	sdelay $0x1  }
0xf0: {  	v3 =	vperm.xlane v3, v2;
	_ =	sdelay $0x1  }
0xf1: {  	v3 =	vadd.s32 v1, v3  }
0xf2: {  	[hbm4b:s3+s2] =	stream.indirect_vreg.scatter [tilespmem:s2], [sflag:$0x2], $0x80, v4, vm0, $0xb8;
	[tilespmem:$0x8400] =	vst v63  }
0xf3: {  	_ = 	snop  }
0xf4: {  	[hbm4b:s4+s2] =	stream.indirect_vreg.scatter [tilespmem:s16], [sflag:$0x2], $0x80, v4, vm0, $0xb8;
	[tilespmem:$0x8400] =	vst v63  }
0xf5: {  	_ = 	snop  }
0xf6: {  	[hbm4b:s3+s2] =	stream.indirect_vreg.scatter [tilespmem:s17], [sflag:$0x2], $0x80, v3, vm0, $0xb8;
	[tilespmem:$0x8400] =	vst v63  }
0xf7: {  	_ = 	snop  }
0xf8: {  	[hbm4b:s4+s2] =	stream.indirect_vreg.scatter [tilespmem:s18], [sflag:$0x2], $0x80, v3, vm0, $0xb8;
	[tilespmem:$0x8400] =	vst v63  }
0xf9: {  	v3 =	vld [tilespmem:$0x8190];
	_ =	sdelay $0x4  }
0xfa: {  	v45 =	vshll.u32 v3, $0x2  }
0xfb: {  	v3 =	vand.u32 $0x7, v3;
	v4 =	vand.u32 $0xFFFFFFE0, v45  }
0xfc: {  	v3 =	vor.u32 v3, v4  }
0xfd: {  	v4 =	vperm.xlane v3, v0;
	_ =	sdelay $0x1  }
0xfe: {  	v4 =	vadd.s32 v1, v4;
	_ =	sdelay $0x1  }
0xff: {  	v3 =	vperm.xlane v3, v2;
	_ =	sdelay $0x1  }
0x100: {  	v3 =	vadd.s32 v1, v3  }
0x101: {  	[hbm4b:s3+s2] =	stream.indirect_vreg.scatter [tilespmem:s19], [sflag:$0x2], $0x80, v4, vm0, $0xb8;
	[tilespmem:$0x8400] =	vst v63  }
0x102: {  	_ = 	snop  }
0x103: {  	[hbm4b:s4+s2] =	stream.indirect_vreg.scatter [tilespmem:s20], [sflag:$0x2], $0x80, v4, vm0, $0xb8;
	[tilespmem:$0x8400] =	vst v63  }
0x104: {  	_ = 	snop  }
0x105: {  	[hbm4b:s3+s2] =	stream.indirect_vreg.scatter [tilespmem:s21], [sflag:$0x2], $0x80, v3, vm0, $0xb8;
	[tilespmem:$0x8400] =	vst v63  }
0x106: {  	_ = 	snop  }
0x107: {  	[hbm4b:s4+s2] =	stream.indirect_vreg.scatter [tilespmem:s22], [sflag:$0x2], $0x80, v3, vm0, $0xb8;
	[tilespmem:$0x8400] =	vst v63  }
0x108: {  	v3 =	vld [tilespmem:$0x81A0];
	_ =	sdelay $0x4  }
0x109: {  	v46 =	vshll.u32 v3, $0x2  }
0x10a: {  	v3 =	vand.u32 $0x7, v3;
	v4 =	vand.u32 $0xFFFFFFE0, v46  }
0x10b: {  	v3 =	vor.u32 v3, v4  }
0x10c: {  	v4 =	vperm.xlane v3, v0;
	_ =	sdelay $0x1  }
0x10d: {  	v4 =	vadd.s32 v1, v4;
	_ =	sdelay $0x1  }
0x10e: {  	v3 =	vperm.xlane v3, v2;
	_ =	sdelay $0x1  }
0x10f: {  	v3 =	vadd.s32 v1, v3  }
0x110: {  	[hbm4b:s3+s2] =	stream.indirect_vreg.scatter [tilespmem:s23], [sflag:$0x2], $0x80, v4, vm0, $0xb8;
	[tilespmem:$0x8400] =	vst v63  }
0x111: {  	_ = 	snop  }
0x112: {  	[hbm4b:s4+s2] =	stream.indirect_vreg.scatter [tilespmem:s24], [sflag:$0x2], $0x80, v4, vm0, $0xb8;
	[tilespmem:$0x8400] =	vst v63  }
0x113: {  	_ = 	snop  }
0x114: {  	[hbm4b:s3+s2] =	stream.indirect_vreg.scatter [tilespmem:s25], [sflag:$0x2], $0x80, v3, vm0, $0xb8;
	[tilespmem:$0x8400] =	vst v63  }
0x115: {  	_ = 	snop  }
0x116: {  	[hbm4b:s4+s2] =	stream.indirect_vreg.scatter [tilespmem:s26], [sflag:$0x2], $0x80, v3, vm0, $0xb8;
	[tilespmem:$0x8400] =	vst v63  }
0x117: {  	v3 =	vld [tilespmem:$0x81B0];
	_ =	sdelay $0x4  }
0x118: {  	v47 =	vshll.u32 v3, $0x2  }
0x119: {  	v3 =	vand.u32 $0x7, v3;
	v4 =	vand.u32 $0xFFFFFFE0, v47  }
0x11a: {  	v3 =	vor.u32 v3, v4  }
0x11b: {  	v4 =	vperm.xlane v3, v0;
	_ =	sdelay $0x1  }
0x11c: {  	v4 =	vadd.s32 v1, v4;
	_ =	sdelay $0x1  }
0x11d: {  	v3 =	vperm.xlane v3, v2;
	_ =	sdelay $0x1  }
0x11e: {  	v3 =	vadd.s32 v1, v3  }
0x11f: {  	[hbm4b:s3+s2] =	stream.indirect_vreg.scatter [tilespmem:s28], [sflag:$0x2], $0x80, v4, vm0, $0xb8;
	[tilespmem:$0x8400] =	vst v63  }
0x120: {  	_ = 	snop  }
0x121: {  	[hbm4b:s4+s2] =	stream.indirect_vreg.scatter [tilespmem:s29], [sflag:$0x2], $0x80, v4, vm0, $0xb8;
	[tilespmem:$0x8400] =	vst v63  }
0x122: {  	_ = 	snop  }
0x123: {  	[hbm4b:s3+s2] =	stream.indirect_vreg.scatter [tilespmem:s30], [sflag:$0x2], $0x80, v3, vm0, $0xb8;
	[tilespmem:$0x8400] =	vst v63  }
0x124: {  	_ = 	snop  }
0x125: {  	[hbm4b:s4+s2] =	stream.indirect_vreg.scatter [tilespmem:s31], [sflag:$0x2], $0x80, v3, vm0, $0xb8;
	[tilespmem:$0x8400] =	vst v63  }
0x126: {  	_ =	swait.ge [sflag:s15], $0x40  }
0x127: {  	[sflag:s15] =	ssyncset.done $0x0  }
0x128: {  	[sflag:s15] =	ssyncadd.s32 $0xFFFFFFC0  }
0x129: {  	v3 =	vld [tilespmem:$0x8200];
	_ =	sdelay $0x4  }
0x12a: {  	v48 =	vshll.u32 v3, $0x2  }
0x12b: {  	v3 =	vand.u32 $0x7, v3;
	v4 =	vand.u32 $0xFFFFFFE0, v48  }
0x12c: {  	v3 =	vor.u32 v3, v4  }
0x12d: {  	v4 =	vperm.xlane v3, v0;
	_ =	sdelay $0x1  }
0x12e: {  	v4 =	vadd.s32 v1, v4;
	_ =	sdelay $0x1  }
0x12f: {  	v3 =	vperm.xlane v3, v2;
	_ =	sdelay $0x1  }
0x130: {  	v3 =	vadd.s32 v1, v3  }
0x131: {  	[hbm4b:s3+s2] =	stream.indirect_vreg.scatter [tilespmem:s2], [sflag:$0x2], $0x80, v4, vm0, $0xb8;
	[tilespmem:$0x8400] =	vst v63  }
0x132: {  	_ = 	snop  }
0x133: {  	[hbm4b:s4+s2] =	stream.indirect_vreg.scatter [tilespmem:s16], [sflag:$0x2], $0x80, v4, vm0, $0xb8;
	[tilespmem:$0x8400] =	vst v63  }
0x134: {  	_ = 	snop  }
0x135: {  	[hbm4b:s3+s2] =	stream.indirect_vreg.scatter [tilespmem:s17], [sflag:$0x2], $0x80, v3, vm0, $0xb8;
	[tilespmem:$0x8400] =	vst v63  }
0x136: {  	_ = 	snop  }
0x137: {  	[hbm4b:s4+s2] =	stream.indirect_vreg.scatter [tilespmem:s18], [sflag:$0x2], $0x80, v3, vm0, $0xb8;
	[tilespmem:$0x8400] =	vst v63  }
0x138: {  	v3 =	vld [tilespmem:$0x8210];
	_ =	sdelay $0x4  }
0x139: {  	v49 =	vshll.u32 v3, $0x2  }
0x13a: {  	v3 =	vand.u32 $0x7, v3;
	v4 =	vand.u32 $0xFFFFFFE0, v49  }
0x13b: {  	v3 =	vor.u32 v3, v4  }
0x13c: {  	v4 =	vperm.xlane v3, v0;
	_ =	sdelay $0x1  }
0x13d: {  	v4 =	vadd.s32 v1, v4;
	_ =	sdelay $0x1  }
0x13e: {  	v3 =	vperm.xlane v3, v2;
	_ =	sdelay $0x1  }
0x13f: {  	v3 =	vadd.s32 v1, v3  }
0x140: {  	[hbm4b:s3+s2] =	stream.indirect_vreg.scatter [tilespmem:s19], [sflag:$0x2], $0x80, v4, vm0, $0xb8;
	[tilespmem:$0x8400] =	vst v63  }
0x141: {  	_ = 	snop  }
0x142: {  	[hbm4b:s4+s2] =	stream.indirect_vreg.scatter [tilespmem:s20], [sflag:$0x2], $0x80, v4, vm0, $0xb8;
	[tilespmem:$0x8400] =	vst v63  }
0x143: {  	_ = 	snop  }
0x144: {  	[hbm4b:s3+s2] =	stream.indirect_vreg.scatter [tilespmem:s21], [sflag:$0x2], $0x80, v3, vm0, $0xb8;
	[tilespmem:$0x8400] =	vst v63  }
0x145: {  	_ = 	snop  }
0x146: {  	[hbm4b:s4+s2] =	stream.indirect_vreg.scatter [tilespmem:s22], [sflag:$0x2], $0x80, v3, vm0, $0xb8;
	[tilespmem:$0x8400] =	vst v63  }
0x147: {  	v3 =	vld [tilespmem:$0x8220];
	_ =	sdelay $0x4  }
0x148: {  	v50 =	vshll.u32 v3, $0x2  }
0x149: {  	v3 =	vand.u32 $0x7, v3;
	v4 =	vand.u32 $0xFFFFFFE0, v50  }
0x14a: {  	v3 =	vor.u32 v3, v4  }
0x14b: {  	v4 =	vperm.xlane v3, v0;
	_ =	sdelay $0x1  }
0x14c: {  	v4 =	vadd.s32 v1, v4;
	_ =	sdelay $0x1  }
0x14d: {  	v3 =	vperm.xlane v3, v2;
	_ =	sdelay $0x1  }
0x14e: {  	v3 =	vadd.s32 v1, v3  }
0x14f: {  	[hbm4b:s3+s2] =	stream.indirect_vreg.scatter [tilespmem:s23], [sflag:$0x2], $0x80, v4, vm0, $0xb8;
	[tilespmem:$0x8400] =	vst v63  }
0x150: {  	_ = 	snop  }
0x151: {  	[hbm4b:s4+s2] =	stream.indirect_vreg.scatter [tilespmem:s24], [sflag:$0x2], $0x80, v4, vm0, $0xb8;
	[tilespmem:$0x8400] =	vst v63  }
0x152: {  	_ = 	snop  }
0x153: {  	[hbm4b:s3+s2] =	stream.indirect_vreg.scatter [tilespmem:s25], [sflag:$0x2], $0x80, v3, vm0, $0xb8;
	[tilespmem:$0x8400] =	vst v63  }
0x154: {  	_ = 	snop  }
0x155: {  	[hbm4b:s4+s2] =	stream.indirect_vreg.scatter [tilespmem:s26], [sflag:$0x2], $0x80, v3, vm0, $0xb8;
	[tilespmem:$0x8400] =	vst v63  }
0x156: {  	v3 =	vld [tilespmem:$0x8230];
	_ =	sdelay $0x4  }
0x157: {  	v51 =	vshll.u32 v3, $0x2  }
0x158: {  	v3 =	vand.u32 $0x7, v3;
	v4 =	vand.u32 $0xFFFFFFE0, v51  }
0x159: {  	v3 =	vor.u32 v3, v4  }
0x15a: {  	v4 =	vperm.xlane v3, v0;
	_ =	sdelay $0x1  }
0x15b: {  	v4 =	vadd.s32 v1, v4;
	_ =	sdelay $0x1  }
0x15c: {  	v3 =	vperm.xlane v3, v2;
	_ =	sdelay $0x1  }
0x15d: {  	v3 =	vadd.s32 v1, v3  }
0x15e: {  	[hbm4b:s3+s2] =	stream.indirect_vreg.scatter [tilespmem:s28], [sflag:$0x2], $0x80, v4, vm0, $0xb8;
	[tilespmem:$0x8400] =	vst v63  }
0x15f: {  	_ = 	snop  }
0x160: {  	[hbm4b:s4+s2] =	stream.indirect_vreg.scatter [tilespmem:s29], [sflag:$0x2], $0x80, v4, vm0, $0xb8;
	[tilespmem:$0x8400] =	vst v63  }
0x161: {  	_ = 	snop  }
0x162: {  	[hbm4b:s3+s2] =	stream.indirect_vreg.scatter [tilespmem:s30], [sflag:$0x2], $0x80, v3, vm0, $0xb8;
	[tilespmem:$0x8400] =	vst v63  }
0x163: {  	_ = 	snop  }
0x164: {  	[hbm4b:s4+s2] =	stream.indirect_vreg.scatter [tilespmem:s31], [sflag:$0x2], $0x80, v3, vm0, $0xb8;
	[tilespmem:$0x8400] =	vst v63  }
0x165: {  	_ =	swait.ge [sflag:s15], $0x40  }
0x166: {  	[sflag:s15] =	ssyncset.done $0x0  }
0x167: {  	[sflag:s15] =	ssyncadd.s32 $0xFFFFFFC0  }
0x168: {  	v3 =	vld [tilespmem:$0x8280];
	_ =	sdelay $0x4  }
0x169: {  	v52 =	vshll.u32 v3, $0x2  }
0x16a: {  	v3 =	vand.u32 $0x7, v3;
	v4 =	vand.u32 $0xFFFFFFE0, v52  }
0x16b: {  	v3 =	vor.u32 v3, v4  }
0x16c: {  	v4 =	vperm.xlane v3, v0;
	_ =	sdelay $0x1  }
0x16d: {  	v4 =	vadd.s32 v1, v4;
	_ =	sdelay $0x1  }
0x16e: {  	v3 =	vperm.xlane v3, v2;
	_ =	sdelay $0x1  }
0x16f: {  	v3 =	vadd.s32 v1, v3  }
0x170: {  	[hbm4b:s3+s2] =	stream.indirect_vreg.scatter [tilespmem:s2], [sflag:$0x2], $0x80, v4, vm0, $0xb8;
	[tilespmem:$0x8400] =	vst v63  }
0x171: {  	_ = 	snop  }
0x172: {  	[hbm4b:s4+s2] =	stream.indirect_vreg.scatter [tilespmem:s16], [sflag:$0x2], $0x80, v4, vm0, $0xb8;
	[tilespmem:$0x8400] =	vst v63  }
0x173: {  	_ = 	snop  }
0x174: {  	[hbm4b:s3+s2] =	stream.indirect_vreg.scatter [tilespmem:s17], [sflag:$0x2], $0x80, v3, vm0, $0xb8;
	[tilespmem:$0x8400] =	vst v63  }
0x175: {  	_ = 	snop  }
0x176: {  	[hbm4b:s4+s2] =	stream.indirect_vreg.scatter [tilespmem:s18], [sflag:$0x2], $0x80, v3, vm0, $0xb8;
	[tilespmem:$0x8400] =	vst v63  }
0x177: {  	v3 =	vld [tilespmem:$0x8290];
	_ =	sdelay $0x4  }
0x178: {  	v53 =	vshll.u32 v3, $0x2  }
0x179: {  	v3 =	vand.u32 $0x7, v3;
	v4 =	vand.u32 $0xFFFFFFE0, v53  }
0x17a: {  	v3 =	vor.u32 v3, v4  }
0x17b: {  	v4 =	vperm.xlane v3, v0;
	_ =	sdelay $0x1  }
0x17c: {  	v4 =	vadd.s32 v1, v4;
	_ =	sdelay $0x1  }
0x17d: {  	v3 =	vperm.xlane v3, v2;
	_ =	sdelay $0x1  }
0x17e: {  	v3 =	vadd.s32 v1, v3  }
0x17f: {  	[hbm4b:s3+s2] =	stream.indirect_vreg.scatter [tilespmem:s19], [sflag:$0x2], $0x80, v4, vm0, $0xb8;
	[tilespmem:$0x8400] =	vst v63  }
0x180: {  	_ = 	snop  }
0x181: {  	[hbm4b:s4+s2] =	stream.indirect_vreg.scatter [tilespmem:s20], [sflag:$0x2], $0x80, v4, vm0, $0xb8;
	[tilespmem:$0x8400] =	vst v63  }
0x182: {  	_ = 	snop  }
0x183: {  	[hbm4b:s3+s2] =	stream.indirect_vreg.scatter [tilespmem:s21], [sflag:$0x2], $0x80, v3, vm0, $0xb8;
	[tilespmem:$0x8400] =	vst v63  }
0x184: {  	_ = 	snop  }
0x185: {  	[hbm4b:s4+s2] =	stream.indirect_vreg.scatter [tilespmem:s22], [sflag:$0x2], $0x80, v3, vm0, $0xb8;
	[tilespmem:$0x8400] =	vst v63  }
0x186: {  	v3 =	vld [tilespmem:$0x82A0];
	_ =	sdelay $0x4  }
0x187: {  	v54 =	vshll.u32 v3, $0x2  }
0x188: {  	v3 =	vand.u32 $0x7, v3;
	v4 =	vand.u32 $0xFFFFFFE0, v54  }
0x189: {  	v3 =	vor.u32 v3, v4  }
0x18a: {  	v4 =	vperm.xlane v3, v0;
	_ =	sdelay $0x1  }
0x18b: {  	v4 =	vadd.s32 v1, v4;
	_ =	sdelay $0x1  }
0x18c: {  	v3 =	vperm.xlane v3, v2;
	_ =	sdelay $0x1  }
0x18d: {  	v3 =	vadd.s32 v1, v3  }
0x18e: {  	[hbm4b:s3+s2] =	stream.indirect_vreg.scatter [tilespmem:s23], [sflag:$0x2], $0x80, v4, vm0, $0xb8;
	[tilespmem:$0x8400] =	vst v63  }
0x18f: {  	_ = 	snop  }
0x190: {  	[hbm4b:s4+s2] =	stream.indirect_vreg.scatter [tilespmem:s24], [sflag:$0x2], $0x80, v4, vm0, $0xb8;
	[tilespmem:$0x8400] =	vst v63  }
0x191: {  	_ = 	snop  }
0x192: {  	[hbm4b:s3+s2] =	stream.indirect_vreg.scatter [tilespmem:s25], [sflag:$0x2], $0x80, v3, vm0, $0xb8;
	[tilespmem:$0x8400] =	vst v63  }
0x193: {  	_ = 	snop  }
0x194: {  	[hbm4b:s4+s2] =	stream.indirect_vreg.scatter [tilespmem:s26], [sflag:$0x2], $0x80, v3, vm0, $0xb8;
	[tilespmem:$0x8400] =	vst v63  }
0x195: {  	v3 =	vld [tilespmem:$0x82B0];
	_ =	sdelay $0x4  }
0x196: {  	v55 =	vshll.u32 v3, $0x2  }
0x197: {  	v3 =	vand.u32 $0x7, v3;
	v4 =	vand.u32 $0xFFFFFFE0, v55  }
0x198: {  	v3 =	vor.u32 v3, v4  }
0x199: {  	v4 =	vperm.xlane v3, v0;
	_ =	sdelay $0x1  }
0x19a: {  	v4 =	vadd.s32 v1, v4;
	_ =	sdelay $0x1  }
0x19b: {  	v3 =	vperm.xlane v3, v2;
	_ =	sdelay $0x1  }
0x19c: {  	v3 =	vadd.s32 v1, v3  }
0x19d: {  	[hbm4b:s3+s2] =	stream.indirect_vreg.scatter [tilespmem:s28], [sflag:$0x2], $0x80, v4, vm0, $0xb8;
	[tilespmem:$0x8400] =	vst v63  }
0x19e: {  	_ = 	snop  }
0x19f: {  	[hbm4b:s4+s2] =	stream.indirect_vreg.scatter [tilespmem:s29], [sflag:$0x2], $0x80, v4, vm0, $0xb8;
	[tilespmem:$0x8400] =	vst v63  }
0x1a0: {  	_ = 	snop  }
0x1a1: {  	[hbm4b:s3+s2] =	stream.indirect_vreg.scatter [tilespmem:s30], [sflag:$0x2], $0x80, v3, vm0, $0xb8;
	[tilespmem:$0x8400] =	vst v63  }
0x1a2: {  	_ = 	snop  }
0x1a3: {  	[hbm4b:s4+s2] =	stream.indirect_vreg.scatter [tilespmem:s31], [sflag:$0x2], $0x80, v3, vm0, $0xb8;
	[tilespmem:$0x8400] =	vst v63  }
0x1a4: {  	_ =	swait.ge [sflag:s15], $0x40  }
0x1a5: {  	[sflag:s15] =	ssyncset.done $0x0  }
0x1a6: {  	[sflag:s15] =	ssyncadd.s32 $0xFFFFFFC0  }
0x1a7: {  	v3 =	vld [tilespmem:$0x8300];
	_ =	sdelay $0x4  }
0x1a8: {  	v56 =	vshll.u32 v3, $0x2  }
0x1a9: {  	v3 =	vand.u32 $0x7, v3;
	v4 =	vand.u32 $0xFFFFFFE0, v56  }
0x1aa: {  	v3 =	vor.u32 v3, v4  }
0x1ab: {  	v4 =	vperm.xlane v3, v0;
	_ =	sdelay $0x1  }
0x1ac: {  	v4 =	vadd.s32 v1, v4;
	_ =	sdelay $0x1  }
0x1ad: {  	v3 =	vperm.xlane v3, v2;
	_ =	sdelay $0x1  }
0x1ae: {  	v3 =	vadd.s32 v1, v3  }
0x1af: {  	[hbm4b:s3+s2] =	stream.indirect_vreg.scatter [tilespmem:s2], [sflag:$0x2], $0x80, v4, vm0, $0xb8;
	[tilespmem:$0x8400] =	vst v63  }
0x1b0: {  	_ = 	snop  }
0x1b1: {  	[hbm4b:s4+s2] =	stream.indirect_vreg.scatter [tilespmem:s16], [sflag:$0x2], $0x80, v4, vm0, $0xb8;
	[tilespmem:$0x8400] =	vst v63  }
0x1b2: {  	_ = 	snop  }
0x1b3: {  	[hbm4b:s3+s2] =	stream.indirect_vreg.scatter [tilespmem:s17], [sflag:$0x2], $0x80, v3, vm0, $0xb8;
	[tilespmem:$0x8400] =	vst v63  }
0x1b4: {  	_ = 	snop  }
0x1b5: {  	[hbm4b:s4+s2] =	stream.indirect_vreg.scatter [tilespmem:s18], [sflag:$0x2], $0x80, v3, vm0, $0xb8;
	[tilespmem:$0x8400] =	vst v63  }
0x1b6: {  	v3 =	vld [tilespmem:$0x8310];
	_ =	sdelay $0x4  }
0x1b7: {  	v57 =	vshll.u32 v3, $0x2  }
0x1b8: {  	v3 =	vand.u32 $0x7, v3;
	v4 =	vand.u32 $0xFFFFFFE0, v57  }
0x1b9: {  	v3 =	vor.u32 v3, v4  }
0x1ba: {  	v4 =	vperm.xlane v3, v0;
	_ =	sdelay $0x1  }
0x1bb: {  	v4 =	vadd.s32 v1, v4;
	_ =	sdelay $0x1  }
0x1bc: {  	v3 =	vperm.xlane v3, v2;
	_ =	sdelay $0x1  }
0x1bd: {  	v3 =	vadd.s32 v1, v3  }
0x1be: {  	[hbm4b:s3+s2] =	stream.indirect_vreg.scatter [tilespmem:s19], [sflag:$0x2], $0x80, v4, vm0, $0xb8;
	[tilespmem:$0x8400] =	vst v63  }
0x1bf: {  	_ = 	snop  }
0x1c0: {  	[hbm4b:s4+s2] =	stream.indirect_vreg.scatter [tilespmem:s20], [sflag:$0x2], $0x80, v4, vm0, $0xb8;
	[tilespmem:$0x8400] =	vst v63  }
0x1c1: {  	_ = 	snop  }
0x1c2: {  	[hbm4b:s3+s2] =	stream.indirect_vreg.scatter [tilespmem:s21], [sflag:$0x2], $0x80, v3, vm0, $0xb8;
	[tilespmem:$0x8400] =	vst v63  }
0x1c3: {  	_ = 	snop  }
0x1c4: {  	[hbm4b:s4+s2] =	stream.indirect_vreg.scatter [tilespmem:s22], [sflag:$0x2], $0x80, v3, vm0, $0xb8;
	[tilespmem:$0x8400] =	vst v63  }
0x1c5: {  	v3 =	vld [tilespmem:$0x8320];
	_ =	sdelay $0x4  }
0x1c6: {  	v58 =	vshll.u32 v3, $0x2  }
0x1c7: {  	v3 =	vand.u32 $0x7, v3;
	v4 =	vand.u32 $0xFFFFFFE0, v58  }
0x1c8: {  	v3 =	vor.u32 v3, v4  }
0x1c9: {  	v4 =	vperm.xlane v3, v0;
	_ =	sdelay $0x1  }
0x1ca: {  	v4 =	vadd.s32 v1, v4;
	_ =	sdelay $0x1  }
0x1cb: {  	v3 =	vperm.xlane v3, v2;
	_ =	sdelay $0x1  }
0x1cc: {  	v3 =	vadd.s32 v1, v3  }
0x1cd: {  	[hbm4b:s3+s2] =	stream.indirect_vreg.scatter [tilespmem:s23], [sflag:$0x2], $0x80, v4, vm0, $0xb8;
	[tilespmem:$0x8400] =	vst v63  }
0x1ce: {  	_ = 	snop  }
0x1cf: {  	[hbm4b:s4+s2] =	stream.indirect_vreg.scatter [tilespmem:s24], [sflag:$0x2], $0x80, v4, vm0, $0xb8;
	[tilespmem:$0x8400] =	vst v63  }
0x1d0: {  	_ = 	snop  }
0x1d1: {  	[hbm4b:s3+s2] =	stream.indirect_vreg.scatter [tilespmem:s25], [sflag:$0x2], $0x80, v3, vm0, $0xb8;
	[tilespmem:$0x8400] =	vst v63  }
0x1d2: {  	_ = 	snop  }
0x1d3: {  	[hbm4b:s4+s2] =	stream.indirect_vreg.scatter [tilespmem:s26], [sflag:$0x2], $0x80, v3, vm0, $0xb8;
	[tilespmem:$0x8400] =	vst v63  }
0x1d4: {  	v3 =	vld [tilespmem:$0x8330];
	_ =	sdelay $0x4  }
0x1d5: {  	v59 =	vshll.u32 v3, $0x2  }
0x1d6: {  	v3 =	vand.u32 $0x7, v3;
	v4 =	vand.u32 $0xFFFFFFE0, v59  }
0x1d7: {  	v3 =	vor.u32 v3, v4  }
0x1d8: {  	v4 =	vperm.xlane v3, v0;
	_ =	sdelay $0x1  }
0x1d9: {  	v4 =	vadd.s32 v1, v4;
	_ =	sdelay $0x1  }
0x1da: {  	v3 =	vperm.xlane v3, v2;
	_ =	sdelay $0x1  }
0x1db: {  	v3 =	vadd.s32 v1, v3  }
0x1dc: {  	[hbm4b:s3+s2] =	stream.indirect_vreg.scatter [tilespmem:s28], [sflag:$0x2], $0x80, v4, vm0, $0xb8;
	[tilespmem:$0x8400] =	vst v63  }
0x1dd: {  	_ = 	snop  }
0x1de: {  	[hbm4b:s4+s2] =	stream.indirect_vreg.scatter [tilespmem:s29], [sflag:$0x2], $0x80, v4, vm0, $0xb8;
	[tilespmem:$0x8400] =	vst v63  }
0x1df: {  	_ = 	snop  }
0x1e0: {  	[hbm4b:s3+s2] =	stream.indirect_vreg.scatter [tilespmem:s30], [sflag:$0x2], $0x80, v3, vm0, $0xb8;
	[tilespmem:$0x8400] =	vst v63  }
0x1e1: {  	_ = 	snop  }
0x1e2: {  	[hbm4b:s4+s2] =	stream.indirect_vreg.scatter [tilespmem:s31], [sflag:$0x2], $0x80, v3, vm0, $0xb8;
	[tilespmem:$0x8400] =	vst v63  }
0x1e3: {  	_ =	swait.ge [sflag:s15], $0x40  }
0x1e4: {  	[sflag:s15] =	ssyncset.done $0x0  }
0x1e5: {  	[sflag:s15] =	ssyncadd.s32 $0xFFFFFFC0  }
0x1e6: {  	v3 =	vld [tilespmem:$0x8380];
	_ =	sdelay $0x4  }
0x1e7: {  	v60 =	vshll.u32 v3, $0x2  }
0x1e8: {  	v3 =	vand.u32 $0x7, v3;
	v4 =	vand.u32 $0xFFFFFFE0, v60  }
0x1e9: {  	v3 =	vor.u32 v3, v4  }
0x1ea: {  	v4 =	vperm.xlane v3, v0;
	_ =	sdelay $0x1  }
0x1eb: {  	v4 =	vadd.s32 v1, v4;
	_ =	sdelay $0x1  }
0x1ec: {  	v3 =	vperm.xlane v3, v2;
	_ =	sdelay $0x1  }
0x1ed: {  	v3 =	vadd.s32 v1, v3  }
0x1ee: {  	[hbm4b:s3+s2] =	stream.indirect_vreg.scatter [tilespmem:s2], [sflag:$0x2], $0x80, v4, vm0, $0xb8;
	[tilespmem:$0x8400] =	vst v63  }
0x1ef: {  	_ = 	snop  }
0x1f0: {  	[hbm4b:s4+s2] =	stream.indirect_vreg.scatter [tilespmem:s16], [sflag:$0x2], $0x80, v4, vm0, $0xb8;
	[tilespmem:$0x8400] =	vst v63  }
0x1f1: {  	_ = 	snop  }
0x1f2: {  	[hbm4b:s3+s2] =	stream.indirect_vreg.scatter [tilespmem:s17], [sflag:$0x2], $0x80, v3, vm0, $0xb8;
	[tilespmem:$0x8400] =	vst v63  }
0x1f3: {  	_ = 	snop  }
0x1f4: {  	[hbm4b:s4+s2] =	stream.indirect_vreg.scatter [tilespmem:s18], [sflag:$0x2], $0x80, v3, vm0, $0xb8;
	[tilespmem:$0x8400] =	vst v63  }
0x1f5: {  	v3 =	vld [tilespmem:$0x8390];
	_ =	sdelay $0x4  }
0x1f6: {  	v61 =	vshll.u32 v3, $0x2  }
0x1f7: {  	v3 =	vand.u32 $0x7, v3;
	v4 =	vand.u32 $0xFFFFFFE0, v61  }
0x1f8: {  	v3 =	vor.u32 v3, v4  }
0x1f9: {  	v4 =	vperm.xlane v3, v0;
	_ =	sdelay $0x1  }
0x1fa: {  	v4 =	vadd.s32 v1, v4;
	_ =	sdelay $0x1  }
0x1fb: {  	v3 =	vperm.xlane v3, v2;
	_ =	sdelay $0x1  }
0x1fc: {  	v3 =	vadd.s32 v1, v3  }
0x1fd: {  	[hbm4b:s3+s2] =	stream.indirect_vreg.scatter [tilespmem:s19], [sflag:$0x2], $0x80, v4, vm0, $0xb8;
	[tilespmem:$0x8400] =	vst v63  }
0x1fe: {  	_ = 	snop  }
0x1ff: {  	[hbm4b:s4+s2] =	stream.indirect_vreg.scatter [tilespmem:s20], [sflag:$0x2], $0x80, v4, vm0, $0xb8;
	[tilespmem:$0x8400] =	vst v63  }
0x200: {  	_ = 	snop  }
0x201: {  	[hbm4b:s3+s2] =	stream.indirect_vreg.scatter [tilespmem:s21], [sflag:$0x2], $0x80, v3, vm0, $0xb8;
	[tilespmem:$0x8400] =	vst v63  }
0x202: {  	_ = 	snop  }
0x203: {  	[hbm4b:s4+s2] =	stream.indirect_vreg.scatter [tilespmem:s22], [sflag:$0x2], $0x80, v3, vm0, $0xb8;
	[tilespmem:$0x8400] =	vst v63  }
0x204: {  	v3 =	vld [tilespmem:$0x83A0];
	_ =	sdelay $0x4  }
0x205: {  	v62 =	vshll.u32 v3, $0x2  }
0x206: {  	v3 =	vand.u32 $0x7, v3;
	v4 =	vand.u32 $0xFFFFFFE0, v62  }
0x207: {  	v3 =	vor.u32 v3, v4  }
0x208: {  	v4 =	vperm.xlane v3, v0;
	_ =	sdelay $0x1  }
0x209: {  	v4 =	vadd.s32 v1, v4;
	_ =	sdelay $0x1  }
0x20a: {  	v3 =	vperm.xlane v3, v2;
	_ =	sdelay $0x1  }
0x20b: {  	v3 =	vadd.s32 v1, v3  }
0x20c: {  	[hbm4b:s3+s2] =	stream.indirect_vreg.scatter [tilespmem:s23], [sflag:$0x2], $0x80, v4, vm0, $0xb8;
	[tilespmem:$0x8400] =	vst v63  }
0x20d: {  	_ = 	snop  }
0x20e: {  	[hbm4b:s4+s2] =	stream.indirect_vreg.scatter [tilespmem:s24], [sflag:$0x2], $0x80, v4, vm0, $0xb8;
	[tilespmem:$0x8400] =	vst v63  }
0x20f: {  	_ = 	snop  }
0x210: {  	[hbm4b:s3+s2] =	stream.indirect_vreg.scatter [tilespmem:s25], [sflag:$0x2], $0x80, v3, vm0, $0xb8;
	[tilespmem:$0x8400] =	vst v63  }
0x211: {  	_ = 	snop  }
0x212: {  	[hbm4b:s4+s2] =	stream.indirect_vreg.scatter [tilespmem:s26], [sflag:$0x2], $0x80, v3, vm0, $0xb8;
	[tilespmem:$0x8400] =	vst v63  }
0x213: {  	v3 =	vld [tilespmem:$0x83B0];
	_ =	sdelay $0x4  }
0x214: {  	v63 =	vshll.u32 v3, $0x2  }
0x215: {  	v3 =	vand.u32 $0x7, v3;
	v4 =	vand.u32 $0xFFFFFFE0, v63  }
0x216: {  	v3 =	vor.u32 v3, v4  }
0x217: {  	v4 =	vperm.xlane v3, v0;
	_ =	sdelay $0x1  }
0x218: {  	v4 =	vadd.s32 v1, v4;
	_ =	sdelay $0x1  }
0x219: {  	v3 =	vperm.xlane v3, v2;
	_ =	sdelay $0x1  }
0x21a: {  	v3 =	vadd.s32 v1, v3  }
0x21b: {  	[hbm4b:s3+s2] =	stream.indirect_vreg.scatter [tilespmem:s28], [sflag:$0x2], $0x80, v4, vm0, $0xb8;
	[tilespmem:$0x8400] =	vst v63  }
0x21c: {  	_ = 	snop  }
0x21d: {  	[hbm4b:s4+s2] =	stream.indirect_vreg.scatter [tilespmem:s29], [sflag:$0x2], $0x80, v4, vm0, $0xb8;
	[tilespmem:$0x8400] =	vst v63  }
0x21e: {  	_ = 	snop  }
0x21f: {  	[hbm4b:s3+s2] =	stream.indirect_vreg.scatter [tilespmem:s30], [sflag:$0x2], $0x80, v3, vm0, $0xb8;
	[tilespmem:$0x8400] =	vst v63  }
0x220: {  	_ = 	snop  }
0x221: {  	[hbm4b:s4+s2] =	stream.indirect_vreg.scatter [tilespmem:s31], [sflag:$0x2], $0x80, v3, vm0, $0xb8;
	[tilespmem:$0x8400] =	vst v63  }
0x222: {  	_ =	swait.ge [sflag:s1], $0x8000  }
0x223: {  	[sflag:s1] =	ssyncset.done $0x0  }
0x224: {  	[sflag:s1] =	ssyncadd.s32 $0xFFFF8000  }
0x225: {  	_ =	swait.ge [sflag:s1], $0x8000  }
0x226: {  	[sflag:s1] =	ssyncset.done $0x0  }
0x227: {  	[sflag:s1] =	ssyncadd.s32 $0xFFFF8000  }
0x228: {  	_ =	swait.ge [sflag:s1], $0x8000  }
0x229: {  	[sflag:s1] =	ssyncset.done $0x0  }
0x22a: {  	[sflag:s1] =	ssyncadd.s32 $0xFFFF8000  }
0x22b: {  	_ =	swait.ge [sflag:s1], $0x8000  }
0x22c: {  	[sflag:s1] =	ssyncset.done $0x0  }
0x22d: {  	[sflag:s1] =	ssyncadd.s32 $0xFFFF8000  }
0x22e: {  	_ =	swait.ge [sflag:s1], $0x8000  }
0x22f: {  	[sflag:s1] =	ssyncset.done $0x0  }
0x230: {  	[sflag:s1] =	ssyncadd.s32 $0xFFFF8000  }
0x231: {  	_ =	swait.ge [sflag:s1], $0x8000  }
0x232: {  	[sflag:s1] =	ssyncset.done $0x0  }
0x233: {  	[sflag:s1] =	ssyncadd.s32 $0xFFFF8000  }
0x234: {  	p0 =	sne.s32 s5, $0x1;
	_ =	swait.ge [sflag:s1], $0x8000  }
.Ltmp0:
0x235: {  	[sflag:s1] =	ssyncset.done $0x0;
	(pc) =	sbr.rel @p0 .LBB2_1-.Ltmp0, $4  }
0x236: {  	[sflag:s1] =	ssyncadd.s32 $0xFFFF8000  }
0x237: {  	_ =	swait.ge [sflag:s1], $0x8000  }
0x238: {  	[sflag:s1] =	ssyncset.done $0x0  }
0x239: {  	s5 =	sadd.s32 $0xFFFFFFFF, s5;
	[sflag:s1] =	ssyncadd.s32 $0xFFFF8000  }
0x23a: {  	_ =	sfence.sel $0x180000  }
0x23b: {  	[bflag:$0x0] =	sbarrier.arrive $0xFFFF  }
0x23c: {  	_ =	strace $0x90000047  }
0x23d: {  	s0 =	stileid.u32;
	[bflag:$0x2] =	sbarrier.arrive $0xFFFF  }
0x23e: {  	p0 =	sne.s32 s0, $0x0;
	s0 =	rddreg [dreg:$0x2]  }
0x23f: {  	s0 =	sadd.s32 @!p0 $0x100000, s0  }
0x240: {  	[sflag:s0] =	ssyncadd.tile.s32 @!p0 $0x1;
	_ =	shalt  }
.Lfunc_end2:
_tile_overlayer_lowered:
.L_overlay_start_2:
0x241: {  	(tag) =	ssettag $0x2  }
0x242: {  	s0 =	rddreg [dreg:$0x0];
	s2 =	stileid.u32  }
0x243: {  	s1 =	rddreg [dreg:$0x1];
	p0 =	sne.s32 s2, $0x0  }
0x244: {  	s3 =	rddreg [dreg:$0x2];
	[bflag:$0x3] =	sbarrier.arrive $0xFFFF;
	s2 =	simm.s32 @!p0 $0x1C03  }
0x245: {  	[timem:s3], [sflag:s2] =	dma.local @!p0 [hbm:s0], s1  }
0x246: {  	s0 =	simm.s32 @!p0 $0x3  }
0x247: {  	_ =	swait.ge @!p0 [sflag:s0], s1  }
0x248: {  	s1 =	ssub.s32 @!p0 $0x0, s1;
	[sflag:s0] =	ssyncset.done @!p0 $0x0  }
0x249: {  	[sflag:s0] =	ssyncadd.s32 @!p0 s1  }
0x24a: {  	[bflag:$0x3] =	sbarrier.arrive $0xFFFF  }
0x24b: {  	_ =	shalt  }

</sc_bundles>
